<compile_context>
chip_gen: v7x
topology: tpu7x:2x2x1
jax: 0.10.2.dev20260603
libtpu: 0.0.44.dev20260713+nightly
codegen_flags: <defaults>
</compile_context>

<pallas_src>
import functools

import jax
import jax.numpy as jnp
from jax import lax
from jax.experimental import pallas as pl
from jax.experimental.pallas import tpu as pltpu
from jax.experimental.pallas import tpu_sc as plsc

N_IN = 10000
N_OUT = 10000
E = 320000
C = 128
DW = 144
NC = 2
NS = 16
NW = NC * NS
CHUNK = 48
RPT0 = 264
RPT1 = 156
RPTMAX = max(RPT0, RPT1)
ROWS_PAD = NS * (RPT0 + RPT1)
E_PAD = ROWS_PAD * CHUNK
N_TAB = N_IN + 16
ZSRC = N_IN
ACC_ROWS = N_OUT
ZPT = N_OUT // NS


def _prep_body(x_ref, w_ref, b_ref, attn_ref, alpha_ref, out_ref):
    xb = x_ref[...]
    wxT = lax.dot_general(xb, w_ref[...], (((0,), (1,)), ((), ())),
                          preferred_element_type=jnp.float32)
    wxT = wxT + b_ref[...]
    a = jnp.dot(wxT, attn_ref[...],
                preferred_element_type=jnp.float32)
    alpha = alpha_ref[...]
    g = jnp.exp(jnp.where(a >= 0.0, a, alpha * a))
    out_ref[0:N_IN, 0:C] = wxT * g
    lane = lax.broadcasted_iota(jnp.int32, (N_IN, DW - C), 1)
    out_ref[0:N_IN, C:DW] = jnp.where(lane == 0, g, 0.0)
    out_ref[N_IN:N_TAB, :] = jnp.zeros((N_TAB - N_IN, DW), jnp.float32)


def _prep(x, W, b, attn_w, prelu_alpha):
    return pl.pallas_call(
        _prep_body,
        out_shape=jax.ShapeDtypeStruct((N_TAB, DW), jnp.float32),
    )(x, W, b.reshape(1, C), attn_w.reshape(C, 1),
      jnp.reshape(prelu_alpha, (1, 1)))


@functools.partial(
    pl.kernel,
    mesh=plsc.VectorSubcoreMesh(core_axis_name="c", subcore_axis_name="s"),
    out_type=jax.ShapeDtypeStruct((NC, N_OUT, DW), jnp.float32),
    compiler_params=pltpu.CompilerParams(use_tc_tiling_on_sc=False),
    scratch_types=[
        pltpu.VMEM((RPTMAX * CHUNK,), jnp.int32),
        pltpu.VMEM((6, CHUNK), jnp.int32),
        pltpu.VMEM((6, CHUNK), jnp.int32),
        pltpu.VMEM((3, CHUNK, DW), jnp.float32),
        pltpu.VMEM_SHARED((ACC_ROWS, DW), jnp.float32),
        [pltpu.SemaphoreType.DMA] * 3,
        [pltpu.SemaphoreType.DMA] * 3,
    ],
)
def _sc_scatter(pk_hbm, h_hbm, z_hbm, out_hbm,
                pk_v, src_v, tgt_v, rows_v, acc, sem_g, sem_s):
    c = lax.axis_index("c")
    s = lax.axis_index("s")
    rpt = jnp.where(c == 0, RPT0, RPT1)

    @pl.when(c == 0)
    def _():
        pltpu.sync_copy(pk_hbm.at[pl.ds(s * (RPT0 * CHUNK), RPT0 * CHUNK)],
                        pk_v.at[pl.ds(0, RPT0 * CHUNK)])

    @pl.when(c == 1)
    def _():
        pltpu.sync_copy(
            pk_hbm.at[pl.ds((NS * RPT0 + s * RPT1) * CHUNK, RPT1 * CHUNK)],
            pk_v.at[pl.ds(0, RPT1 * CHUNK)])

    pltpu.sync_copy(z_hbm, acc.at[pl.ds(s * ZPT, ZPT)])
    plsc.subcore_barrier()

    def unpack(r, u):
        for q in range(CHUNK // 16):
            pk = pk_v[pl.ds(r * CHUNK + q * 16, 16)]
            src_v[u, pl.ds(q * 16, 16)] = pk & 0xFFFF
            tgt_v[u, pl.ds(q * 16, 16)] = lax.shift_right_logical(pk, 16)

    unpack(0, 0)
    pltpu.async_copy(h_hbm.at[src_v.at[0]], rows_v.at[0], sem_g[0])
    unpack(1, 1)
    pltpu.async_copy(h_hbm.at[src_v.at[1]], rows_v.at[1], sem_g[1])
    unpack(2, 2)
    unpack(3, 3)

    def step(r, k):
        b = k % 3
        u2 = (k + 2) % 6
        u4 = (k + 4) % 6

        @pl.when(r + 4 < rpt)
        def _():
            unpack(r + 4, u4)

        pltpu.make_async_copy(h_hbm.at[src_v.at[k]], rows_v.at[b],
                              sem_g[b]).wait()
        pltpu.async_copy(rows_v.at[b], acc.at[tgt_v.at[k]], sem_s[b],
                         add=True)
        b2 = (b + 2) % 3
        u5 = (k + 5) % 6

        @pl.when(r >= 1)
        def _():
            pltpu.make_async_copy(rows_v.at[b2], acc.at[tgt_v.at[u5]],
                                  sem_s[b2]).wait()

        @pl.when(r + 2 < rpt)
        def _():
            pltpu.async_copy(h_hbm.at[src_v.at[u2]], rows_v.at[b2],
                             sem_g[b2])

    def body(i, carry):
        r0 = 6 * i
        for k in range(6):
            step(r0 + k, k)
        return carry

    lax.fori_loop(0, rpt // 6, body, 0)
    pltpu.make_async_copy(rows_v.at[2], acc.at[tgt_v.at[5]],
                          sem_s[2]).wait()
    plsc.subcore_barrier()
    pltpu.sync_copy(acc.at[pl.ds(s * ZPT, ZPT)],
                    out_hbm.at[c, pl.ds(s * ZPT, ZPT)])


def _fin_body(p_ref, out_ref):
    t = p_ref[0, :, :] + p_ref[1, :, :]
    num = t[:, 0:C]
    den = t[:, C:C + 1]
    den = jnp.where(den == 0.0, 1.0, den)
    out_ref[...] = (num / den).T


def _fin(partials):
    return pl.pallas_call(
        _fin_body,
        out_shape=jax.ShapeDtypeStruct((C, N_OUT), jnp.float32),
    )(partials)


def kernel(x, W, b, attn_w, prelu_alpha, edges):
    e = edges.astype(jnp.int32)
    tgt = e[:, 0]
    src = e[:, 1]
    pad = E_PAD - E
    packed = tgt * 65536 + src
    pk = jnp.concatenate([packed, jnp.full((pad,), ZSRC, jnp.int32)])
    haug = _prep(x, W, b, attn_w, prelu_alpha)
    zeros = jnp.zeros((ZPT, DW), jnp.float32)
    partials = _sc_scatter(pk, haug, zeros)
    return _fin(partials)

# --- scband reference (transcript-rebuilt; emitter-appended) ---
"""Pipeline reference for scband-bipartite-remap-77189152244014 (READ-ONLY COPY).

The authoritative reference and input builder live on the scoring server;
editing this copy changes nothing except your own understanding.
"""

import jax, jax.numpy as jnp
import numpy as np

N_IN = 10000
N_OUT = 10000
E = 320000
IN_C = 128
OUT_C = 128


def setup_inputs(seed: int = 0) -> dict:
    key = jax.random.key(seed)
    k1, k2, k3, k4, k5 = jax.random.split(key, 5)
    # forward input: x has shape (in_channels, n_in_nodes) since forward does x.T
    x = jax.random.normal(k1, (IN_C, N_IN), dtype=jnp.float32)
    # edges: column 0 = target node, column 1 = source node
    edges = jax.random.randint(k2, (E, 2), 0, N_OUT, dtype=jnp.int64)
    # ensure n_out_nodes = N_OUT deterministically
    edges = edges.at[-1, 0].set(N_OUT - 1)
    # learned parameters (equinox Linear: W (out,in), bias (out,))
    lim = 1.0 / np.sqrt(IN_C)
    W = jax.random.uniform(k3, (OUT_C, IN_C), minval=-lim, maxval=lim, dtype=jnp.float32)
    b = jax.random.uniform(k4, (OUT_C,), minval=-lim, maxval=lim, dtype=jnp.float32)
    # attention weights as in __init__
    attn_w = jax.random.normal(k5, (OUT_C,), dtype=jnp.float32) * jnp.sqrt(2.0 / (OUT_C + 1))
    # PReLU learnable alpha (eqx.nn.PReLU default init 0.25)
    prelu_alpha = jnp.asarray(0.25, dtype=jnp.float32)
    return {"x": x, "W": W, "b": b, "attn_w": attn_w, "prelu_alpha": prelu_alpha, "edges": edges}


def reference(x, W, b, attn_w, prelu_alpha, edges):
    n_out = N_OUT
    xt = x.T                                   # (N_IN, IN_C)
    Wx = xt @ W.T + b                          # vmap(linear) over rows -> (N_IN, OUT_C)
    tgt = edges[:, 0]
    src = edges[:, 1]
    Wxj = Wx[src]                              # gather: (E, OUT_C)
    a = Wxj @ attn_w                           # einsum('ef,f->e')
    pa = jnp.where(a >= 0, a, prelu_alpha * a) # PReLU
    expa = jnp.exp(pa)[:, None]                # (E, 1)
    num = jax.ops.segment_sum(expa * Wxj, tgt, num_segments=n_out)
    den = jax.ops.segment_sum(expa, tgt, num_segments=n_out)
    EWx = num / jnp.where(den == 0.0, 1.0, den)
    return EWx.T                               # (OUT_C, n_out)

if __name__ == "__main__":
    import jax
    _d = setup_inputs()
    print(jax.jit(kernel)(*tuple(_d.values())))

</pallas_src>

<mosaic_0001>
#map = affine_map<(d0, d1) -> (0)>
#map1 = affine_map<(d0, d1) -> (0, 0)>
#map2 = affine_map<(d0, d1) -> (0, 0, 0)>
module attributes {stable_mosaic.version = 14 : i64} {
  func.func @_sc_scatter(%arg0: i32, %arg1: i32, %arg2: memref<322560xi32, #tpu.memory_space<hbm>>, %arg3: memref<10016x144xf32, #tpu.memory_space<hbm>>, %arg4: memref<625x144xf32, #tpu.memory_space<hbm>>, %arg5: memref<2x10000x144xf32, #tpu.memory_space<hbm>>, %arg6: memref<12672xi32, #tpu.memory_space<vmem>>, %arg7: memref<6x48xi32, #tpu.memory_space<vmem>>, %arg8: memref<6x48xi32, #tpu.memory_space<vmem>>, %arg9: memref<3x48x144xf32, #tpu.memory_space<vmem>>, %arg10: memref<10000x144xf32, #tpu.memory_space<vmem_shared>>, %arg11: memref<!tpu.dma_semaphore, #tpu.memory_space<semaphore_mem>>, %arg12: memref<!tpu.dma_semaphore, #tpu.memory_space<semaphore_mem>>, %arg13: memref<!tpu.dma_semaphore, #tpu.memory_space<semaphore_mem>>, %arg14: memref<!tpu.dma_semaphore, #tpu.memory_space<semaphore_mem>>, %arg15: memref<!tpu.dma_semaphore, #tpu.memory_space<semaphore_mem>>, %arg16: memref<!tpu.dma_semaphore, #tpu.memory_space<semaphore_mem>>) attributes {dimension_semantics = [#tpu.dimension_semantics<core_parallel>, #tpu.dimension_semantics<subcore_parallel>], iteration_bounds = array<i64: 2, 16>, scalar_prefetch = 0 : i64, scratch_operands = 11 : i64, tpu.core_type = #tpu.core_type<sc_vector_subcore>, window_params = [{transform_indices = #map}, {transform_indices = #map1}, {transform_indices = #map1}, {transform_indices = #map2}]} {
    %eq3A = arith.constant 0 : i32
    %eq3A_0 = arith.cmpi eq, %arg0, %eq3A : i32
    %jit3A = arith.constant 264 : i32
    %jit3A_1 = arith.constant 156 : i32
    %select_n3A = arith.select %eq3A_0, %jit3A, %jit3A_1 : i32
    %eq3A_2 = arith.constant 0 : i32
    %eq3A_3 = arith.cmpi eq, %arg0, %eq3A_2 : i32
    %convert_element_type3A = arith.extui %eq3A_3 : i1 to i32
    %cond3A = arith.constant 0 : i32
    %cond3A_4 = arith.cmpi ne, %convert_element_type3A, %cond3A : i32
    scf.if %cond3A_4 {
      %mul3A_326 = arith.constant 12672 : i32
      %mul3A_327 = arith.muli %arg1, %mul3A_326 : i32
      "tpu.region"() ({
        %run_scoped3A = tpu.sem_alloc : memref<!tpu.dma_semaphore, #tpu.memory_space<semaphore_mem>>
        %dma_start3A_328 = arith.constant 0 : i32
        %dma_start3A_329 = tpu.memref_slice %arg6[%dma_start3A_328] : memref<12672xi32, #tpu.memory_space<vmem>> -> memref<12672xi32, #tpu.memory_space<vmem>>
        %dma_start3A_330 = tpu.memref_slice %arg2[%mul3A_327] : memref<322560xi32, #tpu.memory_space<hbm>> -> memref<12672xi32, #tpu.memory_space<hbm>>
        %dma_start3A_331 = arith.constant 0 : i32
        %dma_start3A_332 = tpu.memref_slice %arg6[%dma_start3A_331] : memref<12672xi32, #tpu.memory_space<vmem>> -> memref<12672xi32, #tpu.memory_space<vmem>>
        %dma_start3A_333 = tpu.memref_slice %arg2[%mul3A_327] : memref<322560xi32, #tpu.memory_space<hbm>> -> memref<12672xi32, #tpu.memory_space<hbm>>
        tpu.enqueue_dma source(%dma_start3A_333 : memref<12672xi32, #tpu.memory_space<hbm>>) target(%dma_start3A_332 : memref<12672xi32, #tpu.memory_space<vmem>>) target_semaphore(%run_scoped3A : memref<!tpu.dma_semaphore, #tpu.memory_space<semaphore_mem>>)
        %dma_wait3A_334 = arith.constant 0 : i32
        %dma_wait3A_335 = tpu.memref_slice %arg6[%dma_wait3A_334] : memref<12672xi32, #tpu.memory_space<vmem>> -> memref<12672xi32, #tpu.memory_space<vmem>>
        %dma_wait3A_336 = tpu.memref_slice %arg2[%mul3A_327] : memref<322560xi32, #tpu.memory_space<hbm>> -> memref<12672xi32, #tpu.memory_space<hbm>>
        %dma_wait3A_337 = arith.constant 0 : i32
        %dma_wait3A_338 = tpu.memref_slice %arg6[%dma_wait3A_337] : memref<12672xi32, #tpu.memory_space<vmem>> -> memref<12672xi32, #tpu.memory_space<vmem>>
        %dma_wait3A_339 = tpu.memref_slice %arg2[%mul3A_327] : memref<322560xi32, #tpu.memory_space<hbm>> -> memref<12672xi32, #tpu.memory_space<hbm>>
        tpu.wait_dma2 semaphore(%run_scoped3A : memref<!tpu.dma_semaphore, #tpu.memory_space<semaphore_mem>>) src(%dma_wait3A_339 : memref<12672xi32, #tpu.memory_space<hbm>>) dst(%dma_wait3A_338 : memref<12672xi32, #tpu.memory_space<vmem>>)
        tpu.yield
      }) : () -> ()
    } else {
    }
    %eq3A_5 = arith.constant 1 : i32
    %eq3A_6 = arith.cmpi eq, %arg0, %eq3A_5 : i32
    %convert_element_type3A_7 = arith.extui %eq3A_6 : i1 to i32
    %cond3A_8 = arith.constant 0 : i32
    %cond3A_9 = arith.cmpi ne, %convert_element_type3A_7, %cond3A_8 : i32
    scf.if %cond3A_9 {
      %mul3A_326 = arith.constant 156 : i32
      %mul3A_327 = arith.muli %arg1, %mul3A_326 : i32
      %add3A = arith.constant 4224 : i32
      %add3A_328 = arith.addi %add3A, %mul3A_327 : i32
      %mul3A_329 = arith.constant 48 : i32
      %mul3A_330 = arith.muli %add3A_328, %mul3A_329 : i32
      "tpu.region"() ({
        %run_scoped3A = tpu.sem_alloc : memref<!tpu.dma_semaphore, #tpu.memory_space<semaphore_mem>>
        %dma_start3A_331 = arith.constant 0 : i32
        %dma_start3A_332 = tpu.memref_slice %arg6[%dma_start3A_331] : memref<12672xi32, #tpu.memory_space<vmem>> -> memref<7488xi32, #tpu.memory_space<vmem>>
        %dma_start3A_333 = tpu.memref_slice %arg2[%mul3A_330] : memref<322560xi32, #tpu.memory_space<hbm>> -> memref<7488xi32, #tpu.memory_space<hbm>>
        %dma_start3A_334 = arith.constant 0 : i32
        %dma_start3A_335 = tpu.memref_slice %arg6[%dma_start3A_334] : memref<12672xi32, #tpu.memory_space<vmem>> -> memref<7488xi32, #tpu.memory_space<vmem>>
        %dma_start3A_336 = tpu.memref_slice %arg2[%mul3A_330] : memref<322560xi32, #tpu.memory_space<hbm>> -> memref<7488xi32, #tpu.memory_space<hbm>>
        tpu.enqueue_dma source(%dma_start3A_336 : memref<7488xi32, #tpu.memory_space<hbm>>) target(%dma_start3A_335 : memref<7488xi32, #tpu.memory_space<vmem>>) target_semaphore(%run_scoped3A : memref<!tpu.dma_semaphore, #tpu.memory_space<semaphore_mem>>)
        %dma_wait3A_337 = arith.constant 0 : i32
        %dma_wait3A_338 = tpu.memref_slice %arg6[%dma_wait3A_337] : memref<12672xi32, #tpu.memory_space<vmem>> -> memref<7488xi32, #tpu.memory_space<vmem>>
        %dma_wait3A_339 = tpu.memref_slice %arg2[%mul3A_330] : memref<322560xi32, #tpu.memory_space<hbm>> -> memref<7488xi32, #tpu.memory_space<hbm>>
        %dma_wait3A_340 = arith.constant 0 : i32
        %dma_wait3A_341 = tpu.memref_slice %arg6[%dma_wait3A_340] : memref<12672xi32, #tpu.memory_space<vmem>> -> memref<7488xi32, #tpu.memory_space<vmem>>
        %dma_wait3A_342 = tpu.memref_slice %arg2[%mul3A_330] : memref<322560xi32, #tpu.memory_space<hbm>> -> memref<7488xi32, #tpu.memory_space<hbm>>
        tpu.wait_dma2 semaphore(%run_scoped3A : memref<!tpu.dma_semaphore, #tpu.memory_space<semaphore_mem>>) src(%dma_wait3A_342 : memref<7488xi32, #tpu.memory_space<hbm>>) dst(%dma_wait3A_341 : memref<7488xi32, #tpu.memory_space<vmem>>)
        tpu.yield
      }) : () -> ()
    } else {
    }
    %mul3A = arith.constant 625 : i32
    %mul3A_10 = arith.muli %arg1, %mul3A : i32
    "tpu.region"() ({
      %run_scoped3A = tpu.sem_alloc : memref<!tpu.dma_semaphore, #tpu.memory_space<semaphore_mem>>
      %dma_start3A_326 = arith.constant 0 : i32
      %dma_start3A_327 = tpu.memref_slice %arg10[%mul3A_10, %dma_start3A_326] : memref<10000x144xf32, #tpu.memory_space<vmem_shared>> -> memref<625x144xf32, #tpu.memory_space<vmem_shared>>
      tpu.enqueue_dma source(%arg4 : memref<625x144xf32, #tpu.memory_space<hbm>>) target(%dma_start3A_327 : memref<625x144xf32, #tpu.memory_space<vmem_shared>>) target_semaphore(%run_scoped3A : memref<!tpu.dma_semaphore, #tpu.memory_space<semaphore_mem>>)
      %dma_wait3A_328 = arith.constant 0 : i32
      %dma_wait3A_329 = tpu.memref_slice %arg10[%mul3A_10, %dma_wait3A_328] : memref<10000x144xf32, #tpu.memory_space<vmem_shared>> -> memref<625x144xf32, #tpu.memory_space<vmem_shared>>
      tpu.wait_dma2 semaphore(%run_scoped3A : memref<!tpu.dma_semaphore, #tpu.memory_space<semaphore_mem>>) src(%arg4 : memref<625x144xf32, #tpu.memory_space<hbm>>) dst(%dma_wait3A_329 : memref<625x144xf32, #tpu.memory_space<vmem_shared>>)
      tpu.yield
    }) : () -> ()
    %barrier3A = arith.constant 0 : index
    tpu.barrier barrier_id(%barrier3A)
    %get3A = arith.constant 0 : index
    %get3A_11 = tpu.vector_load %arg6[%get3A] {strides = array<i32>} : memref<12672xi32, #tpu.memory_space<vmem>>, vector<16xi32>,
    %get3A_12 = vector.shape_cast %get3A_11 : vector<16xi32> to vector<16xi32>
    %and3A = arith.constant 65535 : i32
    %and3A_13 = vector.broadcast %and3A : i32 to vector<16xi32>
    %and3A_14 = arith.andi %get3A_12, %and3A_13 : vector<16xi32>
    %swap3A = arith.constant 0 : i32
    %swap3A_15 = arith.index_cast %swap3A : i32 to index
    %swap3A_16 = arith.constant 0 : index
    %swap3A_17 = tpu.vector_load %arg7[%swap3A_15, %swap3A_16] {strides = array<i32>} : memref<6x48xi32, #tpu.memory_space<vmem>>, vector<1x16xi32>,
    %swap3A_18 = vector.shape_cast %swap3A_17 : vector<1x16xi32> to vector<16xi32>
    %swap3A_19 = vector.shape_cast %and3A_14 : vector<16xi32> to vector<1x16xi32>
    tpu.vector_store %arg7[%swap3A_15, %swap3A_16], %swap3A_19 {strides = array<i32>} : memref<6x48xi32, #tpu.memory_space<vmem>>, vector<1x16xi32>,
    %shift_right_logical3A = arith.constant 16 : i32
    %shift_right_logical3A_20 = vector.broadcast %shift_right_logical3A : i32 to vector<16xi32>
    %shift_right_logical3A_21 = arith.shrui %get3A_12, %shift_right_logical3A_20 : vector<16xi32>
    %swap3A_22 = arith.constant 0 : i32
    %swap3A_23 = arith.index_cast %swap3A_22 : i32 to index
    %swap3A_24 = arith.constant 0 : index
    %swap3A_25 = tpu.vector_load %arg8[%swap3A_23, %swap3A_24] {strides = array<i32>} : memref<6x48xi32, #tpu.memory_space<vmem>>, vector<1x16xi32>,
    %swap3A_26 = vector.shape_cast %swap3A_25 : vector<1x16xi32> to vector<16xi32>
    %swap3A_27 = vector.shape_cast %shift_right_logical3A_21 : vector<16xi32> to vector<1x16xi32>
    tpu.vector_store %arg8[%swap3A_23, %swap3A_24], %swap3A_27 {strides = array<i32>} : memref<6x48xi32, #tpu.memory_space<vmem>>, vector<1x16xi32>,
    %get3A_28 = arith.constant 16 : index
    %get3A_29 = tpu.vector_load %arg6[%get3A_28] {strides = array<i32>} : memref<12672xi32, #tpu.memory_space<vmem>>, vector<16xi32>,
    %get3A_30 = vector.shape_cast %get3A_29 : vector<16xi32> to vector<16xi32>
    %and3A_31 = arith.constant 65535 : i32
    %and3A_32 = vector.broadcast %and3A_31 : i32 to vector<16xi32>
    %and3A_33 = arith.andi %get3A_30, %and3A_32 : vector<16xi32>
    %swap3A_34 = arith.constant 0 : i32
    %swap3A_35 = arith.index_cast %swap3A_34 : i32 to index
    %swap3A_36 = arith.constant 16 : index
    %swap3A_37 = tpu.vector_load %arg7[%swap3A_35, %swap3A_36] {strides = array<i32>} : memref<6x48xi32, #tpu.memory_space<vmem>>, vector<1x16xi32>,
    %swap3A_38 = vector.shape_cast %swap3A_37 : vector<1x16xi32> to vector<16xi32>
    %swap3A_39 = vector.shape_cast %and3A_33 : vector<16xi32> to vector<1x16xi32>
    tpu.vector_store %arg7[%swap3A_35, %swap3A_36], %swap3A_39 {strides = array<i32>} : memref<6x48xi32, #tpu.memory_space<vmem>>, vector<1x16xi32>,
    %shift_right_logical3A_40 = arith.constant 16 : i32
    %shift_right_logical3A_41 = vector.broadcast %shift_right_logical3A_40 : i32 to vector<16xi32>
    %shift_right_logical3A_42 = arith.shrui %get3A_30, %shift_right_logical3A_41 : vector<16xi32>
    %swap3A_43 = arith.constant 0 : i32
    %swap3A_44 = arith.index_cast %swap3A_43 : i32 to index
    %swap3A_45 = arith.constant 16 : index
    %swap3A_46 = tpu.vector_load %arg8[%swap3A_44, %swap3A_45] {strides = array<i32>} : memref<6x48xi32, #tpu.memory_space<vmem>>, vector<1x16xi32>,
    %swap3A_47 = vector.shape_cast %swap3A_46 : vector<1x16xi32> to vector<16xi32>
    %swap3A_48 = vector.shape_cast %shift_right_logical3A_42 : vector<16xi32> to vector<1x16xi32>
    tpu.vector_store %arg8[%swap3A_44, %swap3A_45], %swap3A_48 {strides = array<i32>} : memref<6x48xi32, #tpu.memory_space<vmem>>, vector<1x16xi32>,
    %get3A_49 = arith.constant 32 : index
    %get3A_50 = tpu.vector_load %arg6[%get3A_49] {strides = array<i32>} : memref<12672xi32, #tpu.memory_space<vmem>>, vector<16xi32>,
    %get3A_51 = vector.shape_cast %get3A_50 : vector<16xi32> to vector<16xi32>
    %and3A_52 = arith.constant 65535 : i32
    %and3A_53 = vector.broadcast %and3A_52 : i32 to vector<16xi32>
    %and3A_54 = arith.andi %get3A_51, %and3A_53 : vector<16xi32>
    %swap3A_55 = arith.constant 0 : i32
    %swap3A_56 = arith.index_cast %swap3A_55 : i32 to index
    %swap3A_57 = arith.constant 32 : index
    %swap3A_58 = tpu.vector_load %arg7[%swap3A_56, %swap3A_57] {strides = array<i32>} : memref<6x48xi32, #tpu.memory_space<vmem>>, vector<1x16xi32>,
    %swap3A_59 = vector.shape_cast %swap3A_58 : vector<1x16xi32> to vector<16xi32>
    %swap3A_60 = vector.shape_cast %and3A_54 : vector<16xi32> to vector<1x16xi32>
    tpu.vector_store %arg7[%swap3A_56, %swap3A_57], %swap3A_60 {strides = array<i32>} : memref<6x48xi32, #tpu.memory_space<vmem>>, vector<1x16xi32>,
    %shift_right_logical3A_61 = arith.constant 16 : i32
    %shift_right_logical3A_62 = vector.broadcast %shift_right_logical3A_61 : i32 to vector<16xi32>
    %shift_right_logical3A_63 = arith.shrui %get3A_51, %shift_right_logical3A_62 : vector<16xi32>
    %swap3A_64 = arith.constant 0 : i32
    %swap3A_65 = arith.index_cast %swap3A_64 : i32 to index
    %swap3A_66 = arith.constant 32 : index
    %swap3A_67 = tpu.vector_load %arg8[%swap3A_65, %swap3A_66] {strides = array<i32>} : memref<6x48xi32, #tpu.memory_space<vmem>>, vector<1x16xi32>,
    %swap3A_68 = vector.shape_cast %swap3A_67 : vector<1x16xi32> to vector<16xi32>
    %swap3A_69 = vector.shape_cast %shift_right_logical3A_63 : vector<16xi32> to vector<1x16xi32>
    tpu.vector_store %arg8[%swap3A_65, %swap3A_66], %swap3A_69 {strides = array<i32>} : memref<6x48xi32, #tpu.memory_space<vmem>>, vector<1x16xi32>,
    %dma_start3A = arith.constant 0 : i32
    %dma_start3A_70 = arith.constant 0 : i32
    %dma_start3A_71 = arith.constant 0 : i32
    %dma_start3A_72 = arith.constant 0 : i32
    %dma_start3A_73 = tpu.memref_slice %arg9[%dma_start3A_70, %dma_start3A_71, %dma_start3A_72] : memref<3x48x144xf32, #tpu.memory_space<vmem>> -> memref<1x48x144xf32, #tpu.memory_space<vmem>>
    %dma_start3A_74 = tpu.memref_squeeze %dma_start3A_73 : memref<1x48x144xf32, #tpu.memory_space<vmem>> -> memref<48x144xf32, #tpu.memory_space<vmem>>
    %dma_start3A_75 = arith.constant 0 : i32
    %dma_start3A_76 = tpu.memref_slice %arg7[%dma_start3A, %dma_start3A_75] : memref<6x48xi32, #tpu.memory_space<vmem>> -> memref<1x48xi32, #tpu.memory_space<vmem>>
    %dma_start3A_77 = tpu.memref_squeeze %dma_start3A_76 : memref<1x48xi32, #tpu.memory_space<vmem>> -> memref<48xi32, #tpu.memory_space<vmem>>
    %dma_start3A_78 = arith.constant 0 : i32
    %dma_start3A_79 = arith.constant 0 : i32
    %dma_start3A_80 = tpu.memref_slice %arg3[%dma_start3A_78, %dma_start3A_79] : memref<10016x144xf32, #tpu.memory_space<hbm>> -> memref<10016x144xf32, #tpu.memory_space<hbm>>
    tpu.enqueue_indirect_dma source(%dma_start3A_80 : memref<10016x144xf32, #tpu.memory_space<hbm>>) target(%dma_start3A_74 : memref<48x144xf32, #tpu.memory_space<vmem>>) offsets(%dma_start3A_77 : memref<48xi32, #tpu.memory_space<vmem>>) semaphore(%arg11 : memref<!tpu.dma_semaphore, #tpu.memory_space<semaphore_mem>>)
    %get3A_81 = arith.constant 48 : index
    %get3A_82 = tpu.vector_load %arg6[%get3A_81] {strides = array<i32>} : memref<12672xi32, #tpu.memory_space<vmem>>, vector<16xi32>,
    %get3A_83 = vector.shape_cast %get3A_82 : vector<16xi32> to vector<16xi32>
    %and3A_84 = arith.constant 65535 : i32
    %and3A_85 = vector.broadcast %and3A_84 : i32 to vector<16xi32>
    %and3A_86 = arith.andi %get3A_83, %and3A_85 : vector<16xi32>
    %swap3A_87 = arith.constant 1 : i32
    %swap3A_88 = arith.index_cast %swap3A_87 : i32 to index
    %swap3A_89 = arith.constant 0 : index
    %swap3A_90 = tpu.vector_load %arg7[%swap3A_88, %swap3A_89] {strides = array<i32>} : memref<6x48xi32, #tpu.memory_space<vmem>>, vector<1x16xi32>,
    %swap3A_91 = vector.shape_cast %swap3A_90 : vector<1x16xi32> to vector<16xi32>
    %swap3A_92 = vector.shape_cast %and3A_86 : vector<16xi32> to vector<1x16xi32>
    tpu.vector_store %arg7[%swap3A_88, %swap3A_89], %swap3A_92 {strides = array<i32>} : memref<6x48xi32, #tpu.memory_space<vmem>>, vector<1x16xi32>,
    %shift_right_logical3A_93 = arith.constant 16 : i32
    %shift_right_logical3A_94 = vector.broadcast %shift_right_logical3A_93 : i32 to vector<16xi32>
    %shift_right_logical3A_95 = arith.shrui %get3A_83, %shift_right_logical3A_94 : vector<16xi32>
    %swap3A_96 = arith.constant 1 : i32
    %swap3A_97 = arith.index_cast %swap3A_96 : i32 to index
    %swap3A_98 = arith.constant 0 : index
    %swap3A_99 = tpu.vector_load %arg8[%swap3A_97, %swap3A_98] {strides = array<i32>} : memref<6x48xi32, #tpu.memory_space<vmem>>, vector<1x16xi32>,
    %swap3A_100 = vector.shape_cast %swap3A_99 : vector<1x16xi32> to vector<16xi32>
    %swap3A_101 = vector.shape_cast %shift_right_logical3A_95 : vector<16xi32> to vector<1x16xi32>
    tpu.vector_store %arg8[%swap3A_97, %swap3A_98], %swap3A_101 {strides = array<i32>} : memref<6x48xi32, #tpu.memory_space<vmem>>, vector<1x16xi32>,
    %get3A_102 = arith.constant 64 : index
    %get3A_103 = tpu.vector_load %arg6[%get3A_102] {strides = array<i32>} : memref<12672xi32, #tpu.memory_space<vmem>>, vector<16xi32>,
    %get3A_104 = vector.shape_cast %get3A_103 : vector<16xi32> to vector<16xi32>
    %and3A_105 = arith.constant 65535 : i32
    %and3A_106 = vector.broadcast %and3A_105 : i32 to vector<16xi32>
    %and3A_107 = arith.andi %get3A_104, %and3A_106 : vector<16xi32>
    %swap3A_108 = arith.constant 1 : i32
    %swap3A_109 = arith.index_cast %swap3A_108 : i32 to index
    %swap3A_110 = arith.constant 16 : index
    %swap3A_111 = tpu.vector_load %arg7[%swap3A_109, %swap3A_110] {strides = array<i32>} : memref<6x48xi32, #tpu.memory_space<vmem>>, vector<1x16xi32>,
    %swap3A_112 = vector.shape_cast %swap3A_111 : vector<1x16xi32> to vector<16xi32>
    %swap3A_113 = vector.shape_cast %and3A_107 : vector<16xi32> to vector<1x16xi32>
    tpu.vector_store %arg7[%swap3A_109, %swap3A_110], %swap3A_113 {strides = array<i32>} : memref<6x48xi32, #tpu.memory_space<vmem>>, vector<1x16xi32>,
    %shift_right_logical3A_114 = arith.constant 16 : i32
    %shift_right_logical3A_115 = vector.broadcast %shift_right_logical3A_114 : i32 to vector<16xi32>
    %shift_right_logical3A_116 = arith.shrui %get3A_104, %shift_right_logical3A_115 : vector<16xi32>
    %swap3A_117 = arith.constant 1 : i32
    %swap3A_118 = arith.index_cast %swap3A_117 : i32 to index
    %swap3A_119 = arith.constant 16 : index
    %swap3A_120 = tpu.vector_load %arg8[%swap3A_118, %swap3A_119] {strides = array<i32>} : memref<6x48xi32, #tpu.memory_space<vmem>>, vector<1x16xi32>,
    %swap3A_121 = vector.shape_cast %swap3A_120 : vector<1x16xi32> to vector<16xi32>
    %swap3A_122 = vector.shape_cast %shift_right_logical3A_116 : vector<16xi32> to vector<1x16xi32>
    tpu.vector_store %arg8[%swap3A_118, %swap3A_119], %swap3A_122 {strides = array<i32>} : memref<6x48xi32, #tpu.memory_space<vmem>>, vector<1x16xi32>,
    %get3A_123 = arith.constant 80 : index
    %get3A_124 = tpu.vector_load %arg6[%get3A_123] {strides = array<i32>} : memref<12672xi32, #tpu.memory_space<vmem>>, vector<16xi32>,
    %get3A_125 = vector.shape_cast %get3A_124 : vector<16xi32> to vector<16xi32>
    %and3A_126 = arith.constant 65535 : i32
    %and3A_127 = vector.broadcast %and3A_126 : i32 to vector<16xi32>
    %and3A_128 = arith.andi %get3A_125, %and3A_127 : vector<16xi32>
    %swap3A_129 = arith.constant 1 : i32
    %swap3A_130 = arith.index_cast %swap3A_129 : i32 to index
    %swap3A_131 = arith.constant 32 : index
    %swap3A_132 = tpu.vector_load %arg7[%swap3A_130, %swap3A_131] {strides = array<i32>} : memref<6x48xi32, #tpu.memory_space<vmem>>, vector<1x16xi32>,
    %swap3A_133 = vector.shape_cast %swap3A_132 : vector<1x16xi32> to vector<16xi32>
    %swap3A_134 = vector.shape_cast %and3A_128 : vector<16xi32> to vector<1x16xi32>
    tpu.vector_store %arg7[%swap3A_130, %swap3A_131], %swap3A_134 {strides = array<i32>} : memref<6x48xi32, #tpu.memory_space<vmem>>, vector<1x16xi32>,
    %shift_right_logical3A_135 = arith.constant 16 : i32
    %shift_right_logical3A_136 = vector.broadcast %shift_right_logical3A_135 : i32 to vector<16xi32>
    %shift_right_logical3A_137 = arith.shrui %get3A_125, %shift_right_logical3A_136 : vector<16xi32>
    %swap3A_138 = arith.constant 1 : i32
    %swap3A_139 = arith.index_cast %swap3A_138 : i32 to index
    %swap3A_140 = arith.constant 32 : index
    %swap3A_141 = tpu.vector_load %arg8[%swap3A_139, %swap3A_140] {strides = array<i32>} : memref<6x48xi32, #tpu.memory_space<vmem>>, vector<1x16xi32>,
    %swap3A_142 = vector.shape_cast %swap3A_141 : vector<1x16xi32> to vector<16xi32>
    %swap3A_143 = vector.shape_cast %shift_right_logical3A_137 : vector<16xi32> to vector<1x16xi32>
    tpu.vector_store %arg8[%swap3A_139, %swap3A_140], %swap3A_143 {strides = array<i32>} : memref<6x48xi32, #tpu.memory_space<vmem>>, vector<1x16xi32>,
    %dma_start3A_144 = arith.constant 1 : i32
    %dma_start3A_145 = arith.constant 1 : i32
    %dma_start3A_146 = arith.constant 0 : i32
    %dma_start3A_147 = arith.constant 0 : i32
    %dma_start3A_148 = tpu.memref_slice %arg9[%dma_start3A_145, %dma_start3A_146, %dma_start3A_147] : memref<3x48x144xf32, #tpu.memory_space<vmem>> -> memref<1x48x144xf32, #tpu.memory_space<vmem>>
    %dma_start3A_149 = tpu.memref_squeeze %dma_start3A_148 : memref<1x48x144xf32, #tpu.memory_space<vmem>> -> memref<48x144xf32, #tpu.memory_space<vmem>>
    %dma_start3A_150 = arith.constant 0 : i32
    %dma_start3A_151 = tpu.memref_slice %arg7[%dma_start3A_144, %dma_start3A_150] : memref<6x48xi32, #tpu.memory_space<vmem>> -> memref<1x48xi32, #tpu.memory_space<vmem>>
    %dma_start3A_152 = tpu.memref_squeeze %dma_start3A_151 : memref<1x48xi32, #tpu.memory_space<vmem>> -> memref<48xi32, #tpu.memory_space<vmem>>
    %dma_start3A_153 = arith.constant 0 : i32
    %dma_start3A_154 = arith.constant 0 : i32
    %dma_start3A_155 = tpu.memref_slice %arg3[%dma_start3A_153, %dma_start3A_154] : memref<10016x144xf32, #tpu.memory_space<hbm>> -> memref<10016x144xf32, #tpu.memory_space<hbm>>
    tpu.enqueue_indirect_dma source(%dma_start3A_155 : memref<10016x144xf32, #tpu.memory_space<hbm>>) target(%dma_start3A_149 : memref<48x144xf32, #tpu.memory_space<vmem>>) offsets(%dma_start3A_152 : memref<48xi32, #tpu.memory_space<vmem>>) semaphore(%arg12 : memref<!tpu.dma_semaphore, #tpu.memory_space<semaphore_mem>>)
    %get3A_156 = arith.constant 96 : index
    %get3A_157 = tpu.vector_load %arg6[%get3A_156] {strides = array<i32>} : memref<12672xi32, #tpu.memory_space<vmem>>, vector<16xi32>,
    %get3A_158 = vector.shape_cast %get3A_157 : vector<16xi32> to vector<16xi32>
    %and3A_159 = arith.constant 65535 : i32
    %and3A_160 = vector.broadcast %and3A_159 : i32 to vector<16xi32>
    %and3A_161 = arith.andi %get3A_158, %and3A_160 : vector<16xi32>
    %swap3A_162 = arith.constant 2 : i32
    %swap3A_163 = arith.index_cast %swap3A_162 : i32 to index
    %swap3A_164 = arith.constant 0 : index
    %swap3A_165 = tpu.vector_load %arg7[%swap3A_163, %swap3A_164] {strides = array<i32>} : memref<6x48xi32, #tpu.memory_space<vmem>>, vector<1x16xi32>,
    %swap3A_166 = vector.shape_cast %swap3A_165 : vector<1x16xi32> to vector<16xi32>
    %swap3A_167 = vector.shape_cast %and3A_161 : vector<16xi32> to vector<1x16xi32>
    tpu.vector_store %arg7[%swap3A_163, %swap3A_164], %swap3A_167 {strides = array<i32>} : memref<6x48xi32, #tpu.memory_space<vmem>>, vector<1x16xi32>,
    %shift_right_logical3A_168 = arith.constant 16 : i32
    %shift_right_logical3A_169 = vector.broadcast %shift_right_logical3A_168 : i32 to vector<16xi32>
    %shift_right_logical3A_170 = arith.shrui %get3A_158, %shift_right_logical3A_169 : vector<16xi32>
    %swap3A_171 = arith.constant 2 : i32
    %swap3A_172 = arith.index_cast %swap3A_171 : i32 to index
    %swap3A_173 = arith.constant 0 : index
    %swap3A_174 = tpu.vector_load %arg8[%swap3A_172, %swap3A_173] {strides = array<i32>} : memref<6x48xi32, #tpu.memory_space<vmem>>, vector<1x16xi32>,
    %swap3A_175 = vector.shape_cast %swap3A_174 : vector<1x16xi32> to vector<16xi32>
    %swap3A_176 = vector.shape_cast %shift_right_logical3A_170 : vector<16xi32> to vector<1x16xi32>
    tpu.vector_store %arg8[%swap3A_172, %swap3A_173], %swap3A_176 {strides = array<i32>} : memref<6x48xi32, #tpu.memory_space<vmem>>, vector<1x16xi32>,
    %get3A_177 = arith.constant 112 : index
    %get3A_178 = tpu.vector_load %arg6[%get3A_177] {strides = array<i32>} : memref<12672xi32, #tpu.memory_space<vmem>>, vector<16xi32>,
    %get3A_179 = vector.shape_cast %get3A_178 : vector<16xi32> to vector<16xi32>
    %and3A_180 = arith.constant 65535 : i32
    %and3A_181 = vector.broadcast %and3A_180 : i32 to vector<16xi32>
    %and3A_182 = arith.andi %get3A_179, %and3A_181 : vector<16xi32>
    %swap3A_183 = arith.constant 2 : i32
    %swap3A_184 = arith.index_cast %swap3A_183 : i32 to index
    %swap3A_185 = arith.constant 16 : index
    %swap3A_186 = tpu.vector_load %arg7[%swap3A_184, %swap3A_185] {strides = array<i32>} : memref<6x48xi32, #tpu.memory_space<vmem>>, vector<1x16xi32>,
    %swap3A_187 = vector.shape_cast %swap3A_186 : vector<1x16xi32> to vector<16xi32>
    %swap3A_188 = vector.shape_cast %and3A_182 : vector<16xi32> to vector<1x16xi32>
    tpu.vector_store %arg7[%swap3A_184, %swap3A_185], %swap3A_188 {strides = array<i32>} : memref<6x48xi32, #tpu.memory_space<vmem>>, vector<1x16xi32>,
    %shift_right_logical3A_189 = arith.constant 16 : i32
    %shift_right_logical3A_190 = vector.broadcast %shift_right_logical3A_189 : i32 to vector<16xi32>
    %shift_right_logical3A_191 = arith.shrui %get3A_179, %shift_right_logical3A_190 : vector<16xi32>
    %swap3A_192 = arith.constant 2 : i32
    %swap3A_193 = arith.index_cast %swap3A_192 : i32 to index
    %swap3A_194 = arith.constant 16 : index
    %swap3A_195 = tpu.vector_load %arg8[%swap3A_193, %swap3A_194] {strides = array<i32>} : memref<6x48xi32, #tpu.memory_space<vmem>>, vector<1x16xi32>,
    %swap3A_196 = vector.shape_cast %swap3A_195 : vector<1x16xi32> to vector<16xi32>
    %swap3A_197 = vector.shape_cast %shift_right_logical3A_191 : vector<16xi32> to vector<1x16xi32>
    tpu.vector_store %arg8[%swap3A_193, %swap3A_194], %swap3A_197 {strides = array<i32>} : memref<6x48xi32, #tpu.memory_space<vmem>>, vector<1x16xi32>,
    %get3A_198 = arith.constant 128 : index
    %get3A_199 = tpu.vector_load %arg6[%get3A_198] {strides = array<i32>} : memref<12672xi32, #tpu.memory_space<vmem>>, vector<16xi32>,
    %get3A_200 = vector.shape_cast %get3A_199 : vector<16xi32> to vector<16xi32>
    %and3A_201 = arith.constant 65535 : i32
    %and3A_202 = vector.broadcast %and3A_201 : i32 to vector<16xi32>
    %and3A_203 = arith.andi %get3A_200, %and3A_202 : vector<16xi32>
    %swap3A_204 = arith.constant 2 : i32
    %swap3A_205 = arith.index_cast %swap3A_204 : i32 to index
    %swap3A_206 = arith.constant 32 : index
    %swap3A_207 = tpu.vector_load %arg7[%swap3A_205, %swap3A_206] {strides = array<i32>} : memref<6x48xi32, #tpu.memory_space<vmem>>, vector<1x16xi32>,
    %swap3A_208 = vector.shape_cast %swap3A_207 : vector<1x16xi32> to vector<16xi32>
    %swap3A_209 = vector.shape_cast %and3A_203 : vector<16xi32> to vector<1x16xi32>
    tpu.vector_store %arg7[%swap3A_205, %swap3A_206], %swap3A_209 {strides = array<i32>} : memref<6x48xi32, #tpu.memory_space<vmem>>, vector<1x16xi32>,
    %shift_right_logical3A_210 = arith.constant 16 : i32
    %shift_right_logical3A_211 = vector.broadcast %shift_right_logical3A_210 : i32 to vector<16xi32>
    %shift_right_logical3A_212 = arith.shrui %get3A_200, %shift_right_logical3A_211 : vector<16xi32>
    %swap3A_213 = arith.constant 2 : i32
    %swap3A_214 = arith.index_cast %swap3A_213 : i32 to index
    %swap3A_215 = arith.constant 32 : index
    %swap3A_216 = tpu.vector_load %arg8[%swap3A_214, %swap3A_215] {strides = array<i32>} : memref<6x48xi32, #tpu.memory_space<vmem>>, vector<1x16xi32>,
    %swap3A_217 = vector.shape_cast %swap3A_216 : vector<1x16xi32> to vector<16xi32>
    %swap3A_218 = vector.shape_cast %shift_right_logical3A_212 : vector<16xi32> to vector<1x16xi32>
    tpu.vector_store %arg8[%swap3A_214, %swap3A_215], %swap3A_218 {strides = array<i32>} : memref<6x48xi32, #tpu.memory_space<vmem>>, vector<1x16xi32>,
    %get3A_219 = arith.constant 144 : index
    %get3A_220 = tpu.vector_load %arg6[%get3A_219] {strides = array<i32>} : memref<12672xi32, #tpu.memory_space<vmem>>, vector<16xi32>,
    %get3A_221 = vector.shape_cast %get3A_220 : vector<16xi32> to vector<16xi32>
    %and3A_222 = arith.constant 65535 : i32
    %and3A_223 = vector.broadcast %and3A_222 : i32 to vector<16xi32>
    %and3A_224 = arith.andi %get3A_221, %and3A_223 : vector<16xi32>
    %swap3A_225 = arith.constant 3 : i32
    %swap3A_226 = arith.index_cast %swap3A_225 : i32 to index
    %swap3A_227 = arith.constant 0 : index
    %swap3A_228 = tpu.vector_load %arg7[%swap3A_226, %swap3A_227] {strides = array<i32>} : memref<6x48xi32, #tpu.memory_space<vmem>>, vector<1x16xi32>,
    %swap3A_229 = vector.shape_cast %swap3A_228 : vector<1x16xi32> to vector<16xi32>
    %swap3A_230 = vector.shape_cast %and3A_224 : vector<16xi32> to vector<1x16xi32>
    tpu.vector_store %arg7[%swap3A_226, %swap3A_227], %swap3A_230 {strides = array<i32>} : memref<6x48xi32, #tpu.memory_space<vmem>>, vector<1x16xi32>,
    %shift_right_logical3A_231 = arith.constant 16 : i32
    %shift_right_logical3A_232 = vector.broadcast %shift_right_logical3A_231 : i32 to vector<16xi32>
    %shift_right_logical3A_233 = arith.shrui %get3A_221, %shift_right_logical3A_232 : vector<16xi32>
    %swap3A_234 = arith.constant 3 : i32
    %swap3A_235 = arith.index_cast %swap3A_234 : i32 to index
    %swap3A_236 = arith.constant 0 : index
    %swap3A_237 = tpu.vector_load %arg8[%swap3A_235, %swap3A_236] {strides = array<i32>} : memref<6x48xi32, #tpu.memory_space<vmem>>, vector<1x16xi32>,
    %swap3A_238 = vector.shape_cast %swap3A_237 : vector<1x16xi32> to vector<16xi32>
    %swap3A_239 = vector.shape_cast %shift_right_logical3A_233 : vector<16xi32> to vector<1x16xi32>
    tpu.vector_store %arg8[%swap3A_235, %swap3A_236], %swap3A_239 {strides = array<i32>} : memref<6x48xi32, #tpu.memory_space<vmem>>, vector<1x16xi32>,
    %get3A_240 = arith.constant 160 : index
    %get3A_241 = tpu.vector_load %arg6[%get3A_240] {strides = array<i32>} : memref<12672xi32, #tpu.memory_space<vmem>>, vector<16xi32>,
    %get3A_242 = vector.shape_cast %get3A_241 : vector<16xi32> to vector<16xi32>
    %and3A_243 = arith.constant 65535 : i32
    %and3A_244 = vector.broadcast %and3A_243 : i32 to vector<16xi32>
    %and3A_245 = arith.andi %get3A_242, %and3A_244 : vector<16xi32>
    %swap3A_246 = arith.constant 3 : i32
    %swap3A_247 = arith.index_cast %swap3A_246 : i32 to index
    %swap3A_248 = arith.constant 16 : index
    %swap3A_249 = tpu.vector_load %arg7[%swap3A_247, %swap3A_248] {strides = array<i32>} : memref<6x48xi32, #tpu.memory_space<vmem>>, vector<1x16xi32>,
    %swap3A_250 = vector.shape_cast %swap3A_249 : vector<1x16xi32> to vector<16xi32>
    %swap3A_251 = vector.shape_cast %and3A_245 : vector<16xi32> to vector<1x16xi32>
    tpu.vector_store %arg7[%swap3A_247, %swap3A_248], %swap3A_251 {strides = array<i32>} : memref<6x48xi32, #tpu.memory_space<vmem>>, vector<1x16xi32>,
    %shift_right_logical3A_252 = arith.constant 16 : i32
    %shift_right_logical3A_253 = vector.broadcast %shift_right_logical3A_252 : i32 to vector<16xi32>
    %shift_right_logical3A_254 = arith.shrui %get3A_242, %shift_right_logical3A_253 : vector<16xi32>
    %swap3A_255 = arith.constant 3 : i32
    %swap3A_256 = arith.index_cast %swap3A_255 : i32 to index
    %swap3A_257 = arith.constant 16 : index
    %swap3A_258 = tpu.vector_load %arg8[%swap3A_256, %swap3A_257] {strides = array<i32>} : memref<6x48xi32, #tpu.memory_space<vmem>>, vector<1x16xi32>,
    %swap3A_259 = vector.shape_cast %swap3A_258 : vector<1x16xi32> to vector<16xi32>
    %swap3A_260 = vector.shape_cast %shift_right_logical3A_254 : vector<16xi32> to vector<1x16xi32>
    tpu.vector_store %arg8[%swap3A_256, %swap3A_257], %swap3A_260 {strides = array<i32>} : memref<6x48xi32, #tpu.memory_space<vmem>>, vector<1x16xi32>,
    %get3A_261 = arith.constant 176 : index
    %get3A_262 = tpu.vector_load %arg6[%get3A_261] {strides = array<i32>} : memref<12672xi32, #tpu.memory_space<vmem>>, vector<16xi32>,
    %get3A_263 = vector.shape_cast %get3A_262 : vector<16xi32> to vector<16xi32>
    %and3A_264 = arith.constant 65535 : i32
    %and3A_265 = vector.broadcast %and3A_264 : i32 to vector<16xi32>
    %and3A_266 = arith.andi %get3A_263, %and3A_265 : vector<16xi32>
    %swap3A_267 = arith.constant 3 : i32
    %swap3A_268 = arith.index_cast %swap3A_267 : i32 to index
    %swap3A_269 = arith.constant 32 : index
    %swap3A_270 = tpu.vector_load %arg7[%swap3A_268, %swap3A_269] {strides = array<i32>} : memref<6x48xi32, #tpu.memory_space<vmem>>, vector<1x16xi32>,
    %swap3A_271 = vector.shape_cast %swap3A_270 : vector<1x16xi32> to vector<16xi32>
    %swap3A_272 = vector.shape_cast %and3A_266 : vector<16xi32> to vector<1x16xi32>
    tpu.vector_store %arg7[%swap3A_268, %swap3A_269], %swap3A_272 {strides = array<i32>} : memref<6x48xi32, #tpu.memory_space<vmem>>, vector<1x16xi32>,
    %shift_right_logical3A_273 = arith.constant 16 : i32
    %shift_right_logical3A_274 = vector.broadcast %shift_right_logical3A_273 : i32 to vector<16xi32>
    %shift_right_logical3A_275 = arith.shrui %get3A_263, %shift_right_logical3A_274 : vector<16xi32>
    %swap3A_276 = arith.constant 3 : i32
    %swap3A_277 = arith.index_cast %swap3A_276 : i32 to index
    %swap3A_278 = arith.constant 32 : index
    %swap3A_279 = tpu.vector_load %arg8[%swap3A_277, %swap3A_278] {strides = array<i32>} : memref<6x48xi32, #tpu.memory_space<vmem>>, vector<1x16xi32>,
    %swap3A_280 = vector.shape_cast %swap3A_279 : vector<1x16xi32> to vector<16xi32>
    %swap3A_281 = vector.shape_cast %shift_right_logical3A_275 : vector<16xi32> to vector<1x16xi32>
    tpu.vector_store %arg8[%swap3A_277, %swap3A_278], %swap3A_281 {strides = array<i32>} : memref<6x48xi32, #tpu.memory_space<vmem>>, vector<1x16xi32>,
    %jit3A_282 = arith.constant 6 : i32
    %div3A = arith.divsi %select_n3A, %jit3A_282 : i32
    %sign3A = arith.constant 0 : i32
    %sign3A_283 = arith.cmpi sgt, %select_n3A, %sign3A : i32
    %sign3A_284 = arith.extui %sign3A_283 : i1 to i32
    %sign3A_285 = arith.constant 0 : i32
    %sign3A_286 = arith.cmpi slt, %select_n3A, %sign3A_285 : i32
    %sign3A_287 = arith.extui %sign3A_286 : i1 to i32
    %sign3A_288 = arith.subi %sign3A_284, %sign3A_287 : i32
    %sign3A_289 = arith.constant 0 : i32
    %sign3A_290 = arith.cmpi sgt, %jit3A_282, %sign3A_289 : i32
    %sign3A_291 = arith.extui %sign3A_290 : i1 to i32
    %sign3A_292 = arith.constant 0 : i32
    %sign3A_293 = arith.cmpi slt, %jit3A_282, %sign3A_292 : i32
    %sign3A_294 = arith.extui %sign3A_293 : i1 to i32
    %sign3A_295 = arith.subi %sign3A_291, %sign3A_294 : i32
    %ne3A = arith.cmpi ne, %sign3A_288, %sign3A_295 : i32
    %rem3A = arith.remsi %select_n3A, %jit3A_282 : i32
    %ne3A_296 = arith.constant 0 : i32
    %ne3A_297 = arith.cmpi ne, %rem3A, %ne3A_296 : i32
    %and3A_298 = arith.andi %ne3A, %ne3A_297 : i1
    %sub3A = arith.constant 1 : i32
    %sub3A_299 = arith.subi %div3A, %sub3A : i32
    %select_n3A_300 = arith.select %and3A_298, %sub3A_299, %div3A : i32
    %while3A = arith.constant 0 : i32
    %while3A_301 = arith.constant 0 : i32
    %while3A_302 = arith.subi %select_n3A_300, %while3A_301 : i32
    %while3A_303 = arith.addi %while3A_301, %while3A_302 : i32
    %while3A_304 = arith.constant 1 : i32
    %while3A_305 = arith.divsi %while3A_302, %while3A_304 : i32
    %while3A_306 = arith.muli %while3A_305, %while3A_304 : i32
    %while3A_307 = arith.addi %while3A_301, %while3A_306 : i32
    %while3A_308 = arith.constant 1 : i32
    scf.for %while3A_326 = %while3A_301 to %while3A_307 step %while3A_308  : i32 {
      %mul3A_327 = arith.constant 6 : i32
      %mul3A_328 = arith.muli %mul3A_327, %while3A_326 : i32
      %add3A = arith.constant 0 : i32
      %add3A_329 = arith.addi %mul3A_328, %add3A : i32
      %add3A_330 = arith.constant 4 : i32
      %add3A_331 = arith.addi %add3A_329, %add3A_330 : i32
      %lt3A = arith.cmpi slt, %add3A_331, %select_n3A : i32
      %convert_element_type3A_332 = arith.extui %lt3A : i1 to i32
      %cond3A_333 = arith.constant 0 : i32
      %cond3A_334 = arith.cmpi ne, %convert_element_type3A_332, %cond3A_333 : i32
      scf.if %cond3A_334 {
        %add3A_584 = arith.constant 4 : i32
        %add3A_585 = arith.addi %add3A_329, %add3A_584 : i32
        %mul3A_586 = arith.constant 48 : i32
        %mul3A_587 = arith.muli %add3A_585, %mul3A_586 : i32
        %add3A_588 = arith.constant 0 : i32
        %add3A_589 = arith.addi %mul3A_587, %add3A_588 : i32
        %get3A_590 = arith.index_cast %add3A_589 : i32 to index
        %get3A_591 = tpu.vector_load %arg6[%get3A_590] {strides = array<i32>} : memref<12672xi32, #tpu.memory_space<vmem>>, vector<16xi32>,
        %get3A_592 = vector.shape_cast %get3A_591 : vector<16xi32> to vector<16xi32>
        %and3A_593 = arith.constant 65535 : i32
        %and3A_594 = vector.broadcast %and3A_593 : i32 to vector<16xi32>
        %and3A_595 = arith.andi %get3A_592, %and3A_594 : vector<16xi32>
        %swap3A_596 = arith.constant 4 : i32
        %swap3A_597 = arith.index_cast %swap3A_596 : i32 to index
        %swap3A_598 = arith.constant 0 : index
        %swap3A_599 = tpu.vector_load %arg7[%swap3A_597, %swap3A_598] {strides = array<i32>} : memref<6x48xi32, #tpu.memory_space<vmem>>, vector<1x16xi32>,
        %swap3A_600 = vector.shape_cast %swap3A_599 : vector<1x16xi32> to vector<16xi32>
        %swap3A_601 = vector.shape_cast %and3A_595 : vector<16xi32> to vector<1x16xi32>
        tpu.vector_store %arg7[%swap3A_597, %swap3A_598], %swap3A_601 {strides = array<i32>} : memref<6x48xi32, #tpu.memory_space<vmem>>, vector<1x16xi32>,
        %shift_right_logical3A_602 = arith.constant 16 : i32
        %shift_right_logical3A_603 = vector.broadcast %shift_right_logical3A_602 : i32 to vector<16xi32>
        %shift_right_logical3A_604 = arith.shrui %get3A_592, %shift_right_logical3A_603 : vector<16xi32>
        %swap3A_605 = arith.constant 4 : i32
        %swap3A_606 = arith.index_cast %swap3A_605 : i32 to index
        %swap3A_607 = arith.constant 0 : index
        %swap3A_608 = tpu.vector_load %arg8[%swap3A_606, %swap3A_607] {strides = array<i32>} : memref<6x48xi32, #tpu.memory_space<vmem>>, vector<1x16xi32>,
        %swap3A_609 = vector.shape_cast %swap3A_608 : vector<1x16xi32> to vector<16xi32>
        %swap3A_610 = vector.shape_cast %shift_right_logical3A_604 : vector<16xi32> to vector<1x16xi32>
        tpu.vector_store %arg8[%swap3A_606, %swap3A_607], %swap3A_610 {strides = array<i32>} : memref<6x48xi32, #tpu.memory_space<vmem>>, vector<1x16xi32>,
        %mul3A_611 = arith.constant 48 : i32
        %mul3A_612 = arith.muli %add3A_585, %mul3A_611 : i32
        %add3A_613 = arith.constant 16 : i32
        %add3A_614 = arith.addi %mul3A_612, %add3A_613 : i32
        %get3A_615 = arith.index_cast %add3A_614 : i32 to index
        %get3A_616 = tpu.vector_load %arg6[%get3A_615] {strides = array<i32>} : memref<12672xi32, #tpu.memory_space<vmem>>, vector<16xi32>,
        %get3A_617 = vector.shape_cast %get3A_616 : vector<16xi32> to vector<16xi32>
        %and3A_618 = arith.constant 65535 : i32
        %and3A_619 = vector.broadcast %and3A_618 : i32 to vector<16xi32>
        %and3A_620 = arith.andi %get3A_617, %and3A_619 : vector<16xi32>
        %swap3A_621 = arith.constant 4 : i32
        %swap3A_622 = arith.index_cast %swap3A_621 : i32 to index
        %swap3A_623 = arith.constant 16 : index
        %swap3A_624 = tpu.vector_load %arg7[%swap3A_622, %swap3A_623] {strides = array<i32>} : memref<6x48xi32, #tpu.memory_space<vmem>>, vector<1x16xi32>,
        %swap3A_625 = vector.shape_cast %swap3A_624 : vector<1x16xi32> to vector<16xi32>
        %swap3A_626 = vector.shape_cast %and3A_620 : vector<16xi32> to vector<1x16xi32>
        tpu.vector_store %arg7[%swap3A_622, %swap3A_623], %swap3A_626 {strides = array<i32>} : memref<6x48xi32, #tpu.memory_space<vmem>>, vector<1x16xi32>,
        %shift_right_logical3A_627 = arith.constant 16 : i32
        %shift_right_logical3A_628 = vector.broadcast %shift_right_logical3A_627 : i32 to vector<16xi32>
        %shift_right_logical3A_629 = arith.shrui %get3A_617, %shift_right_logical3A_628 : vector<16xi32>
        %swap3A_630 = arith.constant 4 : i32
        %swap3A_631 = arith.index_cast %swap3A_630 : i32 to index
        %swap3A_632 = arith.constant 16 : index
        %swap3A_633 = tpu.vector_load %arg8[%swap3A_631, %swap3A_632] {strides = array<i32>} : memref<6x48xi32, #tpu.memory_space<vmem>>, vector<1x16xi32>,
        %swap3A_634 = vector.shape_cast %swap3A_633 : vector<1x16xi32> to vector<16xi32>
        %swap3A_635 = vector.shape_cast %shift_right_logical3A_629 : vector<16xi32> to vector<1x16xi32>
        tpu.vector_store %arg8[%swap3A_631, %swap3A_632], %swap3A_635 {strides = array<i32>} : memref<6x48xi32, #tpu.memory_space<vmem>>, vector<1x16xi32>,
        %mul3A_636 = arith.constant 48 : i32
        %mul3A_637 = arith.muli %add3A_585, %mul3A_636 : i32
        %add3A_638 = arith.constant 32 : i32
        %add3A_639 = arith.addi %mul3A_637, %add3A_638 : i32
        %get3A_640 = arith.index_cast %add3A_639 : i32 to index
        %get3A_641 = tpu.vector_load %arg6[%get3A_640] {strides = array<i32>} : memref<12672xi32, #tpu.memory_space<vmem>>, vector<16xi32>,
        %get3A_642 = vector.shape_cast %get3A_641 : vector<16xi32> to vector<16xi32>
        %and3A_643 = arith.constant 65535 : i32
        %and3A_644 = vector.broadcast %and3A_643 : i32 to vector<16xi32>
        %and3A_645 = arith.andi %get3A_642, %and3A_644 : vector<16xi32>
        %swap3A_646 = arith.constant 4 : i32
        %swap3A_647 = arith.index_cast %swap3A_646 : i32 to index
        %swap3A_648 = arith.constant 32 : index
        %swap3A_649 = tpu.vector_load %arg7[%swap3A_647, %swap3A_648] {strides = array<i32>} : memref<6x48xi32, #tpu.memory_space<vmem>>, vector<1x16xi32>,
        %swap3A_650 = vector.shape_cast %swap3A_649 : vector<1x16xi32> to vector<16xi32>
        %swap3A_651 = vector.shape_cast %and3A_645 : vector<16xi32> to vector<1x16xi32>
        tpu.vector_store %arg7[%swap3A_647, %swap3A_648], %swap3A_651 {strides = array<i32>} : memref<6x48xi32, #tpu.memory_space<vmem>>, vector<1x16xi32>,
        %shift_right_logical3A_652 = arith.constant 16 : i32
        %shift_right_logical3A_653 = vector.broadcast %shift_right_logical3A_652 : i32 to vector<16xi32>
        %shift_right_logical3A_654 = arith.shrui %get3A_642, %shift_right_logical3A_653 : vector<16xi32>
        %swap3A_655 = arith.constant 4 : i32
        %swap3A_656 = arith.index_cast %swap3A_655 : i32 to index
        %swap3A_657 = arith.constant 32 : index
        %swap3A_658 = tpu.vector_load %arg8[%swap3A_656, %swap3A_657] {strides = array<i32>} : memref<6x48xi32, #tpu.memory_space<vmem>>, vector<1x16xi32>,
        %swap3A_659 = vector.shape_cast %swap3A_658 : vector<1x16xi32> to vector<16xi32>
        %swap3A_660 = vector.shape_cast %shift_right_logical3A_654 : vector<16xi32> to vector<1x16xi32>
        tpu.vector_store %arg8[%swap3A_656, %swap3A_657], %swap3A_660 {strides = array<i32>} : memref<6x48xi32, #tpu.memory_space<vmem>>, vector<1x16xi32>,
      } else {
      }
      %dma_wait3A_335 = arith.constant 0 : i32
      %dma_wait3A_336 = arith.constant 0 : i32
      %dma_wait3A_337 = arith.constant 0 : i32
      %dma_wait3A_338 = arith.constant 0 : i32
      %dma_wait3A_339 = tpu.memref_slice %arg9[%dma_wait3A_336, %dma_wait3A_337, %dma_wait3A_338] : memref<3x48x144xf32, #tpu.memory_space<vmem>> -> memref<1x48x144xf32, #tpu.memory_space<vmem>>
      %dma_wait3A_340 = tpu.memref_squeeze %dma_wait3A_339 : memref<1x48x144xf32, #tpu.memory_space<vmem>> -> memref<48x144xf32, #tpu.memory_space<vmem>>
      %dma_wait3A_341 = arith.constant 0 : i32
      %dma_wait3A_342 = tpu.memref_slice %arg7[%dma_wait3A_335, %dma_wait3A_341] : memref<6x48xi32, #tpu.memory_space<vmem>> -> memref<1x48xi32, #tpu.memory_space<vmem>>
      %dma_wait3A_343 = tpu.memref_squeeze %dma_wait3A_342 : memref<1x48xi32, #tpu.memory_space<vmem>> -> memref<48xi32, #tpu.memory_space<vmem>>
      %dma_wait3A_344 = arith.constant 0 : i32
      %dma_wait3A_345 = arith.constant 0 : i32
      %dma_wait3A_346 = tpu.memref_slice %arg3[%dma_wait3A_344, %dma_wait3A_345] : memref<10016x144xf32, #tpu.memory_space<hbm>> -> memref<10016x144xf32, #tpu.memory_space<hbm>>
      tpu.wait_indirect_dma semaphore(%arg11 : memref<!tpu.dma_semaphore, #tpu.memory_space<semaphore_mem>>) src(%dma_wait3A_346 : memref<10016x144xf32, #tpu.memory_space<hbm>>) dst(%dma_wait3A_340 : memref<48x144xf32, #tpu.memory_space<vmem>>)
      %dma_start3A_347 = arith.constant 0 : i32
      %dma_start3A_348 = arith.constant 0 : i32
      %dma_start3A_349 = arith.constant 0 : i32
      %dma_start3A_350 = arith.constant 0 : i32
      %dma_start3A_351 = tpu.memref_slice %arg9[%dma_start3A_347, %dma_start3A_349, %dma_start3A_350] : memref<3x48x144xf32, #tpu.memory_space<vmem>> -> memref<1x48x144xf32, #tpu.memory_space<vmem>>
      %dma_start3A_352 = tpu.memref_squeeze %dma_start3A_351 : memref<1x48x144xf32, #tpu.memory_space<vmem>> -> memref<48x144xf32, #tpu.memory_space<vmem>>
      %dma_start3A_353 = arith.constant 0 : i32
      %dma_start3A_354 = tpu.memref_slice %arg8[%dma_start3A_348, %dma_start3A_353] : memref<6x48xi32, #tpu.memory_space<vmem>> -> memref<1x48xi32, #tpu.memory_space<vmem>>
      %dma_start3A_355 = tpu.memref_squeeze %dma_start3A_354 : memref<1x48xi32, #tpu.memory_space<vmem>> -> memref<48xi32, #tpu.memory_space<vmem>>
      %dma_start3A_356 = arith.constant 0 : i32
      %dma_start3A_357 = arith.constant 0 : i32
      %dma_start3A_358 = tpu.memref_slice %arg10[%dma_start3A_356, %dma_start3A_357] : memref<10000x144xf32, #tpu.memory_space<vmem_shared>> -> memref<10000x144xf32, #tpu.memory_space<vmem_shared>>
      tpu.enqueue_indirect_dma source(%dma_start3A_352 : memref<48x144xf32, #tpu.memory_space<vmem>>) target(%dma_start3A_358 : memref<10000x144xf32, #tpu.memory_space<vmem_shared>>) offsets(%dma_start3A_355 : memref<48xi32, #tpu.memory_space<vmem>>) semaphore(%arg14 : memref<!tpu.dma_semaphore, #tpu.memory_space<semaphore_mem>>) {add = true}
      %ge3A = arith.constant 1 : i32
      %ge3A_359 = arith.cmpi sge, %add3A_329, %ge3A : i32
      %convert_element_type3A_360 = arith.extui %ge3A_359 : i1 to i32
      %cond3A_361 = arith.constant 0 : i32
      %cond3A_362 = arith.cmpi ne, %convert_element_type3A_360, %cond3A_361 : i32
      scf.if %cond3A_362 {
        %dma_wait3A_584 = arith.constant 2 : i32
        %dma_wait3A_585 = arith.constant 5 : i32
        %dma_wait3A_586 = arith.constant 0 : i32
        %dma_wait3A_587 = arith.constant 0 : i32
        %dma_wait3A_588 = tpu.memref_slice %arg9[%dma_wait3A_584, %dma_wait3A_586, %dma_wait3A_587] : memref<3x48x144xf32, #tpu.memory_space<vmem>> -> memref<1x48x144xf32, #tpu.memory_space<vmem>>
        %dma_wait3A_589 = tpu.memref_squeeze %dma_wait3A_588 : memref<1x48x144xf32, #tpu.memory_space<vmem>> -> memref<48x144xf32, #tpu.memory_space<vmem>>
        %dma_wait3A_590 = arith.constant 0 : i32
        %dma_wait3A_591 = tpu.memref_slice %arg8[%dma_wait3A_585, %dma_wait3A_590] : memref<6x48xi32, #tpu.memory_space<vmem>> -> memref<1x48xi32, #tpu.memory_space<vmem>>
        %dma_wait3A_592 = tpu.memref_squeeze %dma_wait3A_591 : memref<1x48xi32, #tpu.memory_space<vmem>> -> memref<48xi32, #tpu.memory_space<vmem>>
        %dma_wait3A_593 = arith.constant 0 : i32
        %dma_wait3A_594 = arith.constant 0 : i32
        %dma_wait3A_595 = tpu.memref_slice %arg10[%dma_wait3A_593, %dma_wait3A_594] : memref<10000x144xf32, #tpu.memory_space<vmem_shared>> -> memref<10000x144xf32, #tpu.memory_space<vmem_shared>>
        tpu.wait_indirect_dma semaphore(%arg16 : memref<!tpu.dma_semaphore, #tpu.memory_space<semaphore_mem>>) src(%dma_wait3A_589 : memref<48x144xf32, #tpu.memory_space<vmem>>) dst(%dma_wait3A_595 : memref<10000x144xf32, #tpu.memory_space<vmem_shared>>)
      } else {
      }
      %add3A_363 = arith.constant 2 : i32
      %add3A_364 = arith.addi %add3A_329, %add3A_363 : i32
      %lt3A_365 = arith.cmpi slt, %add3A_364, %select_n3A : i32
      %convert_element_type3A_366 = arith.extui %lt3A_365 : i1 to i32
      %cond3A_367 = arith.constant 0 : i32
      %cond3A_368 = arith.cmpi ne, %convert_element_type3A_366, %cond3A_367 : i32
      scf.if %cond3A_368 {
        %dma_start3A_584 = arith.constant 2 : i32
        %dma_start3A_585 = arith.constant 2 : i32
        %dma_start3A_586 = arith.constant 0 : i32
        %dma_start3A_587 = arith.constant 0 : i32
        %dma_start3A_588 = tpu.memref_slice %arg9[%dma_start3A_585, %dma_start3A_586, %dma_start3A_587] : memref<3x48x144xf32, #tpu.memory_space<vmem>> -> memref<1x48x144xf32, #tpu.memory_space<vmem>>
        %dma_start3A_589 = tpu.memref_squeeze %dma_start3A_588 : memref<1x48x144xf32, #tpu.memory_space<vmem>> -> memref<48x144xf32, #tpu.memory_space<vmem>>
        %dma_start3A_590 = arith.constant 0 : i32
        %dma_start3A_591 = tpu.memref_slice %arg7[%dma_start3A_584, %dma_start3A_590] : memref<6x48xi32, #tpu.memory_space<vmem>> -> memref<1x48xi32, #tpu.memory_space<vmem>>
        %dma_start3A_592 = tpu.memref_squeeze %dma_start3A_591 : memref<1x48xi32, #tpu.memory_space<vmem>> -> memref<48xi32, #tpu.memory_space<vmem>>
        %dma_start3A_593 = arith.constant 0 : i32
        %dma_start3A_594 = arith.constant 0 : i32
        %dma_start3A_595 = tpu.memref_slice %arg3[%dma_start3A_593, %dma_start3A_594] : memref<10016x144xf32, #tpu.memory_space<hbm>> -> memref<10016x144xf32, #tpu.memory_space<hbm>>
        tpu.enqueue_indirect_dma source(%dma_start3A_595 : memref<10016x144xf32, #tpu.memory_space<hbm>>) target(%dma_start3A_589 : memref<48x144xf32, #tpu.memory_space<vmem>>) offsets(%dma_start3A_592 : memref<48xi32, #tpu.memory_space<vmem>>) semaphore(%arg13 : memref<!tpu.dma_semaphore, #tpu.memory_space<semaphore_mem>>)
      } else {
      }
      %add3A_369 = arith.constant 1 : i32
      %add3A_370 = arith.addi %mul3A_328, %add3A_369 : i32
      %add3A_371 = arith.constant 4 : i32
      %add3A_372 = arith.addi %add3A_370, %add3A_371 : i32
      %lt3A_373 = arith.cmpi slt, %add3A_372, %select_n3A : i32
      %convert_element_type3A_374 = arith.extui %lt3A_373 : i1 to i32
      %cond3A_375 = arith.constant 0 : i32
      %cond3A_376 = arith.cmpi ne, %convert_element_type3A_374, %cond3A_375 : i32
      scf.if %cond3A_376 {
        %add3A_584 = arith.constant 4 : i32
        %add3A_585 = arith.addi %add3A_370, %add3A_584 : i32
        %mul3A_586 = arith.constant 48 : i32
        %mul3A_587 = arith.muli %add3A_585, %mul3A_586 : i32
        %add3A_588 = arith.constant 0 : i32
        %add3A_589 = arith.addi %mul3A_587, %add3A_588 : i32
        %get3A_590 = arith.index_cast %add3A_589 : i32 to index
        %get3A_591 = tpu.vector_load %arg6[%get3A_590] {strides = array<i32>} : memref<12672xi32, #tpu.memory_space<vmem>>, vector<16xi32>,
        %get3A_592 = vector.shape_cast %get3A_591 : vector<16xi32> to vector<16xi32>
        %and3A_593 = arith.constant 65535 : i32
        %and3A_594 = vector.broadcast %and3A_593 : i32 to vector<16xi32>
        %and3A_595 = arith.andi %get3A_592, %and3A_594 : vector<16xi32>
        %swap3A_596 = arith.constant 5 : i32
        %swap3A_597 = arith.index_cast %swap3A_596 : i32 to index
        %swap3A_598 = arith.constant 0 : index
        %swap3A_599 = tpu.vector_load %arg7[%swap3A_597, %swap3A_598] {strides = array<i32>} : memref<6x48xi32, #tpu.memory_space<vmem>>, vector<1x16xi32>,
        %swap3A_600 = vector.shape_cast %swap3A_599 : vector<1x16xi32> to vector<16xi32>
        %swap3A_601 = vector.shape_cast %and3A_595 : vector<16xi32> to vector<1x16xi32>
        tpu.vector_store %arg7[%swap3A_597, %swap3A_598], %swap3A_601 {strides = array<i32>} : memref<6x48xi32, #tpu.memory_space<vmem>>, vector<1x16xi32>,
        %shift_right_logical3A_602 = arith.constant 16 : i32
        %shift_right_logical3A_603 = vector.broadcast %shift_right_logical3A_602 : i32 to vector<16xi32>
        %shift_right_logical3A_604 = arith.shrui %get3A_592, %shift_right_logical3A_603 : vector<16xi32>
        %swap3A_605 = arith.constant 5 : i32
        %swap3A_606 = arith.index_cast %swap3A_605 : i32 to index
        %swap3A_607 = arith.constant 0 : index
        %swap3A_608 = tpu.vector_load %arg8[%swap3A_606, %swap3A_607] {strides = array<i32>} : memref<6x48xi32, #tpu.memory_space<vmem>>, vector<1x16xi32>,
        %swap3A_609 = vector.shape_cast %swap3A_608 : vector<1x16xi32> to vector<16xi32>
        %swap3A_610 = vector.shape_cast %shift_right_logical3A_604 : vector<16xi32> to vector<1x16xi32>
        tpu.vector_store %arg8[%swap3A_606, %swap3A_607], %swap3A_610 {strides = array<i32>} : memref<6x48xi32, #tpu.memory_space<vmem>>, vector<1x16xi32>,
        %mul3A_611 = arith.constant 48 : i32
        %mul3A_612 = arith.muli %add3A_585, %mul3A_611 : i32
        %add3A_613 = arith.constant 16 : i32
        %add3A_614 = arith.addi %mul3A_612, %add3A_613 : i32
        %get3A_615 = arith.index_cast %add3A_614 : i32 to index
        %get3A_616 = tpu.vector_load %arg6[%get3A_615] {strides = array<i32>} : memref<12672xi32, #tpu.memory_space<vmem>>, vector<16xi32>,
        %get3A_617 = vector.shape_cast %get3A_616 : vector<16xi32> to vector<16xi32>
        %and3A_618 = arith.constant 65535 : i32
        %and3A_619 = vector.broadcast %and3A_618 : i32 to vector<16xi32>
        %and3A_620 = arith.andi %get3A_617, %and3A_619 : vector<16xi32>
        %swap3A_621 = arith.constant 5 : i32
        %swap3A_622 = arith.index_cast %swap3A_621 : i32 to index
        %swap3A_623 = arith.constant 16 : index
        %swap3A_624 = tpu.vector_load %arg7[%swap3A_622, %swap3A_623] {strides = array<i32>} : memref<6x48xi32, #tpu.memory_space<vmem>>, vector<1x16xi32>,
        %swap3A_625 = vector.shape_cast %swap3A_624 : vector<1x16xi32> to vector<16xi32>
        %swap3A_626 = vector.shape_cast %and3A_620 : vector<16xi32> to vector<1x16xi32>
        tpu.vector_store %arg7[%swap3A_622, %swap3A_623], %swap3A_626 {strides = array<i32>} : memref<6x48xi32, #tpu.memory_space<vmem>>, vector<1x16xi32>,
        %shift_right_logical3A_627 = arith.constant 16 : i32
        %shift_right_logical3A_628 = vector.broadcast %shift_right_logical3A_627 : i32 to vector<16xi32>
        %shift_right_logical3A_629 = arith.shrui %get3A_617, %shift_right_logical3A_628 : vector<16xi32>
        %swap3A_630 = arith.constant 5 : i32
        %swap3A_631 = arith.index_cast %swap3A_630 : i32 to index
        %swap3A_632 = arith.constant 16 : index
        %swap3A_633 = tpu.vector_load %arg8[%swap3A_631, %swap3A_632] {strides = array<i32>} : memref<6x48xi32, #tpu.memory_space<vmem>>, vector<1x16xi32>,
        %swap3A_634 = vector.shape_cast %swap3A_633 : vector<1x16xi32> to vector<16xi32>
        %swap3A_635 = vector.shape_cast %shift_right_logical3A_629 : vector<16xi32> to vector<1x16xi32>
        tpu.vector_store %arg8[%swap3A_631, %swap3A_632], %swap3A_635 {strides = array<i32>} : memref<6x48xi32, #tpu.memory_space<vmem>>, vector<1x16xi32>,
        %mul3A_636 = arith.constant 48 : i32
        %mul3A_637 = arith.muli %add3A_585, %mul3A_636 : i32
        %add3A_638 = arith.constant 32 : i32
        %add3A_639 = arith.addi %mul3A_637, %add3A_638 : i32
        %get3A_640 = arith.index_cast %add3A_639 : i32 to index
        %get3A_641 = tpu.vector_load %arg6[%get3A_640] {strides = array<i32>} : memref<12672xi32, #tpu.memory_space<vmem>>, vector<16xi32>,
        %get3A_642 = vector.shape_cast %get3A_641 : vector<16xi32> to vector<16xi32>
        %and3A_643 = arith.constant 65535 : i32
        %and3A_644 = vector.broadcast %and3A_643 : i32 to vector<16xi32>
        %and3A_645 = arith.andi %get3A_642, %and3A_644 : vector<16xi32>
        %swap3A_646 = arith.constant 5 : i32
        %swap3A_647 = arith.index_cast %swap3A_646 : i32 to index
        %swap3A_648 = arith.constant 32 : index
        %swap3A_649 = tpu.vector_load %arg7[%swap3A_647, %swap3A_648] {strides = array<i32>} : memref<6x48xi32, #tpu.memory_space<vmem>>, vector<1x16xi32>,
        %swap3A_650 = vector.shape_cast %swap3A_649 : vector<1x16xi32> to vector<16xi32>
        %swap3A_651 = vector.shape_cast %and3A_645 : vector<16xi32> to vector<1x16xi32>
        tpu.vector_store %arg7[%swap3A_647, %swap3A_648], %swap3A_651 {strides = array<i32>} : memref<6x48xi32, #tpu.memory_space<vmem>>, vector<1x16xi32>,
        %shift_right_logical3A_652 = arith.constant 16 : i32
        %shift_right_logical3A_653 = vector.broadcast %shift_right_logical3A_652 : i32 to vector<16xi32>
        %shift_right_logical3A_654 = arith.shrui %get3A_642, %shift_right_logical3A_653 : vector<16xi32>
        %swap3A_655 = arith.constant 5 : i32
        %swap3A_656 = arith.index_cast %swap3A_655 : i32 to index
        %swap3A_657 = arith.constant 32 : index
        %swap3A_658 = tpu.vector_load %arg8[%swap3A_656, %swap3A_657] {strides = array<i32>} : memref<6x48xi32, #tpu.memory_space<vmem>>, vector<1x16xi32>,
        %swap3A_659 = vector.shape_cast %swap3A_658 : vector<1x16xi32> to vector<16xi32>
        %swap3A_660 = vector.shape_cast %shift_right_logical3A_654 : vector<16xi32> to vector<1x16xi32>
        tpu.vector_store %arg8[%swap3A_656, %swap3A_657], %swap3A_660 {strides = array<i32>} : memref<6x48xi32, #tpu.memory_space<vmem>>, vector<1x16xi32>,
      } else {
      }
      %dma_wait3A_377 = arith.constant 1 : i32
      %dma_wait3A_378 = arith.constant 1 : i32
      %dma_wait3A_379 = arith.constant 0 : i32
      %dma_wait3A_380 = arith.constant 0 : i32
      %dma_wait3A_381 = tpu.memref_slice %arg9[%dma_wait3A_378, %dma_wait3A_379, %dma_wait3A_380] : memref<3x48x144xf32, #tpu.memory_space<vmem>> -> memref<1x48x144xf32, #tpu.memory_space<vmem>>
      %dma_wait3A_382 = tpu.memref_squeeze %dma_wait3A_381 : memref<1x48x144xf32, #tpu.memory_space<vmem>> -> memref<48x144xf32, #tpu.memory_space<vmem>>
      %dma_wait3A_383 = arith.constant 0 : i32
      %dma_wait3A_384 = tpu.memref_slice %arg7[%dma_wait3A_377, %dma_wait3A_383] : memref<6x48xi32, #tpu.memory_space<vmem>> -> memref<1x48xi32, #tpu.memory_space<vmem>>
      %dma_wait3A_385 = tpu.memref_squeeze %dma_wait3A_384 : memref<1x48xi32, #tpu.memory_space<vmem>> -> memref<48xi32, #tpu.memory_space<vmem>>
      %dma_wait3A_386 = arith.constant 0 : i32
      %dma_wait3A_387 = arith.constant 0 : i32
      %dma_wait3A_388 = tpu.memref_slice %arg3[%dma_wait3A_386, %dma_wait3A_387] : memref<10016x144xf32, #tpu.memory_space<hbm>> -> memref<10016x144xf32, #tpu.memory_space<hbm>>
      tpu.wait_indirect_dma semaphore(%arg12 : memref<!tpu.dma_semaphore, #tpu.memory_space<semaphore_mem>>) src(%dma_wait3A_388 : memref<10016x144xf32, #tpu.memory_space<hbm>>) dst(%dma_wait3A_382 : memref<48x144xf32, #tpu.memory_space<vmem>>)
      %dma_start3A_389 = arith.constant 1 : i32
      %dma_start3A_390 = arith.constant 1 : i32
      %dma_start3A_391 = arith.constant 0 : i32
      %dma_start3A_392 = arith.constant 0 : i32
      %dma_start3A_393 = tpu.memref_slice %arg9[%dma_start3A_389, %dma_start3A_391, %dma_start3A_392] : memref<3x48x144xf32, #tpu.memory_space<vmem>> -> memref<1x48x144xf32, #tpu.memory_space<vmem>>
      %dma_start3A_394 = tpu.memref_squeeze %dma_start3A_393 : memref<1x48x144xf32, #tpu.memory_space<vmem>> -> memref<48x144xf32, #tpu.memory_space<vmem>>
      %dma_start3A_395 = arith.constant 0 : i32
      %dma_start3A_396 = tpu.memref_slice %arg8[%dma_start3A_390, %dma_start3A_395] : memref<6x48xi32, #tpu.memory_space<vmem>> -> memref<1x48xi32, #tpu.memory_space<vmem>>
      %dma_start3A_397 = tpu.memref_squeeze %dma_start3A_396 : memref<1x48xi32, #tpu.memory_space<vmem>> -> memref<48xi32, #tpu.memory_space<vmem>>
      %dma_start3A_398 = arith.constant 0 : i32
      %dma_start3A_399 = arith.constant 0 : i32
      %dma_start3A_400 = tpu.memref_slice %arg10[%dma_start3A_398, %dma_start3A_399] : memref<10000x144xf32, #tpu.memory_space<vmem_shared>> -> memref<10000x144xf32, #tpu.memory_space<vmem_shared>>
      tpu.enqueue_indirect_dma source(%dma_start3A_394 : memref<48x144xf32, #tpu.memory_space<vmem>>) target(%dma_start3A_400 : memref<10000x144xf32, #tpu.memory_space<vmem_shared>>) offsets(%dma_start3A_397 : memref<48xi32, #tpu.memory_space<vmem>>) semaphore(%arg15 : memref<!tpu.dma_semaphore, #tpu.memory_space<semaphore_mem>>) {add = true}
      %ge3A_401 = arith.constant 1 : i32
      %ge3A_402 = arith.cmpi sge, %add3A_370, %ge3A_401 : i32
      %convert_element_type3A_403 = arith.extui %ge3A_402 : i1 to i32
      %cond3A_404 = arith.constant 0 : i32
      %cond3A_405 = arith.cmpi ne, %convert_element_type3A_403, %cond3A_404 : i32
      scf.if %cond3A_405 {
        %dma_wait3A_584 = arith.constant 0 : i32
        %dma_wait3A_585 = arith.constant 0 : i32
        %dma_wait3A_586 = arith.constant 0 : i32
        %dma_wait3A_587 = arith.constant 0 : i32
        %dma_wait3A_588 = tpu.memref_slice %arg9[%dma_wait3A_584, %dma_wait3A_586, %dma_wait3A_587] : memref<3x48x144xf32, #tpu.memory_space<vmem>> -> memref<1x48x144xf32, #tpu.memory_space<vmem>>
        %dma_wait3A_589 = tpu.memref_squeeze %dma_wait3A_588 : memref<1x48x144xf32, #tpu.memory_space<vmem>> -> memref<48x144xf32, #tpu.memory_space<vmem>>
        %dma_wait3A_590 = arith.constant 0 : i32
        %dma_wait3A_591 = tpu.memref_slice %arg8[%dma_wait3A_585, %dma_wait3A_590] : memref<6x48xi32, #tpu.memory_space<vmem>> -> memref<1x48xi32, #tpu.memory_space<vmem>>
        %dma_wait3A_592 = tpu.memref_squeeze %dma_wait3A_591 : memref<1x48xi32, #tpu.memory_space<vmem>> -> memref<48xi32, #tpu.memory_space<vmem>>
        %dma_wait3A_593 = arith.constant 0 : i32
        %dma_wait3A_594 = arith.constant 0 : i32
        %dma_wait3A_595 = tpu.memref_slice %arg10[%dma_wait3A_593, %dma_wait3A_594] : memref<10000x144xf32, #tpu.memory_space<vmem_shared>> -> memref<10000x144xf32, #tpu.memory_space<vmem_shared>>
        tpu.wait_indirect_dma semaphore(%arg14 : memref<!tpu.dma_semaphore, #tpu.memory_space<semaphore_mem>>) src(%dma_wait3A_589 : memref<48x144xf32, #tpu.memory_space<vmem>>) dst(%dma_wait3A_595 : memref<10000x144xf32, #tpu.memory_space<vmem_shared>>)
      } else {
      }
      %add3A_406 = arith.constant 2 : i32
      %add3A_407 = arith.addi %add3A_370, %add3A_406 : i32
      %lt3A_408 = arith.cmpi slt, %add3A_407, %select_n3A : i32
      %convert_element_type3A_409 = arith.extui %lt3A_408 : i1 to i32
      %cond3A_410 = arith.constant 0 : i32
      %cond3A_411 = arith.cmpi ne, %convert_element_type3A_409, %cond3A_410 : i32
      scf.if %cond3A_411 {
        %dma_start3A_584 = arith.constant 3 : i32
        %dma_start3A_585 = arith.constant 0 : i32
        %dma_start3A_586 = arith.constant 0 : i32
        %dma_start3A_587 = arith.constant 0 : i32
        %dma_start3A_588 = tpu.memref_slice %arg9[%dma_start3A_585, %dma_start3A_586, %dma_start3A_587] : memref<3x48x144xf32, #tpu.memory_space<vmem>> -> memref<1x48x144xf32, #tpu.memory_space<vmem>>
        %dma_start3A_589 = tpu.memref_squeeze %dma_start3A_588 : memref<1x48x144xf32, #tpu.memory_space<vmem>> -> memref<48x144xf32, #tpu.memory_space<vmem>>
        %dma_start3A_590 = arith.constant 0 : i32
        %dma_start3A_591 = tpu.memref_slice %arg7[%dma_start3A_584, %dma_start3A_590] : memref<6x48xi32, #tpu.memory_space<vmem>> -> memref<1x48xi32, #tpu.memory_space<vmem>>
        %dma_start3A_592 = tpu.memref_squeeze %dma_start3A_591 : memref<1x48xi32, #tpu.memory_space<vmem>> -> memref<48xi32, #tpu.memory_space<vmem>>
        %dma_start3A_593 = arith.constant 0 : i32
        %dma_start3A_594 = arith.constant 0 : i32
        %dma_start3A_595 = tpu.memref_slice %arg3[%dma_start3A_593, %dma_start3A_594] : memref<10016x144xf32, #tpu.memory_space<hbm>> -> memref<10016x144xf32, #tpu.memory_space<hbm>>
        tpu.enqueue_indirect_dma source(%dma_start3A_595 : memref<10016x144xf32, #tpu.memory_space<hbm>>) target(%dma_start3A_589 : memref<48x144xf32, #tpu.memory_space<vmem>>) offsets(%dma_start3A_592 : memref<48xi32, #tpu.memory_space<vmem>>) semaphore(%arg11 : memref<!tpu.dma_semaphore, #tpu.memory_space<semaphore_mem>>)
      } else {
      }
      %add3A_412 = arith.constant 2 : i32
      %add3A_413 = arith.addi %mul3A_328, %add3A_412 : i32
      %add3A_414 = arith.constant 4 : i32
      %add3A_415 = arith.addi %add3A_413, %add3A_414 : i32
      %lt3A_416 = arith.cmpi slt, %add3A_415, %select_n3A : i32
      %convert_element_type3A_417 = arith.extui %lt3A_416 : i1 to i32
      %cond3A_418 = arith.constant 0 : i32
      %cond3A_419 = arith.cmpi ne, %convert_element_type3A_417, %cond3A_418 : i32
      scf.if %cond3A_419 {
        %add3A_584 = arith.constant 4 : i32
        %add3A_585 = arith.addi %add3A_413, %add3A_584 : i32
        %mul3A_586 = arith.constant 48 : i32
        %mul3A_587 = arith.muli %add3A_585, %mul3A_586 : i32
        %add3A_588 = arith.constant 0 : i32
        %add3A_589 = arith.addi %mul3A_587, %add3A_588 : i32
        %get3A_590 = arith.index_cast %add3A_589 : i32 to index
        %get3A_591 = tpu.vector_load %arg6[%get3A_590] {strides = array<i32>} : memref<12672xi32, #tpu.memory_space<vmem>>, vector<16xi32>,
        %get3A_592 = vector.shape_cast %get3A_591 : vector<16xi32> to vector<16xi32>
        %and3A_593 = arith.constant 65535 : i32
        %and3A_594 = vector.broadcast %and3A_593 : i32 to vector<16xi32>
        %and3A_595 = arith.andi %get3A_592, %and3A_594 : vector<16xi32>
        %swap3A_596 = arith.constant 0 : i32
        %swap3A_597 = arith.index_cast %swap3A_596 : i32 to index
        %swap3A_598 = arith.constant 0 : index
        %swap3A_599 = tpu.vector_load %arg7[%swap3A_597, %swap3A_598] {strides = array<i32>} : memref<6x48xi32, #tpu.memory_space<vmem>>, vector<1x16xi32>,
        %swap3A_600 = vector.shape_cast %swap3A_599 : vector<1x16xi32> to vector<16xi32>
        %swap3A_601 = vector.shape_cast %and3A_595 : vector<16xi32> to vector<1x16xi32>
        tpu.vector_store %arg7[%swap3A_597, %swap3A_598], %swap3A_601 {strides = array<i32>} : memref<6x48xi32, #tpu.memory_space<vmem>>, vector<1x16xi32>,
        %shift_right_logical3A_602 = arith.constant 16 : i32
        %shift_right_logical3A_603 = vector.broadcast %shift_right_logical3A_602 : i32 to vector<16xi32>
        %shift_right_logical3A_604 = arith.shrui %get3A_592, %shift_right_logical3A_603 : vector<16xi32>
        %swap3A_605 = arith.constant 0 : i32
        %swap3A_606 = arith.index_cast %swap3A_605 : i32 to index
        %swap3A_607 = arith.constant 0 : index
        %swap3A_608 = tpu.vector_load %arg8[%swap3A_606, %swap3A_607] {strides = array<i32>} : memref<6x48xi32, #tpu.memory_space<vmem>>, vector<1x16xi32>,
        %swap3A_609 = vector.shape_cast %swap3A_608 : vector<1x16xi32> to vector<16xi32>
        %swap3A_610 = vector.shape_cast %shift_right_logical3A_604 : vector<16xi32> to vector<1x16xi32>
        tpu.vector_store %arg8[%swap3A_606, %swap3A_607], %swap3A_610 {strides = array<i32>} : memref<6x48xi32, #tpu.memory_space<vmem>>, vector<1x16xi32>,
        %mul3A_611 = arith.constant 48 : i32
        %mul3A_612 = arith.muli %add3A_585, %mul3A_611 : i32
        %add3A_613 = arith.constant 16 : i32
        %add3A_614 = arith.addi %mul3A_612, %add3A_613 : i32
        %get3A_615 = arith.index_cast %add3A_614 : i32 to index
        %get3A_616 = tpu.vector_load %arg6[%get3A_615] {strides = array<i32>} : memref<12672xi32, #tpu.memory_space<vmem>>, vector<16xi32>,
        %get3A_617 = vector.shape_cast %get3A_616 : vector<16xi32> to vector<16xi32>
        %and3A_618 = arith.constant 65535 : i32
        %and3A_619 = vector.broadcast %and3A_618 : i32 to vector<16xi32>
        %and3A_620 = arith.andi %get3A_617, %and3A_619 : vector<16xi32>
        %swap3A_621 = arith.constant 0 : i32
        %swap3A_622 = arith.index_cast %swap3A_621 : i32 to index
        %swap3A_623 = arith.constant 16 : index
        %swap3A_624 = tpu.vector_load %arg7[%swap3A_622, %swap3A_623] {strides = array<i32>} : memref<6x48xi32, #tpu.memory_space<vmem>>, vector<1x16xi32>,
        %swap3A_625 = vector.shape_cast %swap3A_624 : vector<1x16xi32> to vector<16xi32>
        %swap3A_626 = vector.shape_cast %and3A_620 : vector<16xi32> to vector<1x16xi32>
        tpu.vector_store %arg7[%swap3A_622, %swap3A_623], %swap3A_626 {strides = array<i32>} : memref<6x48xi32, #tpu.memory_space<vmem>>, vector<1x16xi32>,
        %shift_right_logical3A_627 = arith.constant 16 : i32
        %shift_right_logical3A_628 = vector.broadcast %shift_right_logical3A_627 : i32 to vector<16xi32>
        %shift_right_logical3A_629 = arith.shrui %get3A_617, %shift_right_logical3A_628 : vector<16xi32>
        %swap3A_630 = arith.constant 0 : i32
        %swap3A_631 = arith.index_cast %swap3A_630 : i32 to index
        %swap3A_632 = arith.constant 16 : index
        %swap3A_633 = tpu.vector_load %arg8[%swap3A_631, %swap3A_632] {strides = array<i32>} : memref<6x48xi32, #tpu.memory_space<vmem>>, vector<1x16xi32>,
        %swap3A_634 = vector.shape_cast %swap3A_633 : vector<1x16xi32> to vector<16xi32>
        %swap3A_635 = vector.shape_cast %shift_right_logical3A_629 : vector<16xi32> to vector<1x16xi32>
        tpu.vector_store %arg8[%swap3A_631, %swap3A_632], %swap3A_635 {strides = array<i32>} : memref<6x48xi32, #tpu.memory_space<vmem>>, vector<1x16xi32>,
        %mul3A_636 = arith.constant 48 : i32
        %mul3A_637 = arith.muli %add3A_585, %mul3A_636 : i32
        %add3A_638 = arith.constant 32 : i32
        %add3A_639 = arith.addi %mul3A_637, %add3A_638 : i32
        %get3A_640 = arith.index_cast %add3A_639 : i32 to index
        %get3A_641 = tpu.vector_load %arg6[%get3A_640] {strides = array<i32>} : memref<12672xi32, #tpu.memory_space<vmem>>, vector<16xi32>,
        %get3A_642 = vector.shape_cast %get3A_641 : vector<16xi32> to vector<16xi32>
        %and3A_643 = arith.constant 65535 : i32
        %and3A_644 = vector.broadcast %and3A_643 : i32 to vector<16xi32>
        %and3A_645 = arith.andi %get3A_642, %and3A_644 : vector<16xi32>
        %swap3A_646 = arith.constant 0 : i32
        %swap3A_647 = arith.index_cast %swap3A_646 : i32 to index
        %swap3A_648 = arith.constant 32 : index
        %swap3A_649 = tpu.vector_load %arg7[%swap3A_647, %swap3A_648] {strides = array<i32>} : memref<6x48xi32, #tpu.memory_space<vmem>>, vector<1x16xi32>,
        %swap3A_650 = vector.shape_cast %swap3A_649 : vector<1x16xi32> to vector<16xi32>
        %swap3A_651 = vector.shape_cast %and3A_645 : vector<16xi32> to vector<1x16xi32>
        tpu.vector_store %arg7[%swap3A_647, %swap3A_648], %swap3A_651 {strides = array<i32>} : memref<6x48xi32, #tpu.memory_space<vmem>>, vector<1x16xi32>,
        %shift_right_logical3A_652 = arith.constant 16 : i32
        %shift_right_logical3A_653 = vector.broadcast %shift_right_logical3A_652 : i32 to vector<16xi32>
        %shift_right_logical3A_654 = arith.shrui %get3A_642, %shift_right_logical3A_653 : vector<16xi32>
        %swap3A_655 = arith.constant 0 : i32
        %swap3A_656 = arith.index_cast %swap3A_655 : i32 to index
        %swap3A_657 = arith.constant 32 : index
        %swap3A_658 = tpu.vector_load %arg8[%swap3A_656, %swap3A_657] {strides = array<i32>} : memref<6x48xi32, #tpu.memory_space<vmem>>, vector<1x16xi32>,
        %swap3A_659 = vector.shape_cast %swap3A_658 : vector<1x16xi32> to vector<16xi32>
        %swap3A_660 = vector.shape_cast %shift_right_logical3A_654 : vector<16xi32> to vector<1x16xi32>
        tpu.vector_store %arg8[%swap3A_656, %swap3A_657], %swap3A_660 {strides = array<i32>} : memref<6x48xi32, #tpu.memory_space<vmem>>, vector<1x16xi32>,
      } else {
      }
      %dma_wait3A_420 = arith.constant 2 : i32
      %dma_wait3A_421 = arith.constant 2 : i32
      %dma_wait3A_422 = arith.constant 0 : i32
      %dma_wait3A_423 = arith.constant 0 : i32
      %dma_wait3A_424 = tpu.memref_slice %arg9[%dma_wait3A_421, %dma_wait3A_422, %dma_wait3A_423] : memref<3x48x144xf32, #tpu.memory_space<vmem>> -> memref<1x48x144xf32, #tpu.memory_space<vmem>>
      %dma_wait3A_425 = tpu.memref_squeeze %dma_wait3A_424 : memref<1x48x144xf32, #tpu.memory_space<vmem>> -> memref<48x144xf32, #tpu.memory_space<vmem>>
      %dma_wait3A_426 = arith.constant 0 : i32
      %dma_wait3A_427 = tpu.memref_slice %arg7[%dma_wait3A_420, %dma_wait3A_426] : memref<6x48xi32, #tpu.memory_space<vmem>> -> memref<1x48xi32, #tpu.memory_space<vmem>>
      %dma_wait3A_428 = tpu.memref_squeeze %dma_wait3A_427 : memref<1x48xi32, #tpu.memory_space<vmem>> -> memref<48xi32, #tpu.memory_space<vmem>>
      %dma_wait3A_429 = arith.constant 0 : i32
      %dma_wait3A_430 = arith.constant 0 : i32
      %dma_wait3A_431 = tpu.memref_slice %arg3[%dma_wait3A_429, %dma_wait3A_430] : memref<10016x144xf32, #tpu.memory_space<hbm>> -> memref<10016x144xf32, #tpu.memory_space<hbm>>
      tpu.wait_indirect_dma semaphore(%arg13 : memref<!tpu.dma_semaphore, #tpu.memory_space<semaphore_mem>>) src(%dma_wait3A_431 : memref<10016x144xf32, #tpu.memory_space<hbm>>) dst(%dma_wait3A_425 : memref<48x144xf32, #tpu.memory_space<vmem>>)
      %dma_start3A_432 = arith.constant 2 : i32
      %dma_start3A_433 = arith.constant 2 : i32
      %dma_start3A_434 = arith.constant 0 : i32
      %dma_start3A_435 = arith.constant 0 : i32
      %dma_start3A_436 = tpu.memref_slice %arg9[%dma_start3A_432, %dma_start3A_434, %dma_start3A_435] : memref<3x48x144xf32, #tpu.memory_space<vmem>> -> memref<1x48x144xf32, #tpu.memory_space<vmem>>
      %dma_start3A_437 = tpu.memref_squeeze %dma_start3A_436 : memref<1x48x144xf32, #tpu.memory_space<vmem>> -> memref<48x144xf32, #tpu.memory_space<vmem>>
      %dma_start3A_438 = arith.constant 0 : i32
      %dma_start3A_439 = tpu.memref_slice %arg8[%dma_start3A_433, %dma_start3A_438] : memref<6x48xi32, #tpu.memory_space<vmem>> -> memref<1x48xi32, #tpu.memory_space<vmem>>
      %dma_start3A_440 = tpu.memref_squeeze %dma_start3A_439 : memref<1x48xi32, #tpu.memory_space<vmem>> -> memref<48xi32, #tpu.memory_space<vmem>>
      %dma_start3A_441 = arith.constant 0 : i32
      %dma_start3A_442 = arith.constant 0 : i32
      %dma_start3A_443 = tpu.memref_slice %arg10[%dma_start3A_441, %dma_start3A_442] : memref<10000x144xf32, #tpu.memory_space<vmem_shared>> -> memref<10000x144xf32, #tpu.memory_space<vmem_shared>>
      tpu.enqueue_indirect_dma source(%dma_start3A_437 : memref<48x144xf32, #tpu.memory_space<vmem>>) target(%dma_start3A_443 : memref<10000x144xf32, #tpu.memory_space<vmem_shared>>) offsets(%dma_start3A_440 : memref<48xi32, #tpu.memory_space<vmem>>) semaphore(%arg16 : memref<!tpu.dma_semaphore, #tpu.memory_space<semaphore_mem>>) {add = true}
      %ge3A_444 = arith.constant 1 : i32
      %ge3A_445 = arith.cmpi sge, %add3A_413, %ge3A_444 : i32
      %convert_element_type3A_446 = arith.extui %ge3A_445 : i1 to i32
      %cond3A_447 = arith.constant 0 : i32
      %cond3A_448 = arith.cmpi ne, %convert_element_type3A_446, %cond3A_447 : i32
      scf.if %cond3A_448 {
        %dma_wait3A_584 = arith.constant 1 : i32
        %dma_wait3A_585 = arith.constant 1 : i32
        %dma_wait3A_586 = arith.constant 0 : i32
        %dma_wait3A_587 = arith.constant 0 : i32
        %dma_wait3A_588 = tpu.memref_slice %arg9[%dma_wait3A_584, %dma_wait3A_586, %dma_wait3A_587] : memref<3x48x144xf32, #tpu.memory_space<vmem>> -> memref<1x48x144xf32, #tpu.memory_space<vmem>>
        %dma_wait3A_589 = tpu.memref_squeeze %dma_wait3A_588 : memref<1x48x144xf32, #tpu.memory_space<vmem>> -> memref<48x144xf32, #tpu.memory_space<vmem>>
        %dma_wait3A_590 = arith.constant 0 : i32
        %dma_wait3A_591 = tpu.memref_slice %arg8[%dma_wait3A_585, %dma_wait3A_590] : memref<6x48xi32, #tpu.memory_space<vmem>> -> memref<1x48xi32, #tpu.memory_space<vmem>>
        %dma_wait3A_592 = tpu.memref_squeeze %dma_wait3A_591 : memref<1x48xi32, #tpu.memory_space<vmem>> -> memref<48xi32, #tpu.memory_space<vmem>>
        %dma_wait3A_593 = arith.constant 0 : i32
        %dma_wait3A_594 = arith.constant 0 : i32
        %dma_wait3A_595 = tpu.memref_slice %arg10[%dma_wait3A_593, %dma_wait3A_594] : memref<10000x144xf32, #tpu.memory_space<vmem_shared>> -> memref<10000x144xf32, #tpu.memory_space<vmem_shared>>
        tpu.wait_indirect_dma semaphore(%arg15 : memref<!tpu.dma_semaphore, #tpu.memory_space<semaphore_mem>>) src(%dma_wait3A_589 : memref<48x144xf32, #tpu.memory_space<vmem>>) dst(%dma_wait3A_595 : memref<10000x144xf32, #tpu.memory_space<vmem_shared>>)
      } else {
      }
      %add3A_449 = arith.constant 2 : i32
      %add3A_450 = arith.addi %add3A_413, %add3A_449 : i32
      %lt3A_451 = arith.cmpi slt, %add3A_450, %select_n3A : i32
      %convert_element_type3A_452 = arith.extui %lt3A_451 : i1 to i32
      %cond3A_453 = arith.constant 0 : i32
      %cond3A_454 = arith.cmpi ne, %convert_element_type3A_452, %cond3A_453 : i32
      scf.if %cond3A_454 {
        %dma_start3A_584 = arith.constant 4 : i32
        %dma_start3A_585 = arith.constant 1 : i32
        %dma_start3A_586 = arith.constant 0 : i32
        %dma_start3A_587 = arith.constant 0 : i32
        %dma_start3A_588 = tpu.memref_slice %arg9[%dma_start3A_585, %dma_start3A_586, %dma_start3A_587] : memref<3x48x144xf32, #tpu.memory_space<vmem>> -> memref<1x48x144xf32, #tpu.memory_space<vmem>>
        %dma_start3A_589 = tpu.memref_squeeze %dma_start3A_588 : memref<1x48x144xf32, #tpu.memory_space<vmem>> -> memref<48x144xf32, #tpu.memory_space<vmem>>
        %dma_start3A_590 = arith.constant 0 : i32
        %dma_start3A_591 = tpu.memref_slice %arg7[%dma_start3A_584, %dma_start3A_590] : memref<6x48xi32, #tpu.memory_space<vmem>> -> memref<1x48xi32, #tpu.memory_space<vmem>>
        %dma_start3A_592 = tpu.memref_squeeze %dma_start3A_591 : memref<1x48xi32, #tpu.memory_space<vmem>> -> memref<48xi32, #tpu.memory_space<vmem>>
        %dma_start3A_593 = arith.constant 0 : i32
        %dma_start3A_594 = arith.constant 0 : i32
        %dma_start3A_595 = tpu.memref_slice %arg3[%dma_start3A_593, %dma_start3A_594] : memref<10016x144xf32, #tpu.memory_space<hbm>> -> memref<10016x144xf32, #tpu.memory_space<hbm>>
        tpu.enqueue_indirect_dma source(%dma_start3A_595 : memref<10016x144xf32, #tpu.memory_space<hbm>>) target(%dma_start3A_589 : memref<48x144xf32, #tpu.memory_space<vmem>>) offsets(%dma_start3A_592 : memref<48xi32, #tpu.memory_space<vmem>>) semaphore(%arg12 : memref<!tpu.dma_semaphore, #tpu.memory_space<semaphore_mem>>)
      } else {
      }
      %add3A_455 = arith.constant 3 : i32
      %add3A_456 = arith.addi %mul3A_328, %add3A_455 : i32
      %add3A_457 = arith.constant 4 : i32
      %add3A_458 = arith.addi %add3A_456, %add3A_457 : i32
      %lt3A_459 = arith.cmpi slt, %add3A_458, %select_n3A : i32
      %convert_element_type3A_460 = arith.extui %lt3A_459 : i1 to i32
      %cond3A_461 = arith.constant 0 : i32
      %cond3A_462 = arith.cmpi ne, %convert_element_type3A_460, %cond3A_461 : i32
      scf.if %cond3A_462 {
        %add3A_584 = arith.constant 4 : i32
        %add3A_585 = arith.addi %add3A_456, %add3A_584 : i32
        %mul3A_586 = arith.constant 48 : i32
        %mul3A_587 = arith.muli %add3A_585, %mul3A_586 : i32
        %add3A_588 = arith.constant 0 : i32
        %add3A_589 = arith.addi %mul3A_587, %add3A_588 : i32
        %get3A_590 = arith.index_cast %add3A_589 : i32 to index
        %get3A_591 = tpu.vector_load %arg6[%get3A_590] {strides = array<i32>} : memref<12672xi32, #tpu.memory_space<vmem>>, vector<16xi32>,
        %get3A_592 = vector.shape_cast %get3A_591 : vector<16xi32> to vector<16xi32>
        %and3A_593 = arith.constant 65535 : i32
        %and3A_594 = vector.broadcast %and3A_593 : i32 to vector<16xi32>
        %and3A_595 = arith.andi %get3A_592, %and3A_594 : vector<16xi32>
        %swap3A_596 = arith.constant 1 : i32
        %swap3A_597 = arith.index_cast %swap3A_596 : i32 to index
        %swap3A_598 = arith.constant 0 : index
        %swap3A_599 = tpu.vector_load %arg7[%swap3A_597, %swap3A_598] {strides = array<i32>} : memref<6x48xi32, #tpu.memory_space<vmem>>, vector<1x16xi32>,
        %swap3A_600 = vector.shape_cast %swap3A_599 : vector<1x16xi32> to vector<16xi32>
        %swap3A_601 = vector.shape_cast %and3A_595 : vector<16xi32> to vector<1x16xi32>
        tpu.vector_store %arg7[%swap3A_597, %swap3A_598], %swap3A_601 {strides = array<i32>} : memref<6x48xi32, #tpu.memory_space<vmem>>, vector<1x16xi32>,
        %shift_right_logical3A_602 = arith.constant 16 : i32
        %shift_right_logical3A_603 = vector.broadcast %shift_right_logical3A_602 : i32 to vector<16xi32>
        %shift_right_logical3A_604 = arith.shrui %get3A_592, %shift_right_logical3A_603 : vector<16xi32>
        %swap3A_605 = arith.constant 1 : i32
        %swap3A_606 = arith.index_cast %swap3A_605 : i32 to index
        %swap3A_607 = arith.constant 0 : index
        %swap3A_608 = tpu.vector_load %arg8[%swap3A_606, %swap3A_607] {strides = array<i32>} : memref<6x48xi32, #tpu.memory_space<vmem>>, vector<1x16xi32>,
        %swap3A_609 = vector.shape_cast %swap3A_608 : vector<1x16xi32> to vector<16xi32>
        %swap3A_610 = vector.shape_cast %shift_right_logical3A_604 : vector<16xi32> to vector<1x16xi32>
        tpu.vector_store %arg8[%swap3A_606, %swap3A_607], %swap3A_610 {strides = array<i32>} : memref<6x48xi32, #tpu.memory_space<vmem>>, vector<1x16xi32>,
        %mul3A_611 = arith.constant 48 : i32
        %mul3A_612 = arith.muli %add3A_585, %mul3A_611 : i32
        %add3A_613 = arith.constant 16 : i32
        %add3A_614 = arith.addi %mul3A_612, %add3A_613 : i32
        %get3A_615 = arith.index_cast %add3A_614 : i32 to index
        %get3A_616 = tpu.vector_load %arg6[%get3A_615] {strides = array<i32>} : memref<12672xi32, #tpu.memory_space<vmem>>, vector<16xi32>,
        %get3A_617 = vector.shape_cast %get3A_616 : vector<16xi32> to vector<16xi32>
        %and3A_618 = arith.constant 65535 : i32
        %and3A_619 = vector.broadcast %and3A_618 : i32 to vector<16xi32>
        %and3A_620 = arith.andi %get3A_617, %and3A_619 : vector<16xi32>
        %swap3A_621 = arith.constant 1 : i32
        %swap3A_622 = arith.index_cast %swap3A_621 : i32 to index
        %swap3A_623 = arith.constant 16 : index
        %swap3A_624 = tpu.vector_load %arg7[%swap3A_622, %swap3A_623] {strides = array<i32>} : memref<6x48xi32, #tpu.memory_space<vmem>>, vector<1x16xi32>,
        %swap3A_625 = vector.shape_cast %swap3A_624 : vector<1x16xi32> to vector<16xi32>
        %swap3A_626 = vector.shape_cast %and3A_620 : vector<16xi32> to vector<1x16xi32>
        tpu.vector_store %arg7[%swap3A_622, %swap3A_623], %swap3A_626 {strides = array<i32>} : memref<6x48xi32, #tpu.memory_space<vmem>>, vector<1x16xi32>,
        %shift_right_logical3A_627 = arith.constant 16 : i32
        %shift_right_logical3A_628 = vector.broadcast %shift_right_logical3A_627 : i32 to vector<16xi32>
        %shift_right_logical3A_629 = arith.shrui %get3A_617, %shift_right_logical3A_628 : vector<16xi32>
        %swap3A_630 = arith.constant 1 : i32
        %swap3A_631 = arith.index_cast %swap3A_630 : i32 to index
        %swap3A_632 = arith.constant 16 : index
        %swap3A_633 = tpu.vector_load %arg8[%swap3A_631, %swap3A_632] {strides = array<i32>} : memref<6x48xi32, #tpu.memory_space<vmem>>, vector<1x16xi32>,
        %swap3A_634 = vector.shape_cast %swap3A_633 : vector<1x16xi32> to vector<16xi32>
        %swap3A_635 = vector.shape_cast %shift_right_logical3A_629 : vector<16xi32> to vector<1x16xi32>
        tpu.vector_store %arg8[%swap3A_631, %swap3A_632], %swap3A_635 {strides = array<i32>} : memref<6x48xi32, #tpu.memory_space<vmem>>, vector<1x16xi32>,
        %mul3A_636 = arith.constant 48 : i32
        %mul3A_637 = arith.muli %add3A_585, %mul3A_636 : i32
        %add3A_638 = arith.constant 32 : i32
        %add3A_639 = arith.addi %mul3A_637, %add3A_638 : i32
        %get3A_640 = arith.index_cast %add3A_639 : i32 to index
        %get3A_641 = tpu.vector_load %arg6[%get3A_640] {strides = array<i32>} : memref<12672xi32, #tpu.memory_space<vmem>>, vector<16xi32>,
        %get3A_642 = vector.shape_cast %get3A_641 : vector<16xi32> to vector<16xi32>
        %and3A_643 = arith.constant 65535 : i32
        %and3A_644 = vector.broadcast %and3A_643 : i32 to vector<16xi32>
        %and3A_645 = arith.andi %get3A_642, %and3A_644 : vector<16xi32>
        %swap3A_646 = arith.constant 1 : i32
        %swap3A_647 = arith.index_cast %swap3A_646 : i32 to index
        %swap3A_648 = arith.constant 32 : index
        %swap3A_649 = tpu.vector_load %arg7[%swap3A_647, %swap3A_648] {strides = array<i32>} : memref<6x48xi32, #tpu.memory_space<vmem>>, vector<1x16xi32>,
        %swap3A_650 = vector.shape_cast %swap3A_649 : vector<1x16xi32> to vector<16xi32>
        %swap3A_651 = vector.shape_cast %and3A_645 : vector<16xi32> to vector<1x16xi32>
        tpu.vector_store %arg7[%swap3A_647, %swap3A_648], %swap3A_651 {strides = array<i32>} : memref<6x48xi32, #tpu.memory_space<vmem>>, vector<1x16xi32>,
        %shift_right_logical3A_652 = arith.constant 16 : i32
        %shift_right_logical3A_653 = vector.broadcast %shift_right_logical3A_652 : i32 to vector<16xi32>
        %shift_right_logical3A_654 = arith.shrui %get3A_642, %shift_right_logical3A_653 : vector<16xi32>
        %swap3A_655 = arith.constant 1 : i32
        %swap3A_656 = arith.index_cast %swap3A_655 : i32 to index
        %swap3A_657 = arith.constant 32 : index
        %swap3A_658 = tpu.vector_load %arg8[%swap3A_656, %swap3A_657] {strides = array<i32>} : memref<6x48xi32, #tpu.memory_space<vmem>>, vector<1x16xi32>,
        %swap3A_659 = vector.shape_cast %swap3A_658 : vector<1x16xi32> to vector<16xi32>
        %swap3A_660 = vector.shape_cast %shift_right_logical3A_654 : vector<16xi32> to vector<1x16xi32>
        tpu.vector_store %arg8[%swap3A_656, %swap3A_657], %swap3A_660 {strides = array<i32>} : memref<6x48xi32, #tpu.memory_space<vmem>>, vector<1x16xi32>,
      } else {
      }
      %dma_wait3A_463 = arith.constant 3 : i32
      %dma_wait3A_464 = arith.constant 0 : i32
      %dma_wait3A_465 = arith.constant 0 : i32
      %dma_wait3A_466 = arith.constant 0 : i32
      %dma_wait3A_467 = tpu.memref_slice %arg9[%dma_wait3A_464, %dma_wait3A_465, %dma_wait3A_466] : memref<3x48x144xf32, #tpu.memory_space<vmem>> -> memref<1x48x144xf32, #tpu.memory_space<vmem>>
      %dma_wait3A_468 = tpu.memref_squeeze %dma_wait3A_467 : memref<1x48x144xf32, #tpu.memory_space<vmem>> -> memref<48x144xf32, #tpu.memory_space<vmem>>
      %dma_wait3A_469 = arith.constant 0 : i32
      %dma_wait3A_470 = tpu.memref_slice %arg7[%dma_wait3A_463, %dma_wait3A_469] : memref<6x48xi32, #tpu.memory_space<vmem>> -> memref<1x48xi32, #tpu.memory_space<vmem>>
      %dma_wait3A_471 = tpu.memref_squeeze %dma_wait3A_470 : memref<1x48xi32, #tpu.memory_space<vmem>> -> memref<48xi32, #tpu.memory_space<vmem>>
      %dma_wait3A_472 = arith.constant 0 : i32
      %dma_wait3A_473 = arith.constant 0 : i32
      %dma_wait3A_474 = tpu.memref_slice %arg3[%dma_wait3A_472, %dma_wait3A_473] : memref<10016x144xf32, #tpu.memory_space<hbm>> -> memref<10016x144xf32, #tpu.memory_space<hbm>>
      tpu.wait_indirect_dma semaphore(%arg11 : memref<!tpu.dma_semaphore, #tpu.memory_space<semaphore_mem>>) src(%dma_wait3A_474 : memref<10016x144xf32, #tpu.memory_space<hbm>>) dst(%dma_wait3A_468 : memref<48x144xf32, #tpu.memory_space<vmem>>)
      %dma_start3A_475 = arith.constant 0 : i32
      %dma_start3A_476 = arith.constant 3 : i32
      %dma_start3A_477 = arith.constant 0 : i32
      %dma_start3A_478 = arith.constant 0 : i32
      %dma_start3A_479 = tpu.memref_slice %arg9[%dma_start3A_475, %dma_start3A_477, %dma_start3A_478] : memref<3x48x144xf32, #tpu.memory_space<vmem>> -> memref<1x48x144xf32, #tpu.memory_space<vmem>>
      %dma_start3A_480 = tpu.memref_squeeze %dma_start3A_479 : memref<1x48x144xf32, #tpu.memory_space<vmem>> -> memref<48x144xf32, #tpu.memory_space<vmem>>
      %dma_start3A_481 = arith.constant 0 : i32
      %dma_start3A_482 = tpu.memref_slice %arg8[%dma_start3A_476, %dma_start3A_481] : memref<6x48xi32, #tpu.memory_space<vmem>> -> memref<1x48xi32, #tpu.memory_space<vmem>>
      %dma_start3A_483 = tpu.memref_squeeze %dma_start3A_482 : memref<1x48xi32, #tpu.memory_space<vmem>> -> memref<48xi32, #tpu.memory_space<vmem>>
      %dma_start3A_484 = arith.constant 0 : i32
      %dma_start3A_485 = arith.constant 0 : i32
      %dma_start3A_486 = tpu.memref_slice %arg10[%dma_start3A_484, %dma_start3A_485] : memref<10000x144xf32, #tpu.memory_space<vmem_shared>> -> memref<10000x144xf32, #tpu.memory_space<vmem_shared>>
      tpu.enqueue_indirect_dma source(%dma_start3A_480 : memref<48x144xf32, #tpu.memory_space<vmem>>) target(%dma_start3A_486 : memref<10000x144xf32, #tpu.memory_space<vmem_shared>>) offsets(%dma_start3A_483 : memref<48xi32, #tpu.memory_space<vmem>>) semaphore(%arg14 : memref<!tpu.dma_semaphore, #tpu.memory_space<semaphore_mem>>) {add = true}
      %ge3A_487 = arith.constant 1 : i32
      %ge3A_488 = arith.cmpi sge, %add3A_456, %ge3A_487 : i32
      %convert_element_type3A_489 = arith.extui %ge3A_488 : i1 to i32
      %cond3A_490 = arith.constant 0 : i32
      %cond3A_491 = arith.cmpi ne, %convert_element_type3A_489, %cond3A_490 : i32
      scf.if %cond3A_491 {
        %dma_wait3A_584 = arith.constant 2 : i32
        %dma_wait3A_585 = arith.constant 2 : i32
        %dma_wait3A_586 = arith.constant 0 : i32
        %dma_wait3A_587 = arith.constant 0 : i32
        %dma_wait3A_588 = tpu.memref_slice %arg9[%dma_wait3A_584, %dma_wait3A_586, %dma_wait3A_587] : memref<3x48x144xf32, #tpu.memory_space<vmem>> -> memref<1x48x144xf32, #tpu.memory_space<vmem>>
        %dma_wait3A_589 = tpu.memref_squeeze %dma_wait3A_588 : memref<1x48x144xf32, #tpu.memory_space<vmem>> -> memref<48x144xf32, #tpu.memory_space<vmem>>
        %dma_wait3A_590 = arith.constant 0 : i32
        %dma_wait3A_591 = tpu.memref_slice %arg8[%dma_wait3A_585, %dma_wait3A_590] : memref<6x48xi32, #tpu.memory_space<vmem>> -> memref<1x48xi32, #tpu.memory_space<vmem>>
        %dma_wait3A_592 = tpu.memref_squeeze %dma_wait3A_591 : memref<1x48xi32, #tpu.memory_space<vmem>> -> memref<48xi32, #tpu.memory_space<vmem>>
        %dma_wait3A_593 = arith.constant 0 : i32
        %dma_wait3A_594 = arith.constant 0 : i32
        %dma_wait3A_595 = tpu.memref_slice %arg10[%dma_wait3A_593, %dma_wait3A_594] : memref<10000x144xf32, #tpu.memory_space<vmem_shared>> -> memref<10000x144xf32, #tpu.memory_space<vmem_shared>>
        tpu.wait_indirect_dma semaphore(%arg16 : memref<!tpu.dma_semaphore, #tpu.memory_space<semaphore_mem>>) src(%dma_wait3A_589 : memref<48x144xf32, #tpu.memory_space<vmem>>) dst(%dma_wait3A_595 : memref<10000x144xf32, #tpu.memory_space<vmem_shared>>)
      } else {
      }
      %add3A_492 = arith.constant 2 : i32
      %add3A_493 = arith.addi %add3A_456, %add3A_492 : i32
      %lt3A_494 = arith.cmpi slt, %add3A_493, %select_n3A : i32
      %convert_element_type3A_495 = arith.extui %lt3A_494 : i1 to i32
      %cond3A_496 = arith.constant 0 : i32
      %cond3A_497 = arith.cmpi ne, %convert_element_type3A_495, %cond3A_496 : i32
      scf.if %cond3A_497 {
        %dma_start3A_584 = arith.constant 5 : i32
        %dma_start3A_585 = arith.constant 2 : i32
        %dma_start3A_586 = arith.constant 0 : i32
        %dma_start3A_587 = arith.constant 0 : i32
        %dma_start3A_588 = tpu.memref_slice %arg9[%dma_start3A_585, %dma_start3A_586, %dma_start3A_587] : memref<3x48x144xf32, #tpu.memory_space<vmem>> -> memref<1x48x144xf32, #tpu.memory_space<vmem>>
        %dma_start3A_589 = tpu.memref_squeeze %dma_start3A_588 : memref<1x48x144xf32, #tpu.memory_space<vmem>> -> memref<48x144xf32, #tpu.memory_space<vmem>>
        %dma_start3A_590 = arith.constant 0 : i32
        %dma_start3A_591 = tpu.memref_slice %arg7[%dma_start3A_584, %dma_start3A_590] : memref<6x48xi32, #tpu.memory_space<vmem>> -> memref<1x48xi32, #tpu.memory_space<vmem>>
        %dma_start3A_592 = tpu.memref_squeeze %dma_start3A_591 : memref<1x48xi32, #tpu.memory_space<vmem>> -> memref<48xi32, #tpu.memory_space<vmem>>
        %dma_start3A_593 = arith.constant 0 : i32
        %dma_start3A_594 = arith.constant 0 : i32
        %dma_start3A_595 = tpu.memref_slice %arg3[%dma_start3A_593, %dma_start3A_594] : memref<10016x144xf32, #tpu.memory_space<hbm>> -> memref<10016x144xf32, #tpu.memory_space<hbm>>
        tpu.enqueue_indirect_dma source(%dma_start3A_595 : memref<10016x144xf32, #tpu.memory_space<hbm>>) target(%dma_start3A_589 : memref<48x144xf32, #tpu.memory_space<vmem>>) offsets(%dma_start3A_592 : memref<48xi32, #tpu.memory_space<vmem>>) semaphore(%arg13 : memref<!tpu.dma_semaphore, #tpu.memory_space<semaphore_mem>>)
      } else {
      }
      %add3A_498 = arith.constant 4 : i32
      %add3A_499 = arith.addi %mul3A_328, %add3A_498 : i32
      %add3A_500 = arith.constant 4 : i32
      %add3A_501 = arith.addi %add3A_499, %add3A_500 : i32
      %lt3A_502 = arith.cmpi slt, %add3A_501, %select_n3A : i32
      %convert_element_type3A_503 = arith.extui %lt3A_502 : i1 to i32
      %cond3A_504 = arith.constant 0 : i32
      %cond3A_505 = arith.cmpi ne, %convert_element_type3A_503, %cond3A_504 : i32
      scf.if %cond3A_505 {
        %add3A_584 = arith.constant 4 : i32
        %add3A_585 = arith.addi %add3A_499, %add3A_584 : i32
        %mul3A_586 = arith.constant 48 : i32
        %mul3A_587 = arith.muli %add3A_585, %mul3A_586 : i32
        %add3A_588 = arith.constant 0 : i32
        %add3A_589 = arith.addi %mul3A_587, %add3A_588 : i32
        %get3A_590 = arith.index_cast %add3A_589 : i32 to index
        %get3A_591 = tpu.vector_load %arg6[%get3A_590] {strides = array<i32>} : memref<12672xi32, #tpu.memory_space<vmem>>, vector<16xi32>,
        %get3A_592 = vector.shape_cast %get3A_591 : vector<16xi32> to vector<16xi32>
        %and3A_593 = arith.constant 65535 : i32
        %and3A_594 = vector.broadcast %and3A_593 : i32 to vector<16xi32>
        %and3A_595 = arith.andi %get3A_592, %and3A_594 : vector<16xi32>
        %swap3A_596 = arith.constant 2 : i32
        %swap3A_597 = arith.index_cast %swap3A_596 : i32 to index
        %swap3A_598 = arith.constant 0 : index
        %swap3A_599 = tpu.vector_load %arg7[%swap3A_597, %swap3A_598] {strides = array<i32>} : memref<6x48xi32, #tpu.memory_space<vmem>>, vector<1x16xi32>,
        %swap3A_600 = vector.shape_cast %swap3A_599 : vector<1x16xi32> to vector<16xi32>
        %swap3A_601 = vector.shape_cast %and3A_595 : vector<16xi32> to vector<1x16xi32>
        tpu.vector_store %arg7[%swap3A_597, %swap3A_598], %swap3A_601 {strides = array<i32>} : memref<6x48xi32, #tpu.memory_space<vmem>>, vector<1x16xi32>,
        %shift_right_logical3A_602 = arith.constant 16 : i32
        %shift_right_logical3A_603 = vector.broadcast %shift_right_logical3A_602 : i32 to vector<16xi32>
        %shift_right_logical3A_604 = arith.shrui %get3A_592, %shift_right_logical3A_603 : vector<16xi32>
        %swap3A_605 = arith.constant 2 : i32
        %swap3A_606 = arith.index_cast %swap3A_605 : i32 to index
        %swap3A_607 = arith.constant 0 : index
        %swap3A_608 = tpu.vector_load %arg8[%swap3A_606, %swap3A_607] {strides = array<i32>} : memref<6x48xi32, #tpu.memory_space<vmem>>, vector<1x16xi32>,
        %swap3A_609 = vector.shape_cast %swap3A_608 : vector<1x16xi32> to vector<16xi32>
        %swap3A_610 = vector.shape_cast %shift_right_logical3A_604 : vector<16xi32> to vector<1x16xi32>
        tpu.vector_store %arg8[%swap3A_606, %swap3A_607], %swap3A_610 {strides = array<i32>} : memref<6x48xi32, #tpu.memory_space<vmem>>, vector<1x16xi32>,
        %mul3A_611 = arith.constant 48 : i32
        %mul3A_612 = arith.muli %add3A_585, %mul3A_611 : i32
        %add3A_613 = arith.constant 16 : i32
        %add3A_614 = arith.addi %mul3A_612, %add3A_613 : i32
        %get3A_615 = arith.index_cast %add3A_614 : i32 to index
        %get3A_616 = tpu.vector_load %arg6[%get3A_615] {strides = array<i32>} : memref<12672xi32, #tpu.memory_space<vmem>>, vector<16xi32>,
        %get3A_617 = vector.shape_cast %get3A_616 : vector<16xi32> to vector<16xi32>
        %and3A_618 = arith.constant 65535 : i32
        %and3A_619 = vector.broadcast %and3A_618 : i32 to vector<16xi32>
        %and3A_620 = arith.andi %get3A_617, %and3A_619 : vector<16xi32>
        %swap3A_621 = arith.constant 2 : i32
        %swap3A_622 = arith.index_cast %swap3A_621 : i32 to index
        %swap3A_623 = arith.constant 16 : index
        %swap3A_624 = tpu.vector_load %arg7[%swap3A_622, %swap3A_623] {strides = array<i32>} : memref<6x48xi32, #tpu.memory_space<vmem>>, vector<1x16xi32>,
        %swap3A_625 = vector.shape_cast %swap3A_624 : vector<1x16xi32> to vector<16xi32>
        %swap3A_626 = vector.shape_cast %and3A_620 : vector<16xi32> to vector<1x16xi32>
        tpu.vector_store %arg7[%swap3A_622, %swap3A_623], %swap3A_626 {strides = array<i32>} : memref<6x48xi32, #tpu.memory_space<vmem>>, vector<1x16xi32>,
        %shift_right_logical3A_627 = arith.constant 16 : i32
        %shift_right_logical3A_628 = vector.broadcast %shift_right_logical3A_627 : i32 to vector<16xi32>
        %shift_right_logical3A_629 = arith.shrui %get3A_617, %shift_right_logical3A_628 : vector<16xi32>
        %swap3A_630 = arith.constant 2 : i32
        %swap3A_631 = arith.index_cast %swap3A_630 : i32 to index
        %swap3A_632 = arith.constant 16 : index
        %swap3A_633 = tpu.vector_load %arg8[%swap3A_631, %swap3A_632] {strides = array<i32>} : memref<6x48xi32, #tpu.memory_space<vmem>>, vector<1x16xi32>,
        %swap3A_634 = vector.shape_cast %swap3A_633 : vector<1x16xi32> to vector<16xi32>
        %swap3A_635 = vector.shape_cast %shift_right_logical3A_629 : vector<16xi32> to vector<1x16xi32>
        tpu.vector_store %arg8[%swap3A_631, %swap3A_632], %swap3A_635 {strides = array<i32>} : memref<6x48xi32, #tpu.memory_space<vmem>>, vector<1x16xi32>,
        %mul3A_636 = arith.constant 48 : i32
        %mul3A_637 = arith.muli %add3A_585, %mul3A_636 : i32
        %add3A_638 = arith.constant 32 : i32
        %add3A_639 = arith.addi %mul3A_637, %add3A_638 : i32
        %get3A_640 = arith.index_cast %add3A_639 : i32 to index
        %get3A_641 = tpu.vector_load %arg6[%get3A_640] {strides = array<i32>} : memref<12672xi32, #tpu.memory_space<vmem>>, vector<16xi32>,
        %get3A_642 = vector.shape_cast %get3A_641 : vector<16xi32> to vector<16xi32>
        %and3A_643 = arith.constant 65535 : i32
        %and3A_644 = vector.broadcast %and3A_643 : i32 to vector<16xi32>
        %and3A_645 = arith.andi %get3A_642, %and3A_644 : vector<16xi32>
        %swap3A_646 = arith.constant 2 : i32
        %swap3A_647 = arith.index_cast %swap3A_646 : i32 to index
        %swap3A_648 = arith.constant 32 : index
        %swap3A_649 = tpu.vector_load %arg7[%swap3A_647, %swap3A_648] {strides = array<i32>} : memref<6x48xi32, #tpu.memory_space<vmem>>, vector<1x16xi32>,
        %swap3A_650 = vector.shape_cast %swap3A_649 : vector<1x16xi32> to vector<16xi32>
        %swap3A_651 = vector.shape_cast %and3A_645 : vector<16xi32> to vector<1x16xi32>
        tpu.vector_store %arg7[%swap3A_647, %swap3A_648], %swap3A_651 {strides = array<i32>} : memref<6x48xi32, #tpu.memory_space<vmem>>, vector<1x16xi32>,
        %shift_right_logical3A_652 = arith.constant 16 : i32
        %shift_right_logical3A_653 = vector.broadcast %shift_right_logical3A_652 : i32 to vector<16xi32>
        %shift_right_logical3A_654 = arith.shrui %get3A_642, %shift_right_logical3A_653 : vector<16xi32>
        %swap3A_655 = arith.constant 2 : i32
        %swap3A_656 = arith.index_cast %swap3A_655 : i32 to index
        %swap3A_657 = arith.constant 32 : index
        %swap3A_658 = tpu.vector_load %arg8[%swap3A_656, %swap3A_657] {strides = array<i32>} : memref<6x48xi32, #tpu.memory_space<vmem>>, vector<1x16xi32>,
        %swap3A_659 = vector.shape_cast %swap3A_658 : vector<1x16xi32> to vector<16xi32>
        %swap3A_660 = vector.shape_cast %shift_right_logical3A_654 : vector<16xi32> to vector<1x16xi32>
        tpu.vector_store %arg8[%swap3A_656, %swap3A_657], %swap3A_660 {strides = array<i32>} : memref<6x48xi32, #tpu.memory_space<vmem>>, vector<1x16xi32>,
      } else {
      }
      %dma_wait3A_506 = arith.constant 4 : i32
      %dma_wait3A_507 = arith.constant 1 : i32
      %dma_wait3A_508 = arith.constant 0 : i32
      %dma_wait3A_509 = arith.constant 0 : i32
      %dma_wait3A_510 = tpu.memref_slice %arg9[%dma_wait3A_507, %dma_wait3A_508, %dma_wait3A_509] : memref<3x48x144xf32, #tpu.memory_space<vmem>> -> memref<1x48x144xf32, #tpu.memory_space<vmem>>
      %dma_wait3A_511 = tpu.memref_squeeze %dma_wait3A_510 : memref<1x48x144xf32, #tpu.memory_space<vmem>> -> memref<48x144xf32, #tpu.memory_space<vmem>>
      %dma_wait3A_512 = arith.constant 0 : i32
      %dma_wait3A_513 = tpu.memref_slice %arg7[%dma_wait3A_506, %dma_wait3A_512] : memref<6x48xi32, #tpu.memory_space<vmem>> -> memref<1x48xi32, #tpu.memory_space<vmem>>
      %dma_wait3A_514 = tpu.memref_squeeze %dma_wait3A_513 : memref<1x48xi32, #tpu.memory_space<vmem>> -> memref<48xi32, #tpu.memory_space<vmem>>
      %dma_wait3A_515 = arith.constant 0 : i32
      %dma_wait3A_516 = arith.constant 0 : i32
      %dma_wait3A_517 = tpu.memref_slice %arg3[%dma_wait3A_515, %dma_wait3A_516] : memref<10016x144xf32, #tpu.memory_space<hbm>> -> memref<10016x144xf32, #tpu.memory_space<hbm>>
      tpu.wait_indirect_dma semaphore(%arg12 : memref<!tpu.dma_semaphore, #tpu.memory_space<semaphore_mem>>) src(%dma_wait3A_517 : memref<10016x144xf32, #tpu.memory_space<hbm>>) dst(%dma_wait3A_511 : memref<48x144xf32, #tpu.memory_space<vmem>>)
      %dma_start3A_518 = arith.constant 1 : i32
      %dma_start3A_519 = arith.constant 4 : i32
      %dma_start3A_520 = arith.constant 0 : i32
      %dma_start3A_521 = arith.constant 0 : i32
      %dma_start3A_522 = tpu.memref_slice %arg9[%dma_start3A_518, %dma_start3A_520, %dma_start3A_521] : memref<3x48x144xf32, #tpu.memory_space<vmem>> -> memref<1x48x144xf32, #tpu.memory_space<vmem>>
      %dma_start3A_523 = tpu.memref_squeeze %dma_start3A_522 : memref<1x48x144xf32, #tpu.memory_space<vmem>> -> memref<48x144xf32, #tpu.memory_space<vmem>>
      %dma_start3A_524 = arith.constant 0 : i32
      %dma_start3A_525 = tpu.memref_slice %arg8[%dma_start3A_519, %dma_start3A_524] : memref<6x48xi32, #tpu.memory_space<vmem>> -> memref<1x48xi32, #tpu.memory_space<vmem>>
      %dma_start3A_526 = tpu.memref_squeeze %dma_start3A_525 : memref<1x48xi32, #tpu.memory_space<vmem>> -> memref<48xi32, #tpu.memory_space<vmem>>
      %dma_start3A_527 = arith.constant 0 : i32
      %dma_start3A_528 = arith.constant 0 : i32
      %dma_start3A_529 = tpu.memref_slice %arg10[%dma_start3A_527, %dma_start3A_528] : memref<10000x144xf32, #tpu.memory_space<vmem_shared>> -> memref<10000x144xf32, #tpu.memory_space<vmem_shared>>
      tpu.enqueue_indirect_dma source(%dma_start3A_523 : memref<48x144xf32, #tpu.memory_space<vmem>>) target(%dma_start3A_529 : memref<10000x144xf32, #tpu.memory_space<vmem_shared>>) offsets(%dma_start3A_526 : memref<48xi32, #tpu.memory_space<vmem>>) semaphore(%arg15 : memref<!tpu.dma_semaphore, #tpu.memory_space<semaphore_mem>>) {add = true}
      %ge3A_530 = arith.constant 1 : i32
      %ge3A_531 = arith.cmpi sge, %add3A_499, %ge3A_530 : i32
      %convert_element_type3A_532 = arith.extui %ge3A_531 : i1 to i32
      %cond3A_533 = arith.constant 0 : i32
      %cond3A_534 = arith.cmpi ne, %convert_element_type3A_532, %cond3A_533 : i32
      scf.if %cond3A_534 {
        %dma_wait3A_584 = arith.constant 0 : i32
        %dma_wait3A_585 = arith.constant 3 : i32
        %dma_wait3A_586 = arith.constant 0 : i32
        %dma_wait3A_587 = arith.constant 0 : i32
        %dma_wait3A_588 = tpu.memref_slice %arg9[%dma_wait3A_584, %dma_wait3A_586, %dma_wait3A_587] : memref<3x48x144xf32, #tpu.memory_space<vmem>> -> memref<1x48x144xf32, #tpu.memory_space<vmem>>
        %dma_wait3A_589 = tpu.memref_squeeze %dma_wait3A_588 : memref<1x48x144xf32, #tpu.memory_space<vmem>> -> memref<48x144xf32, #tpu.memory_space<vmem>>
        %dma_wait3A_590 = arith.constant 0 : i32
        %dma_wait3A_591 = tpu.memref_slice %arg8[%dma_wait3A_585, %dma_wait3A_590] : memref<6x48xi32, #tpu.memory_space<vmem>> -> memref<1x48xi32, #tpu.memory_space<vmem>>
        %dma_wait3A_592 = tpu.memref_squeeze %dma_wait3A_591 : memref<1x48xi32, #tpu.memory_space<vmem>> -> memref<48xi32, #tpu.memory_space<vmem>>
        %dma_wait3A_593 = arith.constant 0 : i32
        %dma_wait3A_594 = arith.constant 0 : i32
        %dma_wait3A_595 = tpu.memref_slice %arg10[%dma_wait3A_593, %dma_wait3A_594] : memref<10000x144xf32, #tpu.memory_space<vmem_shared>> -> memref<10000x144xf32, #tpu.memory_space<vmem_shared>>
        tpu.wait_indirect_dma semaphore(%arg14 : memref<!tpu.dma_semaphore, #tpu.memory_space<semaphore_mem>>) src(%dma_wait3A_589 : memref<48x144xf32, #tpu.memory_space<vmem>>) dst(%dma_wait3A_595 : memref<10000x144xf32, #tpu.memory_space<vmem_shared>>)
      } else {
      }
      %add3A_535 = arith.constant 2 : i32
      %add3A_536 = arith.addi %add3A_499, %add3A_535 : i32
      %lt3A_537 = arith.cmpi slt, %add3A_536, %select_n3A : i32
      %convert_element_type3A_538 = arith.extui %lt3A_537 : i1 to i32
      %cond3A_539 = arith.constant 0 : i32
      %cond3A_540 = arith.cmpi ne, %convert_element_type3A_538, %cond3A_539 : i32
      scf.if %cond3A_540 {
        %dma_start3A_584 = arith.constant 0 : i32
        %dma_start3A_585 = arith.constant 0 : i32
        %dma_start3A_586 = arith.constant 0 : i32
        %dma_start3A_587 = arith.constant 0 : i32
        %dma_start3A_588 = tpu.memref_slice %arg9[%dma_start3A_585, %dma_start3A_586, %dma_start3A_587] : memref<3x48x144xf32, #tpu.memory_space<vmem>> -> memref<1x48x144xf32, #tpu.memory_space<vmem>>
        %dma_start3A_589 = tpu.memref_squeeze %dma_start3A_588 : memref<1x48x144xf32, #tpu.memory_space<vmem>> -> memref<48x144xf32, #tpu.memory_space<vmem>>
        %dma_start3A_590 = arith.constant 0 : i32
        %dma_start3A_591 = tpu.memref_slice %arg7[%dma_start3A_584, %dma_start3A_590] : memref<6x48xi32, #tpu.memory_space<vmem>> -> memref<1x48xi32, #tpu.memory_space<vmem>>
        %dma_start3A_592 = tpu.memref_squeeze %dma_start3A_591 : memref<1x48xi32, #tpu.memory_space<vmem>> -> memref<48xi32, #tpu.memory_space<vmem>>
        %dma_start3A_593 = arith.constant 0 : i32
        %dma_start3A_594 = arith.constant 0 : i32
        %dma_start3A_595 = tpu.memref_slice %arg3[%dma_start3A_593, %dma_start3A_594] : memref<10016x144xf32, #tpu.memory_space<hbm>> -> memref<10016x144xf32, #tpu.memory_space<hbm>>
        tpu.enqueue_indirect_dma source(%dma_start3A_595 : memref<10016x144xf32, #tpu.memory_space<hbm>>) target(%dma_start3A_589 : memref<48x144xf32, #tpu.memory_space<vmem>>) offsets(%dma_start3A_592 : memref<48xi32, #tpu.memory_space<vmem>>) semaphore(%arg11 : memref<!tpu.dma_semaphore, #tpu.memory_space<semaphore_mem>>)
      } else {
      }
      %add3A_541 = arith.constant 5 : i32
      %add3A_542 = arith.addi %mul3A_328, %add3A_541 : i32
      %add3A_543 = arith.constant 4 : i32
      %add3A_544 = arith.addi %add3A_542, %add3A_543 : i32
      %lt3A_545 = arith.cmpi slt, %add3A_544, %select_n3A : i32
      %convert_element_type3A_546 = arith.extui %lt3A_545 : i1 to i32
      %cond3A_547 = arith.constant 0 : i32
      %cond3A_548 = arith.cmpi ne, %convert_element_type3A_546, %cond3A_547 : i32
      scf.if %cond3A_548 {
        %add3A_584 = arith.constant 4 : i32
        %add3A_585 = arith.addi %add3A_542, %add3A_584 : i32
        %mul3A_586 = arith.constant 48 : i32
        %mul3A_587 = arith.muli %add3A_585, %mul3A_586 : i32
        %add3A_588 = arith.constant 0 : i32
        %add3A_589 = arith.addi %mul3A_587, %add3A_588 : i32
        %get3A_590 = arith.index_cast %add3A_589 : i32 to index
        %get3A_591 = tpu.vector_load %arg6[%get3A_590] {strides = array<i32>} : memref<12672xi32, #tpu.memory_space<vmem>>, vector<16xi32>,
        %get3A_592 = vector.shape_cast %get3A_591 : vector<16xi32> to vector<16xi32>
        %and3A_593 = arith.constant 65535 : i32
        %and3A_594 = vector.broadcast %and3A_593 : i32 to vector<16xi32>
        %and3A_595 = arith.andi %get3A_592, %and3A_594 : vector<16xi32>
        %swap3A_596 = arith.constant 3 : i32
        %swap3A_597 = arith.index_cast %swap3A_596 : i32 to index
        %swap3A_598 = arith.constant 0 : index
        %swap3A_599 = tpu.vector_load %arg7[%swap3A_597, %swap3A_598] {strides = array<i32>} : memref<6x48xi32, #tpu.memory_space<vmem>>, vector<1x16xi32>,
        %swap3A_600 = vector.shape_cast %swap3A_599 : vector<1x16xi32> to vector<16xi32>
        %swap3A_601 = vector.shape_cast %and3A_595 : vector<16xi32> to vector<1x16xi32>
        tpu.vector_store %arg7[%swap3A_597, %swap3A_598], %swap3A_601 {strides = array<i32>} : memref<6x48xi32, #tpu.memory_space<vmem>>, vector<1x16xi32>,
        %shift_right_logical3A_602 = arith.constant 16 : i32
        %shift_right_logical3A_603 = vector.broadcast %shift_right_logical3A_602 : i32 to vector<16xi32>
        %shift_right_logical3A_604 = arith.shrui %get3A_592, %shift_right_logical3A_603 : vector<16xi32>
        %swap3A_605 = arith.constant 3 : i32
        %swap3A_606 = arith.index_cast %swap3A_605 : i32 to index
        %swap3A_607 = arith.constant 0 : index
        %swap3A_608 = tpu.vector_load %arg8[%swap3A_606, %swap3A_607] {strides = array<i32>} : memref<6x48xi32, #tpu.memory_space<vmem>>, vector<1x16xi32>,
        %swap3A_609 = vector.shape_cast %swap3A_608 : vector<1x16xi32> to vector<16xi32>
        %swap3A_610 = vector.shape_cast %shift_right_logical3A_604 : vector<16xi32> to vector<1x16xi32>
        tpu.vector_store %arg8[%swap3A_606, %swap3A_607], %swap3A_610 {strides = array<i32>} : memref<6x48xi32, #tpu.memory_space<vmem>>, vector<1x16xi32>,
        %mul3A_611 = arith.constant 48 : i32
        %mul3A_612 = arith.muli %add3A_585, %mul3A_611 : i32
        %add3A_613 = arith.constant 16 : i32
        %add3A_614 = arith.addi %mul3A_612, %add3A_613 : i32
        %get3A_615 = arith.index_cast %add3A_614 : i32 to index
        %get3A_616 = tpu.vector_load %arg6[%get3A_615] {strides = array<i32>} : memref<12672xi32, #tpu.memory_space<vmem>>, vector<16xi32>,
        %get3A_617 = vector.shape_cast %get3A_616 : vector<16xi32> to vector<16xi32>
        %and3A_618 = arith.constant 65535 : i32
        %and3A_619 = vector.broadcast %and3A_618 : i32 to vector<16xi32>
        %and3A_620 = arith.andi %get3A_617, %and3A_619 : vector<16xi32>
        %swap3A_621 = arith.constant 3 : i32
        %swap3A_622 = arith.index_cast %swap3A_621 : i32 to index
        %swap3A_623 = arith.constant 16 : index
        %swap3A_624 = tpu.vector_load %arg7[%swap3A_622, %swap3A_623] {strides = array<i32>} : memref<6x48xi32, #tpu.memory_space<vmem>>, vector<1x16xi32>,
        %swap3A_625 = vector.shape_cast %swap3A_624 : vector<1x16xi32> to vector<16xi32>
        %swap3A_626 = vector.shape_cast %and3A_620 : vector<16xi32> to vector<1x16xi32>
        tpu.vector_store %arg7[%swap3A_622, %swap3A_623], %swap3A_626 {strides = array<i32>} : memref<6x48xi32, #tpu.memory_space<vmem>>, vector<1x16xi32>,
        %shift_right_logical3A_627 = arith.constant 16 : i32
        %shift_right_logical3A_628 = vector.broadcast %shift_right_logical3A_627 : i32 to vector<16xi32>
        %shift_right_logical3A_629 = arith.shrui %get3A_617, %shift_right_logical3A_628 : vector<16xi32>
        %swap3A_630 = arith.constant 3 : i32
        %swap3A_631 = arith.index_cast %swap3A_630 : i32 to index
        %swap3A_632 = arith.constant 16 : index
        %swap3A_633 = tpu.vector_load %arg8[%swap3A_631, %swap3A_632] {strides = array<i32>} : memref<6x48xi32, #tpu.memory_space<vmem>>, vector<1x16xi32>,
        %swap3A_634 = vector.shape_cast %swap3A_633 : vector<1x16xi32> to vector<16xi32>
        %swap3A_635 = vector.shape_cast %shift_right_logical3A_629 : vector<16xi32> to vector<1x16xi32>
        tpu.vector_store %arg8[%swap3A_631, %swap3A_632], %swap3A_635 {strides = array<i32>} : memref<6x48xi32, #tpu.memory_space<vmem>>, vector<1x16xi32>,
        %mul3A_636 = arith.constant 48 : i32
        %mul3A_637 = arith.muli %add3A_585, %mul3A_636 : i32
        %add3A_638 = arith.constant 32 : i32
        %add3A_639 = arith.addi %mul3A_637, %add3A_638 : i32
        %get3A_640 = arith.index_cast %add3A_639 : i32 to index
        %get3A_641 = tpu.vector_load %arg6[%get3A_640] {strides = array<i32>} : memref<12672xi32, #tpu.memory_space<vmem>>, vector<16xi32>,
        %get3A_642 = vector.shape_cast %get3A_641 : vector<16xi32> to vector<16xi32>
        %and3A_643 = arith.constant 65535 : i32
        %and3A_644 = vector.broadcast %and3A_643 : i32 to vector<16xi32>
        %and3A_645 = arith.andi %get3A_642, %and3A_644 : vector<16xi32>
        %swap3A_646 = arith.constant 3 : i32
        %swap3A_647 = arith.index_cast %swap3A_646 : i32 to index
        %swap3A_648 = arith.constant 32 : index
        %swap3A_649 = tpu.vector_load %arg7[%swap3A_647, %swap3A_648] {strides = array<i32>} : memref<6x48xi32, #tpu.memory_space<vmem>>, vector<1x16xi32>,
        %swap3A_650 = vector.shape_cast %swap3A_649 : vector<1x16xi32> to vector<16xi32>
        %swap3A_651 = vector.shape_cast %and3A_645 : vector<16xi32> to vector<1x16xi32>
        tpu.vector_store %arg7[%swap3A_647, %swap3A_648], %swap3A_651 {strides = array<i32>} : memref<6x48xi32, #tpu.memory_space<vmem>>, vector<1x16xi32>,
        %shift_right_logical3A_652 = arith.constant 16 : i32
        %shift_right_logical3A_653 = vector.broadcast %shift_right_logical3A_652 : i32 to vector<16xi32>
        %shift_right_logical3A_654 = arith.shrui %get3A_642, %shift_right_logical3A_653 : vector<16xi32>
        %swap3A_655 = arith.constant 3 : i32
        %swap3A_656 = arith.index_cast %swap3A_655 : i32 to index
        %swap3A_657 = arith.constant 32 : index
        %swap3A_658 = tpu.vector_load %arg8[%swap3A_656, %swap3A_657] {strides = array<i32>} : memref<6x48xi32, #tpu.memory_space<vmem>>, vector<1x16xi32>,
        %swap3A_659 = vector.shape_cast %swap3A_658 : vector<1x16xi32> to vector<16xi32>
        %swap3A_660 = vector.shape_cast %shift_right_logical3A_654 : vector<16xi32> to vector<1x16xi32>
        tpu.vector_store %arg8[%swap3A_656, %swap3A_657], %swap3A_660 {strides = array<i32>} : memref<6x48xi32, #tpu.memory_space<vmem>>, vector<1x16xi32>,
      } else {
      }
      %dma_wait3A_549 = arith.constant 5 : i32
      %dma_wait3A_550 = arith.constant 2 : i32
      %dma_wait3A_551 = arith.constant 0 : i32
      %dma_wait3A_552 = arith.constant 0 : i32
      %dma_wait3A_553 = tpu.memref_slice %arg9[%dma_wait3A_550, %dma_wait3A_551, %dma_wait3A_552] : memref<3x48x144xf32, #tpu.memory_space<vmem>> -> memref<1x48x144xf32, #tpu.memory_space<vmem>>
      %dma_wait3A_554 = tpu.memref_squeeze %dma_wait3A_553 : memref<1x48x144xf32, #tpu.memory_space<vmem>> -> memref<48x144xf32, #tpu.memory_space<vmem>>
      %dma_wait3A_555 = arith.constant 0 : i32
      %dma_wait3A_556 = tpu.memref_slice %arg7[%dma_wait3A_549, %dma_wait3A_555] : memref<6x48xi32, #tpu.memory_space<vmem>> -> memref<1x48xi32, #tpu.memory_space<vmem>>
      %dma_wait3A_557 = tpu.memref_squeeze %dma_wait3A_556 : memref<1x48xi32, #tpu.memory_space<vmem>> -> memref<48xi32, #tpu.memory_space<vmem>>
      %dma_wait3A_558 = arith.constant 0 : i32
      %dma_wait3A_559 = arith.constant 0 : i32
      %dma_wait3A_560 = tpu.memref_slice %arg3[%dma_wait3A_558, %dma_wait3A_559] : memref<10016x144xf32, #tpu.memory_space<hbm>> -> memref<10016x144xf32, #tpu.memory_space<hbm>>
      tpu.wait_indirect_dma semaphore(%arg13 : memref<!tpu.dma_semaphore, #tpu.memory_space<semaphore_mem>>) src(%dma_wait3A_560 : memref<10016x144xf32, #tpu.memory_space<hbm>>) dst(%dma_wait3A_554 : memref<48x144xf32, #tpu.memory_space<vmem>>)
      %dma_start3A_561 = arith.constant 2 : i32
      %dma_start3A_562 = arith.constant 5 : i32
      %dma_start3A_563 = arith.constant 0 : i32
      %dma_start3A_564 = arith.constant 0 : i32
      %dma_start3A_565 = tpu.memref_slice %arg9[%dma_start3A_561, %dma_start3A_563, %dma_start3A_564] : memref<3x48x144xf32, #tpu.memory_space<vmem>> -> memref<1x48x144xf32, #tpu.memory_space<vmem>>
      %dma_start3A_566 = tpu.memref_squeeze %dma_start3A_565 : memref<1x48x144xf32, #tpu.memory_space<vmem>> -> memref<48x144xf32, #tpu.memory_space<vmem>>
      %dma_start3A_567 = arith.constant 0 : i32
      %dma_start3A_568 = tpu.memref_slice %arg8[%dma_start3A_562, %dma_start3A_567] : memref<6x48xi32, #tpu.memory_space<vmem>> -> memref<1x48xi32, #tpu.memory_space<vmem>>
      %dma_start3A_569 = tpu.memref_squeeze %dma_start3A_568 : memref<1x48xi32, #tpu.memory_space<vmem>> -> memref<48xi32, #tpu.memory_space<vmem>>
      %dma_start3A_570 = arith.constant 0 : i32
      %dma_start3A_571 = arith.constant 0 : i32
      %dma_start3A_572 = tpu.memref_slice %arg10[%dma_start3A_570, %dma_start3A_571] : memref<10000x144xf32, #tpu.memory_space<vmem_shared>> -> memref<10000x144xf32, #tpu.memory_space<vmem_shared>>
      tpu.enqueue_indirect_dma source(%dma_start3A_566 : memref<48x144xf32, #tpu.memory_space<vmem>>) target(%dma_start3A_572 : memref<10000x144xf32, #tpu.memory_space<vmem_shared>>) offsets(%dma_start3A_569 : memref<48xi32, #tpu.memory_space<vmem>>) semaphore(%arg16 : memref<!tpu.dma_semaphore, #tpu.memory_space<semaphore_mem>>) {add = true}
      %ge3A_573 = arith.constant 1 : i32
      %ge3A_574 = arith.cmpi sge, %add3A_542, %ge3A_573 : i32
      %convert_element_type3A_575 = arith.extui %ge3A_574 : i1 to i32
      %cond3A_576 = arith.constant 0 : i32
      %cond3A_577 = arith.cmpi ne, %convert_element_type3A_575, %cond3A_576 : i32
      scf.if %cond3A_577 {
        %dma_wait3A_584 = arith.constant 1 : i32
        %dma_wait3A_585 = arith.constant 4 : i32
        %dma_wait3A_586 = arith.constant 0 : i32
        %dma_wait3A_587 = arith.constant 0 : i32
        %dma_wait3A_588 = tpu.memref_slice %arg9[%dma_wait3A_584, %dma_wait3A_586, %dma_wait3A_587] : memref<3x48x144xf32, #tpu.memory_space<vmem>> -> memref<1x48x144xf32, #tpu.memory_space<vmem>>
        %dma_wait3A_589 = tpu.memref_squeeze %dma_wait3A_588 : memref<1x48x144xf32, #tpu.memory_space<vmem>> -> memref<48x144xf32, #tpu.memory_space<vmem>>
        %dma_wait3A_590 = arith.constant 0 : i32
        %dma_wait3A_591 = tpu.memref_slice %arg8[%dma_wait3A_585, %dma_wait3A_590] : memref<6x48xi32, #tpu.memory_space<vmem>> -> memref<1x48xi32, #tpu.memory_space<vmem>>
        %dma_wait3A_592 = tpu.memref_squeeze %dma_wait3A_591 : memref<1x48xi32, #tpu.memory_space<vmem>> -> memref<48xi32, #tpu.memory_space<vmem>>
        %dma_wait3A_593 = arith.constant 0 : i32
        %dma_wait3A_594 = arith.constant 0 : i32
        %dma_wait3A_595 = tpu.memref_slice %arg10[%dma_wait3A_593, %dma_wait3A_594] : memref<10000x144xf32, #tpu.memory_space<vmem_shared>> -> memref<10000x144xf32, #tpu.memory_space<vmem_shared>>
        tpu.wait_indirect_dma semaphore(%arg15 : memref<!tpu.dma_semaphore, #tpu.memory_space<semaphore_mem>>) src(%dma_wait3A_589 : memref<48x144xf32, #tpu.memory_space<vmem>>) dst(%dma_wait3A_595 : memref<10000x144xf32, #tpu.memory_space<vmem_shared>>)
      } else {
      }
      %add3A_578 = arith.constant 2 : i32
      %add3A_579 = arith.addi %add3A_542, %add3A_578 : i32
      %lt3A_580 = arith.cmpi slt, %add3A_579, %select_n3A : i32
      %convert_element_type3A_581 = arith.extui %lt3A_580 : i1 to i32
      %cond3A_582 = arith.constant 0 : i32
      %cond3A_583 = arith.cmpi ne, %convert_element_type3A_581, %cond3A_582 : i32
      scf.if %cond3A_583 {
        %dma_start3A_584 = arith.constant 1 : i32
        %dma_start3A_585 = arith.constant 1 : i32
        %dma_start3A_586 = arith.constant 0 : i32
        %dma_start3A_587 = arith.constant 0 : i32
        %dma_start3A_588 = tpu.memref_slice %arg9[%dma_start3A_585, %dma_start3A_586, %dma_start3A_587] : memref<3x48x144xf32, #tpu.memory_space<vmem>> -> memref<1x48x144xf32, #tpu.memory_space<vmem>>
        %dma_start3A_589 = tpu.memref_squeeze %dma_start3A_588 : memref<1x48x144xf32, #tpu.memory_space<vmem>> -> memref<48x144xf32, #tpu.memory_space<vmem>>
        %dma_start3A_590 = arith.constant 0 : i32
        %dma_start3A_591 = tpu.memref_slice %arg7[%dma_start3A_584, %dma_start3A_590] : memref<6x48xi32, #tpu.memory_space<vmem>> -> memref<1x48xi32, #tpu.memory_space<vmem>>
        %dma_start3A_592 = tpu.memref_squeeze %dma_start3A_591 : memref<1x48xi32, #tpu.memory_space<vmem>> -> memref<48xi32, #tpu.memory_space<vmem>>
        %dma_start3A_593 = arith.constant 0 : i32
        %dma_start3A_594 = arith.constant 0 : i32
        %dma_start3A_595 = tpu.memref_slice %arg3[%dma_start3A_593, %dma_start3A_594] : memref<10016x144xf32, #tpu.memory_space<hbm>> -> memref<10016x144xf32, #tpu.memory_space<hbm>>
        tpu.enqueue_indirect_dma source(%dma_start3A_595 : memref<10016x144xf32, #tpu.memory_space<hbm>>) target(%dma_start3A_589 : memref<48x144xf32, #tpu.memory_space<vmem>>) offsets(%dma_start3A_592 : memref<48xi32, #tpu.memory_space<vmem>>) semaphore(%arg12 : memref<!tpu.dma_semaphore, #tpu.memory_space<semaphore_mem>>)
      } else {
      }
    }
    %while3A_309 = arith.constant 1 : i32
    scf.for %while3A_326 = %while3A_307 to %while3A_303 step %while3A_309  : i32 {
      %mul3A_327 = arith.constant 6 : i32
      %mul3A_328 = arith.muli %mul3A_327, %while3A_326 : i32
      %add3A = arith.constant 0 : i32
      %add3A_329 = arith.addi %mul3A_328, %add3A : i32
      %add3A_330 = arith.constant 4 : i32
      %add3A_331 = arith.addi %add3A_329, %add3A_330 : i32
      %lt3A = arith.cmpi slt, %add3A_331, %select_n3A : i32
      %convert_element_type3A_332 = arith.extui %lt3A : i1 to i32
      %cond3A_333 = arith.constant 0 : i32
      %cond3A_334 = arith.cmpi ne, %convert_element_type3A_332, %cond3A_333 : i32
      scf.if %cond3A_334 {
        %add3A_584 = arith.constant 4 : i32
        %add3A_585 = arith.addi %add3A_329, %add3A_584 : i32
        %mul3A_586 = arith.constant 48 : i32
        %mul3A_587 = arith.muli %add3A_585, %mul3A_586 : i32
        %add3A_588 = arith.constant 0 : i32
        %add3A_589 = arith.addi %mul3A_587, %add3A_588 : i32
        %get3A_590 = arith.index_cast %add3A_589 : i32 to index
        %get3A_591 = tpu.vector_load %arg6[%get3A_590] {strides = array<i32>} : memref<12672xi32, #tpu.memory_space<vmem>>, vector<16xi32>,
        %get3A_592 = vector.shape_cast %get3A_591 : vector<16xi32> to vector<16xi32>
        %and3A_593 = arith.constant 65535 : i32
        %and3A_594 = vector.broadcast %and3A_593 : i32 to vector<16xi32>
        %and3A_595 = arith.andi %get3A_592, %and3A_594 : vector<16xi32>
        %swap3A_596 = arith.constant 4 : i32
        %swap3A_597 = arith.index_cast %swap3A_596 : i32 to index
        %swap3A_598 = arith.constant 0 : index
        %swap3A_599 = tpu.vector_load %arg7[%swap3A_597, %swap3A_598] {strides = array<i32>} : memref<6x48xi32, #tpu.memory_space<vmem>>, vector<1x16xi32>,
        %swap3A_600 = vector.shape_cast %swap3A_599 : vector<1x16xi32> to vector<16xi32>
        %swap3A_601 = vector.shape_cast %and3A_595 : vector<16xi32> to vector<1x16xi32>
        tpu.vector_store %arg7[%swap3A_597, %swap3A_598], %swap3A_601 {strides = array<i32>} : memref<6x48xi32, #tpu.memory_space<vmem>>, vector<1x16xi32>,
        %shift_right_logical3A_602 = arith.constant 16 : i32
        %shift_right_logical3A_603 = vector.broadcast %shift_right_logical3A_602 : i32 to vector<16xi32>
        %shift_right_logical3A_604 = arith.shrui %get3A_592, %shift_right_logical3A_603 : vector<16xi32>
        %swap3A_605 = arith.constant 4 : i32
        %swap3A_606 = arith.index_cast %swap3A_605 : i32 to index
        %swap3A_607 = arith.constant 0 : index
        %swap3A_608 = tpu.vector_load %arg8[%swap3A_606, %swap3A_607] {strides = array<i32>} : memref<6x48xi32, #tpu.memory_space<vmem>>, vector<1x16xi32>,
        %swap3A_609 = vector.shape_cast %swap3A_608 : vector<1x16xi32> to vector<16xi32>
        %swap3A_610 = vector.shape_cast %shift_right_logical3A_604 : vector<16xi32> to vector<1x16xi32>
        tpu.vector_store %arg8[%swap3A_606, %swap3A_607], %swap3A_610 {strides = array<i32>} : memref<6x48xi32, #tpu.memory_space<vmem>>, vector<1x16xi32>,
        %mul3A_611 = arith.constant 48 : i32
        %mul3A_612 = arith.muli %add3A_585, %mul3A_611 : i32
        %add3A_613 = arith.constant 16 : i32
        %add3A_614 = arith.addi %mul3A_612, %add3A_613 : i32
        %get3A_615 = arith.index_cast %add3A_614 : i32 to index
        %get3A_616 = tpu.vector_load %arg6[%get3A_615] {strides = array<i32>} : memref<12672xi32, #tpu.memory_space<vmem>>, vector<16xi32>,
        %get3A_617 = vector.shape_cast %get3A_616 : vector<16xi32> to vector<16xi32>
        %and3A_618 = arith.constant 65535 : i32
        %and3A_619 = vector.broadcast %and3A_618 : i32 to vector<16xi32>
        %and3A_620 = arith.andi %get3A_617, %and3A_619 : vector<16xi32>
        %swap3A_621 = arith.constant 4 : i32
        %swap3A_622 = arith.index_cast %swap3A_621 : i32 to index
        %swap3A_623 = arith.constant 16 : index
        %swap3A_624 = tpu.vector_load %arg7[%swap3A_622, %swap3A_623] {strides = array<i32>} : memref<6x48xi32, #tpu.memory_space<vmem>>, vector<1x16xi32>,
        %swap3A_625 = vector.shape_cast %swap3A_624 : vector<1x16xi32> to vector<16xi32>
        %swap3A_626 = vector.shape_cast %and3A_620 : vector<16xi32> to vector<1x16xi32>
        tpu.vector_store %arg7[%swap3A_622, %swap3A_623], %swap3A_626 {strides = array<i32>} : memref<6x48xi32, #tpu.memory_space<vmem>>, vector<1x16xi32>,
        %shift_right_logical3A_627 = arith.constant 16 : i32
        %shift_right_logical3A_628 = vector.broadcast %shift_right_logical3A_627 : i32 to vector<16xi32>
        %shift_right_logical3A_629 = arith.shrui %get3A_617, %shift_right_logical3A_628 : vector<16xi32>
        %swap3A_630 = arith.constant 4 : i32
        %swap3A_631 = arith.index_cast %swap3A_630 : i32 to index
        %swap3A_632 = arith.constant 16 : index
        %swap3A_633 = tpu.vector_load %arg8[%swap3A_631, %swap3A_632] {strides = array<i32>} : memref<6x48xi32, #tpu.memory_space<vmem>>, vector<1x16xi32>,
        %swap3A_634 = vector.shape_cast %swap3A_633 : vector<1x16xi32> to vector<16xi32>
        %swap3A_635 = vector.shape_cast %shift_right_logical3A_629 : vector<16xi32> to vector<1x16xi32>
        tpu.vector_store %arg8[%swap3A_631, %swap3A_632], %swap3A_635 {strides = array<i32>} : memref<6x48xi32, #tpu.memory_space<vmem>>, vector<1x16xi32>,
        %mul3A_636 = arith.constant 48 : i32
        %mul3A_637 = arith.muli %add3A_585, %mul3A_636 : i32
        %add3A_638 = arith.constant 32 : i32
        %add3A_639 = arith.addi %mul3A_637, %add3A_638 : i32
        %get3A_640 = arith.index_cast %add3A_639 : i32 to index
        %get3A_641 = tpu.vector_load %arg6[%get3A_640] {strides = array<i32>} : memref<12672xi32, #tpu.memory_space<vmem>>, vector<16xi32>,
        %get3A_642 = vector.shape_cast %get3A_641 : vector<16xi32> to vector<16xi32>
        %and3A_643 = arith.constant 65535 : i32
        %and3A_644 = vector.broadcast %and3A_643 : i32 to vector<16xi32>
        %and3A_645 = arith.andi %get3A_642, %and3A_644 : vector<16xi32>
        %swap3A_646 = arith.constant 4 : i32
        %swap3A_647 = arith.index_cast %swap3A_646 : i32 to index
        %swap3A_648 = arith.constant 32 : index
        %swap3A_649 = tpu.vector_load %arg7[%swap3A_647, %swap3A_648] {strides = array<i32>} : memref<6x48xi32, #tpu.memory_space<vmem>>, vector<1x16xi32>,
        %swap3A_650 = vector.shape_cast %swap3A_649 : vector<1x16xi32> to vector<16xi32>
        %swap3A_651 = vector.shape_cast %and3A_645 : vector<16xi32> to vector<1x16xi32>
        tpu.vector_store %arg7[%swap3A_647, %swap3A_648], %swap3A_651 {strides = array<i32>} : memref<6x48xi32, #tpu.memory_space<vmem>>, vector<1x16xi32>,
        %shift_right_logical3A_652 = arith.constant 16 : i32
        %shift_right_logical3A_653 = vector.broadcast %shift_right_logical3A_652 : i32 to vector<16xi32>
        %shift_right_logical3A_654 = arith.shrui %get3A_642, %shift_right_logical3A_653 : vector<16xi32>
        %swap3A_655 = arith.constant 4 : i32
        %swap3A_656 = arith.index_cast %swap3A_655 : i32 to index
        %swap3A_657 = arith.constant 32 : index
        %swap3A_658 = tpu.vector_load %arg8[%swap3A_656, %swap3A_657] {strides = array<i32>} : memref<6x48xi32, #tpu.memory_space<vmem>>, vector<1x16xi32>,
        %swap3A_659 = vector.shape_cast %swap3A_658 : vector<1x16xi32> to vector<16xi32>
        %swap3A_660 = vector.shape_cast %shift_right_logical3A_654 : vector<16xi32> to vector<1x16xi32>
        tpu.vector_store %arg8[%swap3A_656, %swap3A_657], %swap3A_660 {strides = array<i32>} : memref<6x48xi32, #tpu.memory_space<vmem>>, vector<1x16xi32>,
      } else {
      }
      %dma_wait3A_335 = arith.constant 0 : i32
      %dma_wait3A_336 = arith.constant 0 : i32
      %dma_wait3A_337 = arith.constant 0 : i32
      %dma_wait3A_338 = arith.constant 0 : i32
      %dma_wait3A_339 = tpu.memref_slice %arg9[%dma_wait3A_336, %dma_wait3A_337, %dma_wait3A_338] : memref<3x48x144xf32, #tpu.memory_space<vmem>> -> memref<1x48x144xf32, #tpu.memory_space<vmem>>
      %dma_wait3A_340 = tpu.memref_squeeze %dma_wait3A_339 : memref<1x48x144xf32, #tpu.memory_space<vmem>> -> memref<48x144xf32, #tpu.memory_space<vmem>>
      %dma_wait3A_341 = arith.constant 0 : i32
      %dma_wait3A_342 = tpu.memref_slice %arg7[%dma_wait3A_335, %dma_wait3A_341] : memref<6x48xi32, #tpu.memory_space<vmem>> -> memref<1x48xi32, #tpu.memory_space<vmem>>
      %dma_wait3A_343 = tpu.memref_squeeze %dma_wait3A_342 : memref<1x48xi32, #tpu.memory_space<vmem>> -> memref<48xi32, #tpu.memory_space<vmem>>
      %dma_wait3A_344 = arith.constant 0 : i32
      %dma_wait3A_345 = arith.constant 0 : i32
      %dma_wait3A_346 = tpu.memref_slice %arg3[%dma_wait3A_344, %dma_wait3A_345] : memref<10016x144xf32, #tpu.memory_space<hbm>> -> memref<10016x144xf32, #tpu.memory_space<hbm>>
      tpu.wait_indirect_dma semaphore(%arg11 : memref<!tpu.dma_semaphore, #tpu.memory_space<semaphore_mem>>) src(%dma_wait3A_346 : memref<10016x144xf32, #tpu.memory_space<hbm>>) dst(%dma_wait3A_340 : memref<48x144xf32, #tpu.memory_space<vmem>>)
      %dma_start3A_347 = arith.constant 0 : i32
      %dma_start3A_348 = arith.constant 0 : i32
      %dma_start3A_349 = arith.constant 0 : i32
      %dma_start3A_350 = arith.constant 0 : i32
      %dma_start3A_351 = tpu.memref_slice %arg9[%dma_start3A_347, %dma_start3A_349, %dma_start3A_350] : memref<3x48x144xf32, #tpu.memory_space<vmem>> -> memref<1x48x144xf32, #tpu.memory_space<vmem>>
      %dma_start3A_352 = tpu.memref_squeeze %dma_start3A_351 : memref<1x48x144xf32, #tpu.memory_space<vmem>> -> memref<48x144xf32, #tpu.memory_space<vmem>>
      %dma_start3A_353 = arith.constant 0 : i32
      %dma_start3A_354 = tpu.memref_slice %arg8[%dma_start3A_348, %dma_start3A_353] : memref<6x48xi32, #tpu.memory_space<vmem>> -> memref<1x48xi32, #tpu.memory_space<vmem>>
      %dma_start3A_355 = tpu.memref_squeeze %dma_start3A_354 : memref<1x48xi32, #tpu.memory_space<vmem>> -> memref<48xi32, #tpu.memory_space<vmem>>
      %dma_start3A_356 = arith.constant 0 : i32
      %dma_start3A_357 = arith.constant 0 : i32
      %dma_start3A_358 = tpu.memref_slice %arg10[%dma_start3A_356, %dma_start3A_357] : memref<10000x144xf32, #tpu.memory_space<vmem_shared>> -> memref<10000x144xf32, #tpu.memory_space<vmem_shared>>
      tpu.enqueue_indirect_dma source(%dma_start3A_352 : memref<48x144xf32, #tpu.memory_space<vmem>>) target(%dma_start3A_358 : memref<10000x144xf32, #tpu.memory_space<vmem_shared>>) offsets(%dma_start3A_355 : memref<48xi32, #tpu.memory_space<vmem>>) semaphore(%arg14 : memref<!tpu.dma_semaphore, #tpu.memory_space<semaphore_mem>>) {add = true}
      %ge3A = arith.constant 1 : i32
      %ge3A_359 = arith.cmpi sge, %add3A_329, %ge3A : i32
      %convert_element_type3A_360 = arith.extui %ge3A_359 : i1 to i32
      %cond3A_361 = arith.constant 0 : i32
      %cond3A_362 = arith.cmpi ne, %convert_element_type3A_360, %cond3A_361 : i32
      scf.if %cond3A_362 {
        %dma_wait3A_584 = arith.constant 2 : i32
        %dma_wait3A_585 = arith.constant 5 : i32
        %dma_wait3A_586 = arith.constant 0 : i32
        %dma_wait3A_587 = arith.constant 0 : i32
        %dma_wait3A_588 = tpu.memref_slice %arg9[%dma_wait3A_584, %dma_wait3A_586, %dma_wait3A_587] : memref<3x48x144xf32, #tpu.memory_space<vmem>> -> memref<1x48x144xf32, #tpu.memory_space<vmem>>
        %dma_wait3A_589 = tpu.memref_squeeze %dma_wait3A_588 : memref<1x48x144xf32, #tpu.memory_space<vmem>> -> memref<48x144xf32, #tpu.memory_space<vmem>>
        %dma_wait3A_590 = arith.constant 0 : i32
        %dma_wait3A_591 = tpu.memref_slice %arg8[%dma_wait3A_585, %dma_wait3A_590] : memref<6x48xi32, #tpu.memory_space<vmem>> -> memref<1x48xi32, #tpu.memory_space<vmem>>
        %dma_wait3A_592 = tpu.memref_squeeze %dma_wait3A_591 : memref<1x48xi32, #tpu.memory_space<vmem>> -> memref<48xi32, #tpu.memory_space<vmem>>
        %dma_wait3A_593 = arith.constant 0 : i32
        %dma_wait3A_594 = arith.constant 0 : i32
        %dma_wait3A_595 = tpu.memref_slice %arg10[%dma_wait3A_593, %dma_wait3A_594] : memref<10000x144xf32, #tpu.memory_space<vmem_shared>> -> memref<10000x144xf32, #tpu.memory_space<vmem_shared>>
        tpu.wait_indirect_dma semaphore(%arg16 : memref<!tpu.dma_semaphore, #tpu.memory_space<semaphore_mem>>) src(%dma_wait3A_589 : memref<48x144xf32, #tpu.memory_space<vmem>>) dst(%dma_wait3A_595 : memref<10000x144xf32, #tpu.memory_space<vmem_shared>>)
      } else {
      }
      %add3A_363 = arith.constant 2 : i32
      %add3A_364 = arith.addi %add3A_329, %add3A_363 : i32
      %lt3A_365 = arith.cmpi slt, %add3A_364, %select_n3A : i32
      %convert_element_type3A_366 = arith.extui %lt3A_365 : i1 to i32
      %cond3A_367 = arith.constant 0 : i32
      %cond3A_368 = arith.cmpi ne, %convert_element_type3A_366, %cond3A_367 : i32
      scf.if %cond3A_368 {
        %dma_start3A_584 = arith.constant 2 : i32
        %dma_start3A_585 = arith.constant 2 : i32
        %dma_start3A_586 = arith.constant 0 : i32
        %dma_start3A_587 = arith.constant 0 : i32
        %dma_start3A_588 = tpu.memref_slice %arg9[%dma_start3A_585, %dma_start3A_586, %dma_start3A_587] : memref<3x48x144xf32, #tpu.memory_space<vmem>> -> memref<1x48x144xf32, #tpu.memory_space<vmem>>
        %dma_start3A_589 = tpu.memref_squeeze %dma_start3A_588 : memref<1x48x144xf32, #tpu.memory_space<vmem>> -> memref<48x144xf32, #tpu.memory_space<vmem>>
        %dma_start3A_590 = arith.constant 0 : i32
        %dma_start3A_591 = tpu.memref_slice %arg7[%dma_start3A_584, %dma_start3A_590] : memref<6x48xi32, #tpu.memory_space<vmem>> -> memref<1x48xi32, #tpu.memory_space<vmem>>
        %dma_start3A_592 = tpu.memref_squeeze %dma_start3A_591 : memref<1x48xi32, #tpu.memory_space<vmem>> -> memref<48xi32, #tpu.memory_space<vmem>>
        %dma_start3A_593 = arith.constant 0 : i32
        %dma_start3A_594 = arith.constant 0 : i32
        %dma_start3A_595 = tpu.memref_slice %arg3[%dma_start3A_593, %dma_start3A_594] : memref<10016x144xf32, #tpu.memory_space<hbm>> -> memref<10016x144xf32, #tpu.memory_space<hbm>>
        tpu.enqueue_indirect_dma source(%dma_start3A_595 : memref<10016x144xf32, #tpu.memory_space<hbm>>) target(%dma_start3A_589 : memref<48x144xf32, #tpu.memory_space<vmem>>) offsets(%dma_start3A_592 : memref<48xi32, #tpu.memory_space<vmem>>) semaphore(%arg13 : memref<!tpu.dma_semaphore, #tpu.memory_space<semaphore_mem>>)
      } else {
      }
      %add3A_369 = arith.constant 1 : i32
      %add3A_370 = arith.addi %mul3A_328, %add3A_369 : i32
      %add3A_371 = arith.constant 4 : i32
      %add3A_372 = arith.addi %add3A_370, %add3A_371 : i32
      %lt3A_373 = arith.cmpi slt, %add3A_372, %select_n3A : i32
      %convert_element_type3A_374 = arith.extui %lt3A_373 : i1 to i32
      %cond3A_375 = arith.constant 0 : i32
      %cond3A_376 = arith.cmpi ne, %convert_element_type3A_374, %cond3A_375 : i32
      scf.if %cond3A_376 {
        %add3A_584 = arith.constant 4 : i32
        %add3A_585 = arith.addi %add3A_370, %add3A_584 : i32
        %mul3A_586 = arith.constant 48 : i32
        %mul3A_587 = arith.muli %add3A_585, %mul3A_586 : i32
        %add3A_588 = arith.constant 0 : i32
        %add3A_589 = arith.addi %mul3A_587, %add3A_588 : i32
        %get3A_590 = arith.index_cast %add3A_589 : i32 to index
        %get3A_591 = tpu.vector_load %arg6[%get3A_590] {strides = array<i32>} : memref<12672xi32, #tpu.memory_space<vmem>>, vector<16xi32>,
        %get3A_592 = vector.shape_cast %get3A_591 : vector<16xi32> to vector<16xi32>
        %and3A_593 = arith.constant 65535 : i32
        %and3A_594 = vector.broadcast %and3A_593 : i32 to vector<16xi32>
        %and3A_595 = arith.andi %get3A_592, %and3A_594 : vector<16xi32>
        %swap3A_596 = arith.constant 5 : i32
        %swap3A_597 = arith.index_cast %swap3A_596 : i32 to index
        %swap3A_598 = arith.constant 0 : index
        %swap3A_599 = tpu.vector_load %arg7[%swap3A_597, %swap3A_598] {strides = array<i32>} : memref<6x48xi32, #tpu.memory_space<vmem>>, vector<1x16xi32>,
        %swap3A_600 = vector.shape_cast %swap3A_599 : vector<1x16xi32> to vector<16xi32>
        %swap3A_601 = vector.shape_cast %and3A_595 : vector<16xi32> to vector<1x16xi32>
        tpu.vector_store %arg7[%swap3A_597, %swap3A_598], %swap3A_601 {strides = array<i32>} : memref<6x48xi32, #tpu.memory_space<vmem>>, vector<1x16xi32>,
        %shift_right_logical3A_602 = arith.constant 16 : i32
        %shift_right_logical3A_603 = vector.broadcast %shift_right_logical3A_602 : i32 to vector<16xi32>
        %shift_right_logical3A_604 = arith.shrui %get3A_592, %shift_right_logical3A_603 : vector<16xi32>
        %swap3A_605 = arith.constant 5 : i32
        %swap3A_606 = arith.index_cast %swap3A_605 : i32 to index
        %swap3A_607 = arith.constant 0 : index
        %swap3A_608 = tpu.vector_load %arg8[%swap3A_606, %swap3A_607] {strides = array<i32>} : memref<6x48xi32, #tpu.memory_space<vmem>>, vector<1x16xi32>,
        %swap3A_609 = vector.shape_cast %swap3A_608 : vector<1x16xi32> to vector<16xi32>
        %swap3A_610 = vector.shape_cast %shift_right_logical3A_604 : vector<16xi32> to vector<1x16xi32>
        tpu.vector_store %arg8[%swap3A_606, %swap3A_607], %swap3A_610 {strides = array<i32>} : memref<6x48xi32, #tpu.memory_space<vmem>>, vector<1x16xi32>,
        %mul3A_611 = arith.constant 48 : i32
        %mul3A_612 = arith.muli %add3A_585, %mul3A_611 : i32
        %add3A_613 = arith.constant 16 : i32
        %add3A_614 = arith.addi %mul3A_612, %add3A_613 : i32
        %get3A_615 = arith.index_cast %add3A_614 : i32 to index
        %get3A_616 = tpu.vector_load %arg6[%get3A_615] {strides = array<i32>} : memref<12672xi32, #tpu.memory_space<vmem>>, vector<16xi32>,
        %get3A_617 = vector.shape_cast %get3A_616 : vector<16xi32> to vector<16xi32>
        %and3A_618 = arith.constant 65535 : i32
        %and3A_619 = vector.broadcast %and3A_618 : i32 to vector<16xi32>
        %and3A_620 = arith.andi %get3A_617, %and3A_619 : vector<16xi32>
        %swap3A_621 = arith.constant 5 : i32
        %swap3A_622 = arith.index_cast %swap3A_621 : i32 to index
        %swap3A_623 = arith.constant 16 : index
        %swap3A_624 = tpu.vector_load %arg7[%swap3A_622, %swap3A_623] {strides = array<i32>} : memref<6x48xi32, #tpu.memory_space<vmem>>, vector<1x16xi32>,
        %swap3A_625 = vector.shape_cast %swap3A_624 : vector<1x16xi32> to vector<16xi32>
        %swap3A_626 = vector.shape_cast %and3A_620 : vector<16xi32> to vector<1x16xi32>
        tpu.vector_store %arg7[%swap3A_622, %swap3A_623], %swap3A_626 {strides = array<i32>} : memref<6x48xi32, #tpu.memory_space<vmem>>, vector<1x16xi32>,
        %shift_right_logical3A_627 = arith.constant 16 : i32
        %shift_right_logical3A_628 = vector.broadcast %shift_right_logical3A_627 : i32 to vector<16xi32>
        %shift_right_logical3A_629 = arith.shrui %get3A_617, %shift_right_logical3A_628 : vector<16xi32>
        %swap3A_630 = arith.constant 5 : i32
        %swap3A_631 = arith.index_cast %swap3A_630 : i32 to index
        %swap3A_632 = arith.constant 16 : index
        %swap3A_633 = tpu.vector_load %arg8[%swap3A_631, %swap3A_632] {strides = array<i32>} : memref<6x48xi32, #tpu.memory_space<vmem>>, vector<1x16xi32>,
        %swap3A_634 = vector.shape_cast %swap3A_633 : vector<1x16xi32> to vector<16xi32>
        %swap3A_635 = vector.shape_cast %shift_right_logical3A_629 : vector<16xi32> to vector<1x16xi32>
        tpu.vector_store %arg8[%swap3A_631, %swap3A_632], %swap3A_635 {strides = array<i32>} : memref<6x48xi32, #tpu.memory_space<vmem>>, vector<1x16xi32>,
        %mul3A_636 = arith.constant 48 : i32
        %mul3A_637 = arith.muli %add3A_585, %mul3A_636 : i32
        %add3A_638 = arith.constant 32 : i32
        %add3A_639 = arith.addi %mul3A_637, %add3A_638 : i32
        %get3A_640 = arith.index_cast %add3A_639 : i32 to index
        %get3A_641 = tpu.vector_load %arg6[%get3A_640] {strides = array<i32>} : memref<12672xi32, #tpu.memory_space<vmem>>, vector<16xi32>,
        %get3A_642 = vector.shape_cast %get3A_641 : vector<16xi32> to vector<16xi32>
        %and3A_643 = arith.constant 65535 : i32
        %and3A_644 = vector.broadcast %and3A_643 : i32 to vector<16xi32>
        %and3A_645 = arith.andi %get3A_642, %and3A_644 : vector<16xi32>
        %swap3A_646 = arith.constant 5 : i32
        %swap3A_647 = arith.index_cast %swap3A_646 : i32 to index
        %swap3A_648 = arith.constant 32 : index
        %swap3A_649 = tpu.vector_load %arg7[%swap3A_647, %swap3A_648] {strides = array<i32>} : memref<6x48xi32, #tpu.memory_space<vmem>>, vector<1x16xi32>,
        %swap3A_650 = vector.shape_cast %swap3A_649 : vector<1x16xi32> to vector<16xi32>
        %swap3A_651 = vector.shape_cast %and3A_645 : vector<16xi32> to vector<1x16xi32>
        tpu.vector_store %arg7[%swap3A_647, %swap3A_648], %swap3A_651 {strides = array<i32>} : memref<6x48xi32, #tpu.memory_space<vmem>>, vector<1x16xi32>,
        %shift_right_logical3A_652 = arith.constant 16 : i32
        %shift_right_logical3A_653 = vector.broadcast %shift_right_logical3A_652 : i32 to vector<16xi32>
        %shift_right_logical3A_654 = arith.shrui %get3A_642, %shift_right_logical3A_653 : vector<16xi32>
        %swap3A_655 = arith.constant 5 : i32
        %swap3A_656 = arith.index_cast %swap3A_655 : i32 to index
        %swap3A_657 = arith.constant 32 : index
        %swap3A_658 = tpu.vector_load %arg8[%swap3A_656, %swap3A_657] {strides = array<i32>} : memref<6x48xi32, #tpu.memory_space<vmem>>, vector<1x16xi32>,
        %swap3A_659 = vector.shape_cast %swap3A_658 : vector<1x16xi32> to vector<16xi32>
        %swap3A_660 = vector.shape_cast %shift_right_logical3A_654 : vector<16xi32> to vector<1x16xi32>
        tpu.vector_store %arg8[%swap3A_656, %swap3A_657], %swap3A_660 {strides = array<i32>} : memref<6x48xi32, #tpu.memory_space<vmem>>, vector<1x16xi32>,
      } else {
      }
      %dma_wait3A_377 = arith.constant 1 : i32
      %dma_wait3A_378 = arith.constant 1 : i32
      %dma_wait3A_379 = arith.constant 0 : i32
      %dma_wait3A_380 = arith.constant 0 : i32
      %dma_wait3A_381 = tpu.memref_slice %arg9[%dma_wait3A_378, %dma_wait3A_379, %dma_wait3A_380] : memref<3x48x144xf32, #tpu.memory_space<vmem>> -> memref<1x48x144xf32, #tpu.memory_space<vmem>>
      %dma_wait3A_382 = tpu.memref_squeeze %dma_wait3A_381 : memref<1x48x144xf32, #tpu.memory_space<vmem>> -> memref<48x144xf32, #tpu.memory_space<vmem>>
      %dma_wait3A_383 = arith.constant 0 : i32
      %dma_wait3A_384 = tpu.memref_slice %arg7[%dma_wait3A_377, %dma_wait3A_383] : memref<6x48xi32, #tpu.memory_space<vmem>> -> memref<1x48xi32, #tpu.memory_space<vmem>>
      %dma_wait3A_385 = tpu.memref_squeeze %dma_wait3A_384 : memref<1x48xi32, #tpu.memory_space<vmem>> -> memref<48xi32, #tpu.memory_space<vmem>>
      %dma_wait3A_386 = arith.constant 0 : i32
      %dma_wait3A_387 = arith.constant 0 : i32
      %dma_wait3A_388 = tpu.memref_slice %arg3[%dma_wait3A_386, %dma_wait3A_387] : memref<10016x144xf32, #tpu.memory_space<hbm>> -> memref<10016x144xf32, #tpu.memory_space<hbm>>
      tpu.wait_indirect_dma semaphore(%arg12 : memref<!tpu.dma_semaphore, #tpu.memory_space<semaphore_mem>>) src(%dma_wait3A_388 : memref<10016x144xf32, #tpu.memory_space<hbm>>) dst(%dma_wait3A_382 : memref<48x144xf32, #tpu.memory_space<vmem>>)
      %dma_start3A_389 = arith.constant 1 : i32
      %dma_start3A_390 = arith.constant 1 : i32
      %dma_start3A_391 = arith.constant 0 : i32
      %dma_start3A_392 = arith.constant 0 : i32
      %dma_start3A_393 = tpu.memref_slice %arg9[%dma_start3A_389, %dma_start3A_391, %dma_start3A_392] : memref<3x48x144xf32, #tpu.memory_space<vmem>> -> memref<1x48x144xf32, #tpu.memory_space<vmem>>
      %dma_start3A_394 = tpu.memref_squeeze %dma_start3A_393 : memref<1x48x144xf32, #tpu.memory_space<vmem>> -> memref<48x144xf32, #tpu.memory_space<vmem>>
      %dma_start3A_395 = arith.constant 0 : i32
      %dma_start3A_396 = tpu.memref_slice %arg8[%dma_start3A_390, %dma_start3A_395] : memref<6x48xi32, #tpu.memory_space<vmem>> -> memref<1x48xi32, #tpu.memory_space<vmem>>
      %dma_start3A_397 = tpu.memref_squeeze %dma_start3A_396 : memref<1x48xi32, #tpu.memory_space<vmem>> -> memref<48xi32, #tpu.memory_space<vmem>>
      %dma_start3A_398 = arith.constant 0 : i32
      %dma_start3A_399 = arith.constant 0 : i32
      %dma_start3A_400 = tpu.memref_slice %arg10[%dma_start3A_398, %dma_start3A_399] : memref<10000x144xf32, #tpu.memory_space<vmem_shared>> -> memref<10000x144xf32, #tpu.memory_space<vmem_shared>>
      tpu.enqueue_indirect_dma source(%dma_start3A_394 : memref<48x144xf32, #tpu.memory_space<vmem>>) target(%dma_start3A_400 : memref<10000x144xf32, #tpu.memory_space<vmem_shared>>) offsets(%dma_start3A_397 : memref<48xi32, #tpu.memory_space<vmem>>) semaphore(%arg15 : memref<!tpu.dma_semaphore, #tpu.memory_space<semaphore_mem>>) {add = true}
      %ge3A_401 = arith.constant 1 : i32
      %ge3A_402 = arith.cmpi sge, %add3A_370, %ge3A_401 : i32
      %convert_element_type3A_403 = arith.extui %ge3A_402 : i1 to i32
      %cond3A_404 = arith.constant 0 : i32
      %cond3A_405 = arith.cmpi ne, %convert_element_type3A_403, %cond3A_404 : i32
      scf.if %cond3A_405 {
        %dma_wait3A_584 = arith.constant 0 : i32
        %dma_wait3A_585 = arith.constant 0 : i32
        %dma_wait3A_586 = arith.constant 0 : i32
        %dma_wait3A_587 = arith.constant 0 : i32
        %dma_wait3A_588 = tpu.memref_slice %arg9[%dma_wait3A_584, %dma_wait3A_586, %dma_wait3A_587] : memref<3x48x144xf32, #tpu.memory_space<vmem>> -> memref<1x48x144xf32, #tpu.memory_space<vmem>>
        %dma_wait3A_589 = tpu.memref_squeeze %dma_wait3A_588 : memref<1x48x144xf32, #tpu.memory_space<vmem>> -> memref<48x144xf32, #tpu.memory_space<vmem>>
        %dma_wait3A_590 = arith.constant 0 : i32
        %dma_wait3A_591 = tpu.memref_slice %arg8[%dma_wait3A_585, %dma_wait3A_590] : memref<6x48xi32, #tpu.memory_space<vmem>> -> memref<1x48xi32, #tpu.memory_space<vmem>>
        %dma_wait3A_592 = tpu.memref_squeeze %dma_wait3A_591 : memref<1x48xi32, #tpu.memory_space<vmem>> -> memref<48xi32, #tpu.memory_space<vmem>>
        %dma_wait3A_593 = arith.constant 0 : i32
        %dma_wait3A_594 = arith.constant 0 : i32
        %dma_wait3A_595 = tpu.memref_slice %arg10[%dma_wait3A_593, %dma_wait3A_594] : memref<10000x144xf32, #tpu.memory_space<vmem_shared>> -> memref<10000x144xf32, #tpu.memory_space<vmem_shared>>
        tpu.wait_indirect_dma semaphore(%arg14 : memref<!tpu.dma_semaphore, #tpu.memory_space<semaphore_mem>>) src(%dma_wait3A_589 : memref<48x144xf32, #tpu.memory_space<vmem>>) dst(%dma_wait3A_595 : memref<10000x144xf32, #tpu.memory_space<vmem_shared>>)
      } else {
      }
      %add3A_406 = arith.constant 2 : i32
      %add3A_407 = arith.addi %add3A_370, %add3A_406 : i32
      %lt3A_408 = arith.cmpi slt, %add3A_407, %select_n3A : i32
      %convert_element_type3A_409 = arith.extui %lt3A_408 : i1 to i32
      %cond3A_410 = arith.constant 0 : i32
      %cond3A_411 = arith.cmpi ne, %convert_element_type3A_409, %cond3A_410 : i32
      scf.if %cond3A_411 {
        %dma_start3A_584 = arith.constant 3 : i32
        %dma_start3A_585 = arith.constant 0 : i32
        %dma_start3A_586 = arith.constant 0 : i32
        %dma_start3A_587 = arith.constant 0 : i32
        %dma_start3A_588 = tpu.memref_slice %arg9[%dma_start3A_585, %dma_start3A_586, %dma_start3A_587] : memref<3x48x144xf32, #tpu.memory_space<vmem>> -> memref<1x48x144xf32, #tpu.memory_space<vmem>>
        %dma_start3A_589 = tpu.memref_squeeze %dma_start3A_588 : memref<1x48x144xf32, #tpu.memory_space<vmem>> -> memref<48x144xf32, #tpu.memory_space<vmem>>
        %dma_start3A_590 = arith.constant 0 : i32
        %dma_start3A_591 = tpu.memref_slice %arg7[%dma_start3A_584, %dma_start3A_590] : memref<6x48xi32, #tpu.memory_space<vmem>> -> memref<1x48xi32, #tpu.memory_space<vmem>>
        %dma_start3A_592 = tpu.memref_squeeze %dma_start3A_591 : memref<1x48xi32, #tpu.memory_space<vmem>> -> memref<48xi32, #tpu.memory_space<vmem>>
        %dma_start3A_593 = arith.constant 0 : i32
        %dma_start3A_594 = arith.constant 0 : i32
        %dma_start3A_595 = tpu.memref_slice %arg3[%dma_start3A_593, %dma_start3A_594] : memref<10016x144xf32, #tpu.memory_space<hbm>> -> memref<10016x144xf32, #tpu.memory_space<hbm>>
        tpu.enqueue_indirect_dma source(%dma_start3A_595 : memref<10016x144xf32, #tpu.memory_space<hbm>>) target(%dma_start3A_589 : memref<48x144xf32, #tpu.memory_space<vmem>>) offsets(%dma_start3A_592 : memref<48xi32, #tpu.memory_space<vmem>>) semaphore(%arg11 : memref<!tpu.dma_semaphore, #tpu.memory_space<semaphore_mem>>)
      } else {
      }
      %add3A_412 = arith.constant 2 : i32
      %add3A_413 = arith.addi %mul3A_328, %add3A_412 : i32
      %add3A_414 = arith.constant 4 : i32
      %add3A_415 = arith.addi %add3A_413, %add3A_414 : i32
      %lt3A_416 = arith.cmpi slt, %add3A_415, %select_n3A : i32
      %convert_element_type3A_417 = arith.extui %lt3A_416 : i1 to i32
      %cond3A_418 = arith.constant 0 : i32
      %cond3A_419 = arith.cmpi ne, %convert_element_type3A_417, %cond3A_418 : i32
      scf.if %cond3A_419 {
        %add3A_584 = arith.constant 4 : i32
        %add3A_585 = arith.addi %add3A_413, %add3A_584 : i32
        %mul3A_586 = arith.constant 48 : i32
        %mul3A_587 = arith.muli %add3A_585, %mul3A_586 : i32
        %add3A_588 = arith.constant 0 : i32
        %add3A_589 = arith.addi %mul3A_587, %add3A_588 : i32
        %get3A_590 = arith.index_cast %add3A_589 : i32 to index
        %get3A_591 = tpu.vector_load %arg6[%get3A_590] {strides = array<i32>} : memref<12672xi32, #tpu.memory_space<vmem>>, vector<16xi32>,
        %get3A_592 = vector.shape_cast %get3A_591 : vector<16xi32> to vector<16xi32>
        %and3A_593 = arith.constant 65535 : i32
        %and3A_594 = vector.broadcast %and3A_593 : i32 to vector<16xi32>
        %and3A_595 = arith.andi %get3A_592, %and3A_594 : vector<16xi32>
        %swap3A_596 = arith.constant 0 : i32
        %swap3A_597 = arith.index_cast %swap3A_596 : i32 to index
        %swap3A_598 = arith.constant 0 : index
        %swap3A_599 = tpu.vector_load %arg7[%swap3A_597, %swap3A_598] {strides = array<i32>} : memref<6x48xi32, #tpu.memory_space<vmem>>, vector<1x16xi32>,
        %swap3A_600 = vector.shape_cast %swap3A_599 : vector<1x16xi32> to vector<16xi32>
        %swap3A_601 = vector.shape_cast %and3A_595 : vector<16xi32> to vector<1x16xi32>
        tpu.vector_store %arg7[%swap3A_597, %swap3A_598], %swap3A_601 {strides = array<i32>} : memref<6x48xi32, #tpu.memory_space<vmem>>, vector<1x16xi32>,
        %shift_right_logical3A_602 = arith.constant 16 : i32
        %shift_right_logical3A_603 = vector.broadcast %shift_right_logical3A_602 : i32 to vector<16xi32>
        %shift_right_logical3A_604 = arith.shrui %get3A_592, %shift_right_logical3A_603 : vector<16xi32>
        %swap3A_605 = arith.constant 0 : i32
        %swap3A_606 = arith.index_cast %swap3A_605 : i32 to index
        %swap3A_607 = arith.constant 0 : index
        %swap3A_608 = tpu.vector_load %arg8[%swap3A_606, %swap3A_607] {strides = array<i32>} : memref<6x48xi32, #tpu.memory_space<vmem>>, vector<1x16xi32>,
        %swap3A_609 = vector.shape_cast %swap3A_608 : vector<1x16xi32> to vector<16xi32>
        %swap3A_610 = vector.shape_cast %shift_right_logical3A_604 : vector<16xi32> to vector<1x16xi32>
        tpu.vector_store %arg8[%swap3A_606, %swap3A_607], %swap3A_610 {strides = array<i32>} : memref<6x48xi32, #tpu.memory_space<vmem>>, vector<1x16xi32>,
        %mul3A_611 = arith.constant 48 : i32
        %mul3A_612 = arith.muli %add3A_585, %mul3A_611 : i32
        %add3A_613 = arith.constant 16 : i32
        %add3A_614 = arith.addi %mul3A_612, %add3A_613 : i32
        %get3A_615 = arith.index_cast %add3A_614 : i32 to index
        %get3A_616 = tpu.vector_load %arg6[%get3A_615] {strides = array<i32>} : memref<12672xi32, #tpu.memory_space<vmem>>, vector<16xi32>,
        %get3A_617 = vector.shape_cast %get3A_616 : vector<16xi32> to vector<16xi32>
        %and3A_618 = arith.constant 65535 : i32
        %and3A_619 = vector.broadcast %and3A_618 : i32 to vector<16xi32>
        %and3A_620 = arith.andi %get3A_617, %and3A_619 : vector<16xi32>
        %swap3A_621 = arith.constant 0 : i32
        %swap3A_622 = arith.index_cast %swap3A_621 : i32 to index
        %swap3A_623 = arith.constant 16 : index
        %swap3A_624 = tpu.vector_load %arg7[%swap3A_622, %swap3A_623] {strides = array<i32>} : memref<6x48xi32, #tpu.memory_space<vmem>>, vector<1x16xi32>,
        %swap3A_625 = vector.shape_cast %swap3A_624 : vector<1x16xi32> to vector<16xi32>
        %swap3A_626 = vector.shape_cast %and3A_620 : vector<16xi32> to vector<1x16xi32>
        tpu.vector_store %arg7[%swap3A_622, %swap3A_623], %swap3A_626 {strides = array<i32>} : memref<6x48xi32, #tpu.memory_space<vmem>>, vector<1x16xi32>,
        %shift_right_logical3A_627 = arith.constant 16 : i32
        %shift_right_logical3A_628 = vector.broadcast %shift_right_logical3A_627 : i32 to vector<16xi32>
        %shift_right_logical3A_629 = arith.shrui %get3A_617, %shift_right_logical3A_628 : vector<16xi32>
        %swap3A_630 = arith.constant 0 : i32
        %swap3A_631 = arith.index_cast %swap3A_630 : i32 to index
        %swap3A_632 = arith.constant 16 : index
        %swap3A_633 = tpu.vector_load %arg8[%swap3A_631, %swap3A_632] {strides = array<i32>} : memref<6x48xi32, #tpu.memory_space<vmem>>, vector<1x16xi32>,
        %swap3A_634 = vector.shape_cast %swap3A_633 : vector<1x16xi32> to vector<16xi32>
        %swap3A_635 = vector.shape_cast %shift_right_logical3A_629 : vector<16xi32> to vector<1x16xi32>
        tpu.vector_store %arg8[%swap3A_631, %swap3A_632], %swap3A_635 {strides = array<i32>} : memref<6x48xi32, #tpu.memory_space<vmem>>, vector<1x16xi32>,
        %mul3A_636 = arith.constant 48 : i32
        %mul3A_637 = arith.muli %add3A_585, %mul3A_636 : i32
        %add3A_638 = arith.constant 32 : i32
        %add3A_639 = arith.addi %mul3A_637, %add3A_638 : i32
        %get3A_640 = arith.index_cast %add3A_639 : i32 to index
        %get3A_641 = tpu.vector_load %arg6[%get3A_640] {strides = array<i32>} : memref<12672xi32, #tpu.memory_space<vmem>>, vector<16xi32>,
        %get3A_642 = vector.shape_cast %get3A_641 : vector<16xi32> to vector<16xi32>
        %and3A_643 = arith.constant 65535 : i32
        %and3A_644 = vector.broadcast %and3A_643 : i32 to vector<16xi32>
        %and3A_645 = arith.andi %get3A_642, %and3A_644 : vector<16xi32>
        %swap3A_646 = arith.constant 0 : i32
        %swap3A_647 = arith.index_cast %swap3A_646 : i32 to index
        %swap3A_648 = arith.constant 32 : index
        %swap3A_649 = tpu.vector_load %arg7[%swap3A_647, %swap3A_648] {strides = array<i32>} : memref<6x48xi32, #tpu.memory_space<vmem>>, vector<1x16xi32>,
        %swap3A_650 = vector.shape_cast %swap3A_649 : vector<1x16xi32> to vector<16xi32>
        %swap3A_651 = vector.shape_cast %and3A_645 : vector<16xi32> to vector<1x16xi32>
        tpu.vector_store %arg7[%swap3A_647, %swap3A_648], %swap3A_651 {strides = array<i32>} : memref<6x48xi32, #tpu.memory_space<vmem>>, vector<1x16xi32>,
        %shift_right_logical3A_652 = arith.constant 16 : i32
        %shift_right_logical3A_653 = vector.broadcast %shift_right_logical3A_652 : i32 to vector<16xi32>
        %shift_right_logical3A_654 = arith.shrui %get3A_642, %shift_right_logical3A_653 : vector<16xi32>
        %swap3A_655 = arith.constant 0 : i32
        %swap3A_656 = arith.index_cast %swap3A_655 : i32 to index
        %swap3A_657 = arith.constant 32 : index
        %swap3A_658 = tpu.vector_load %arg8[%swap3A_656, %swap3A_657] {strides = array<i32>} : memref<6x48xi32, #tpu.memory_space<vmem>>, vector<1x16xi32>,
        %swap3A_659 = vector.shape_cast %swap3A_658 : vector<1x16xi32> to vector<16xi32>
        %swap3A_660 = vector.shape_cast %shift_right_logical3A_654 : vector<16xi32> to vector<1x16xi32>
        tpu.vector_store %arg8[%swap3A_656, %swap3A_657], %swap3A_660 {strides = array<i32>} : memref<6x48xi32, #tpu.memory_space<vmem>>, vector<1x16xi32>,
      } else {
      }
      %dma_wait3A_420 = arith.constant 2 : i32
      %dma_wait3A_421 = arith.constant 2 : i32
      %dma_wait3A_422 = arith.constant 0 : i32
      %dma_wait3A_423 = arith.constant 0 : i32
      %dma_wait3A_424 = tpu.memref_slice %arg9[%dma_wait3A_421, %dma_wait3A_422, %dma_wait3A_423] : memref<3x48x144xf32, #tpu.memory_space<vmem>> -> memref<1x48x144xf32, #tpu.memory_space<vmem>>
      %dma_wait3A_425 = tpu.memref_squeeze %dma_wait3A_424 : memref<1x48x144xf32, #tpu.memory_space<vmem>> -> memref<48x144xf32, #tpu.memory_space<vmem>>
      %dma_wait3A_426 = arith.constant 0 : i32
      %dma_wait3A_427 = tpu.memref_slice %arg7[%dma_wait3A_420, %dma_wait3A_426] : memref<6x48xi32, #tpu.memory_space<vmem>> -> memref<1x48xi32, #tpu.memory_space<vmem>>
      %dma_wait3A_428 = tpu.memref_squeeze %dma_wait3A_427 : memref<1x48xi32, #tpu.memory_space<vmem>> -> memref<48xi32, #tpu.memory_space<vmem>>
      %dma_wait3A_429 = arith.constant 0 : i32
      %dma_wait3A_430 = arith.constant 0 : i32
      %dma_wait3A_431 = tpu.memref_slice %arg3[%dma_wait3A_429, %dma_wait3A_430] : memref<10016x144xf32, #tpu.memory_space<hbm>> -> memref<10016x144xf32, #tpu.memory_space<hbm>>
      tpu.wait_indirect_dma semaphore(%arg13 : memref<!tpu.dma_semaphore, #tpu.memory_space<semaphore_mem>>) src(%dma_wait3A_431 : memref<10016x144xf32, #tpu.memory_space<hbm>>) dst(%dma_wait3A_425 : memref<48x144xf32, #tpu.memory_space<vmem>>)
      %dma_start3A_432 = arith.constant 2 : i32
      %dma_start3A_433 = arith.constant 2 : i32
      %dma_start3A_434 = arith.constant 0 : i32
      %dma_start3A_435 = arith.constant 0 : i32
      %dma_start3A_436 = tpu.memref_slice %arg9[%dma_start3A_432, %dma_start3A_434, %dma_start3A_435] : memref<3x48x144xf32, #tpu.memory_space<vmem>> -> memref<1x48x144xf32, #tpu.memory_space<vmem>>
      %dma_start3A_437 = tpu.memref_squeeze %dma_start3A_436 : memref<1x48x144xf32, #tpu.memory_space<vmem>> -> memref<48x144xf32, #tpu.memory_space<vmem>>
      %dma_start3A_438 = arith.constant 0 : i32
      %dma_start3A_439 = tpu.memref_slice %arg8[%dma_start3A_433, %dma_start3A_438] : memref<6x48xi32, #tpu.memory_space<vmem>> -> memref<1x48xi32, #tpu.memory_space<vmem>>
      %dma_start3A_440 = tpu.memref_squeeze %dma_start3A_439 : memref<1x48xi32, #tpu.memory_space<vmem>> -> memref<48xi32, #tpu.memory_space<vmem>>
      %dma_start3A_441 = arith.constant 0 : i32
      %dma_start3A_442 = arith.constant 0 : i32
      %dma_start3A_443 = tpu.memref_slice %arg10[%dma_start3A_441, %dma_start3A_442] : memref<10000x144xf32, #tpu.memory_space<vmem_shared>> -> memref<10000x144xf32, #tpu.memory_space<vmem_shared>>
      tpu.enqueue_indirect_dma source(%dma_start3A_437 : memref<48x144xf32, #tpu.memory_space<vmem>>) target(%dma_start3A_443 : memref<10000x144xf32, #tpu.memory_space<vmem_shared>>) offsets(%dma_start3A_440 : memref<48xi32, #tpu.memory_space<vmem>>) semaphore(%arg16 : memref<!tpu.dma_semaphore, #tpu.memory_space<semaphore_mem>>) {add = true}
      %ge3A_444 = arith.constant 1 : i32
      %ge3A_445 = arith.cmpi sge, %add3A_413, %ge3A_444 : i32
      %convert_element_type3A_446 = arith.extui %ge3A_445 : i1 to i32
      %cond3A_447 = arith.constant 0 : i32
      %cond3A_448 = arith.cmpi ne, %convert_element_type3A_446, %cond3A_447 : i32
      scf.if %cond3A_448 {
        %dma_wait3A_584 = arith.constant 1 : i32
        %dma_wait3A_585 = arith.constant 1 : i32
        %dma_wait3A_586 = arith.constant 0 : i32
        %dma_wait3A_587 = arith.constant 0 : i32
        %dma_wait3A_588 = tpu.memref_slice %arg9[%dma_wait3A_584, %dma_wait3A_586, %dma_wait3A_587] : memref<3x48x144xf32, #tpu.memory_space<vmem>> -> memref<1x48x144xf32, #tpu.memory_space<vmem>>
        %dma_wait3A_589 = tpu.memref_squeeze %dma_wait3A_588 : memref<1x48x144xf32, #tpu.memory_space<vmem>> -> memref<48x144xf32, #tpu.memory_space<vmem>>
        %dma_wait3A_590 = arith.constant 0 : i32
        %dma_wait3A_591 = tpu.memref_slice %arg8[%dma_wait3A_585, %dma_wait3A_590] : memref<6x48xi32, #tpu.memory_space<vmem>> -> memref<1x48xi32, #tpu.memory_space<vmem>>
        %dma_wait3A_592 = tpu.memref_squeeze %dma_wait3A_591 : memref<1x48xi32, #tpu.memory_space<vmem>> -> memref<48xi32, #tpu.memory_space<vmem>>
        %dma_wait3A_593 = arith.constant 0 : i32
        %dma_wait3A_594 = arith.constant 0 : i32
        %dma_wait3A_595 = tpu.memref_slice %arg10[%dma_wait3A_593, %dma_wait3A_594] : memref<10000x144xf32, #tpu.memory_space<vmem_shared>> -> memref<10000x144xf32, #tpu.memory_space<vmem_shared>>
        tpu.wait_indirect_dma semaphore(%arg15 : memref<!tpu.dma_semaphore, #tpu.memory_space<semaphore_mem>>) src(%dma_wait3A_589 : memref<48x144xf32, #tpu.memory_space<vmem>>) dst(%dma_wait3A_595 : memref<10000x144xf32, #tpu.memory_space<vmem_shared>>)
      } else {
      }
      %add3A_449 = arith.constant 2 : i32
      %add3A_450 = arith.addi %add3A_413, %add3A_449 : i32
      %lt3A_451 = arith.cmpi slt, %add3A_450, %select_n3A : i32
      %convert_element_type3A_452 = arith.extui %lt3A_451 : i1 to i32
      %cond3A_453 = arith.constant 0 : i32
      %cond3A_454 = arith.cmpi ne, %convert_element_type3A_452, %cond3A_453 : i32
      scf.if %cond3A_454 {
        %dma_start3A_584 = arith.constant 4 : i32
        %dma_start3A_585 = arith.constant 1 : i32
        %dma_start3A_586 = arith.constant 0 : i32
        %dma_start3A_587 = arith.constant 0 : i32
        %dma_start3A_588 = tpu.memref_slice %arg9[%dma_start3A_585, %dma_start3A_586, %dma_start3A_587] : memref<3x48x144xf32, #tpu.memory_space<vmem>> -> memref<1x48x144xf32, #tpu.memory_space<vmem>>
        %dma_start3A_589 = tpu.memref_squeeze %dma_start3A_588 : memref<1x48x144xf32, #tpu.memory_space<vmem>> -> memref<48x144xf32, #tpu.memory_space<vmem>>
        %dma_start3A_590 = arith.constant 0 : i32
        %dma_start3A_591 = tpu.memref_slice %arg7[%dma_start3A_584, %dma_start3A_590] : memref<6x48xi32, #tpu.memory_space<vmem>> -> memref<1x48xi32, #tpu.memory_space<vmem>>
        %dma_start3A_592 = tpu.memref_squeeze %dma_start3A_591 : memref<1x48xi32, #tpu.memory_space<vmem>> -> memref<48xi32, #tpu.memory_space<vmem>>
        %dma_start3A_593 = arith.constant 0 : i32
        %dma_start3A_594 = arith.constant 0 : i32
        %dma_start3A_595 = tpu.memref_slice %arg3[%dma_start3A_593, %dma_start3A_594] : memref<10016x144xf32, #tpu.memory_space<hbm>> -> memref<10016x144xf32, #tpu.memory_space<hbm>>
        tpu.enqueue_indirect_dma source(%dma_start3A_595 : memref<10016x144xf32, #tpu.memory_space<hbm>>) target(%dma_start3A_589 : memref<48x144xf32, #tpu.memory_space<vmem>>) offsets(%dma_start3A_592 : memref<48xi32, #tpu.memory_space<vmem>>) semaphore(%arg12 : memref<!tpu.dma_semaphore, #tpu.memory_space<semaphore_mem>>)
      } else {
      }
      %add3A_455 = arith.constant 3 : i32
      %add3A_456 = arith.addi %mul3A_328, %add3A_455 : i32
      %add3A_457 = arith.constant 4 : i32
      %add3A_458 = arith.addi %add3A_456, %add3A_457 : i32
      %lt3A_459 = arith.cmpi slt, %add3A_458, %select_n3A : i32
      %convert_element_type3A_460 = arith.extui %lt3A_459 : i1 to i32
      %cond3A_461 = arith.constant 0 : i32
      %cond3A_462 = arith.cmpi ne, %convert_element_type3A_460, %cond3A_461 : i32
      scf.if %cond3A_462 {
        %add3A_584 = arith.constant 4 : i32
        %add3A_585 = arith.addi %add3A_456, %add3A_584 : i32
        %mul3A_586 = arith.constant 48 : i32
        %mul3A_587 = arith.muli %add3A_585, %mul3A_586 : i32
        %add3A_588 = arith.constant 0 : i32
        %add3A_589 = arith.addi %mul3A_587, %add3A_588 : i32
        %get3A_590 = arith.index_cast %add3A_589 : i32 to index
        %get3A_591 = tpu.vector_load %arg6[%get3A_590] {strides = array<i32>} : memref<12672xi32, #tpu.memory_space<vmem>>, vector<16xi32>,
        %get3A_592 = vector.shape_cast %get3A_591 : vector<16xi32> to vector<16xi32>
        %and3A_593 = arith.constant 65535 : i32
        %and3A_594 = vector.broadcast %and3A_593 : i32 to vector<16xi32>
        %and3A_595 = arith.andi %get3A_592, %and3A_594 : vector<16xi32>
        %swap3A_596 = arith.constant 1 : i32
        %swap3A_597 = arith.index_cast %swap3A_596 : i32 to index
        %swap3A_598 = arith.constant 0 : index
        %swap3A_599 = tpu.vector_load %arg7[%swap3A_597, %swap3A_598] {strides = array<i32>} : memref<6x48xi32, #tpu.memory_space<vmem>>, vector<1x16xi32>,
        %swap3A_600 = vector.shape_cast %swap3A_599 : vector<1x16xi32> to vector<16xi32>
        %swap3A_601 = vector.shape_cast %and3A_595 : vector<16xi32> to vector<1x16xi32>
        tpu.vector_store %arg7[%swap3A_597, %swap3A_598], %swap3A_601 {strides = array<i32>} : memref<6x48xi32, #tpu.memory_space<vmem>>, vector<1x16xi32>,
        %shift_right_logical3A_602 = arith.constant 16 : i32
        %shift_right_logical3A_603 = vector.broadcast %shift_right_logical3A_602 : i32 to vector<16xi32>
        %shift_right_logical3A_604 = arith.shrui %get3A_592, %shift_right_logical3A_603 : vector<16xi32>
        %swap3A_605 = arith.constant 1 : i32
        %swap3A_606 = arith.index_cast %swap3A_605 : i32 to index
        %swap3A_607 = arith.constant 0 : index
        %swap3A_608 = tpu.vector_load %arg8[%swap3A_606, %swap3A_607] {strides = array<i32>} : memref<6x48xi32, #tpu.memory_space<vmem>>, vector<1x16xi32>,
        %swap3A_609 = vector.shape_cast %swap3A_608 : vector<1x16xi32> to vector<16xi32>
        %swap3A_610 = vector.shape_cast %shift_right_logical3A_604 : vector<16xi32> to vector<1x16xi32>
        tpu.vector_store %arg8[%swap3A_606, %swap3A_607], %swap3A_610 {strides = array<i32>} : memref<6x48xi32, #tpu.memory_space<vmem>>, vector<1x16xi32>,
        %mul3A_611 = arith.constant 48 : i32
        %mul3A_612 = arith.muli %add3A_585, %mul3A_611 : i32
        %add3A_613 = arith.constant 16 : i32
        %add3A_614 = arith.addi %mul3A_612, %add3A_613 : i32
        %get3A_615 = arith.index_cast %add3A_614 : i32 to index
        %get3A_616 = tpu.vector_load %arg6[%get3A_615] {strides = array<i32>} : memref<12672xi32, #tpu.memory_space<vmem>>, vector<16xi32>,
        %get3A_617 = vector.shape_cast %get3A_616 : vector<16xi32> to vector<16xi32>
        %and3A_618 = arith.constant 65535 : i32
        %and3A_619 = vector.broadcast %and3A_618 : i32 to vector<16xi32>
        %and3A_620 = arith.andi %get3A_617, %and3A_619 : vector<16xi32>
        %swap3A_621 = arith.constant 1 : i32
        %swap3A_622 = arith.index_cast %swap3A_621 : i32 to index
        %swap3A_623 = arith.constant 16 : index
        %swap3A_624 = tpu.vector_load %arg7[%swap3A_622, %swap3A_623] {strides = array<i32>} : memref<6x48xi32, #tpu.memory_space<vmem>>, vector<1x16xi32>,
        %swap3A_625 = vector.shape_cast %swap3A_624 : vector<1x16xi32> to vector<16xi32>
        %swap3A_626 = vector.shape_cast %and3A_620 : vector<16xi32> to vector<1x16xi32>
        tpu.vector_store %arg7[%swap3A_622, %swap3A_623], %swap3A_626 {strides = array<i32>} : memref<6x48xi32, #tpu.memory_space<vmem>>, vector<1x16xi32>,
        %shift_right_logical3A_627 = arith.constant 16 : i32
        %shift_right_logical3A_628 = vector.broadcast %shift_right_logical3A_627 : i32 to vector<16xi32>
        %shift_right_logical3A_629 = arith.shrui %get3A_617, %shift_right_logical3A_628 : vector<16xi32>
        %swap3A_630 = arith.constant 1 : i32
        %swap3A_631 = arith.index_cast %swap3A_630 : i32 to index
        %swap3A_632 = arith.constant 16 : index
        %swap3A_633 = tpu.vector_load %arg8[%swap3A_631, %swap3A_632] {strides = array<i32>} : memref<6x48xi32, #tpu.memory_space<vmem>>, vector<1x16xi32>,
        %swap3A_634 = vector.shape_cast %swap3A_633 : vector<1x16xi32> to vector<16xi32>
        %swap3A_635 = vector.shape_cast %shift_right_logical3A_629 : vector<16xi32> to vector<1x16xi32>
        tpu.vector_store %arg8[%swap3A_631, %swap3A_632], %swap3A_635 {strides = array<i32>} : memref<6x48xi32, #tpu.memory_space<vmem>>, vector<1x16xi32>,
        %mul3A_636 = arith.constant 48 : i32
        %mul3A_637 = arith.muli %add3A_585, %mul3A_636 : i32
        %add3A_638 = arith.constant 32 : i32
        %add3A_639 = arith.addi %mul3A_637, %add3A_638 : i32
        %get3A_640 = arith.index_cast %add3A_639 : i32 to index
        %get3A_641 = tpu.vector_load %arg6[%get3A_640] {strides = array<i32>} : memref<12672xi32, #tpu.memory_space<vmem>>, vector<16xi32>,
        %get3A_642 = vector.shape_cast %get3A_641 : vector<16xi32> to vector<16xi32>
        %and3A_643 = arith.constant 65535 : i32
        %and3A_644 = vector.broadcast %and3A_643 : i32 to vector<16xi32>
        %and3A_645 = arith.andi %get3A_642, %and3A_644 : vector<16xi32>
        %swap3A_646 = arith.constant 1 : i32
        %swap3A_647 = arith.index_cast %swap3A_646 : i32 to index
        %swap3A_648 = arith.constant 32 : index
        %swap3A_649 = tpu.vector_load %arg7[%swap3A_647, %swap3A_648] {strides = array<i32>} : memref<6x48xi32, #tpu.memory_space<vmem>>, vector<1x16xi32>,
        %swap3A_650 = vector.shape_cast %swap3A_649 : vector<1x16xi32> to vector<16xi32>
        %swap3A_651 = vector.shape_cast %and3A_645 : vector<16xi32> to vector<1x16xi32>
        tpu.vector_store %arg7[%swap3A_647, %swap3A_648], %swap3A_651 {strides = array<i32>} : memref<6x48xi32, #tpu.memory_space<vmem>>, vector<1x16xi32>,
        %shift_right_logical3A_652 = arith.constant 16 : i32
        %shift_right_logical3A_653 = vector.broadcast %shift_right_logical3A_652 : i32 to vector<16xi32>
        %shift_right_logical3A_654 = arith.shrui %get3A_642, %shift_right_logical3A_653 : vector<16xi32>
        %swap3A_655 = arith.constant 1 : i32
        %swap3A_656 = arith.index_cast %swap3A_655 : i32 to index
        %swap3A_657 = arith.constant 32 : index
        %swap3A_658 = tpu.vector_load %arg8[%swap3A_656, %swap3A_657] {strides = array<i32>} : memref<6x48xi32, #tpu.memory_space<vmem>>, vector<1x16xi32>,
        %swap3A_659 = vector.shape_cast %swap3A_658 : vector<1x16xi32> to vector<16xi32>
        %swap3A_660 = vector.shape_cast %shift_right_logical3A_654 : vector<16xi32> to vector<1x16xi32>
        tpu.vector_store %arg8[%swap3A_656, %swap3A_657], %swap3A_660 {strides = array<i32>} : memref<6x48xi32, #tpu.memory_space<vmem>>, vector<1x16xi32>,
      } else {
      }
      %dma_wait3A_463 = arith.constant 3 : i32
      %dma_wait3A_464 = arith.constant 0 : i32
      %dma_wait3A_465 = arith.constant 0 : i32
      %dma_wait3A_466 = arith.constant 0 : i32
      %dma_wait3A_467 = tpu.memref_slice %arg9[%dma_wait3A_464, %dma_wait3A_465, %dma_wait3A_466] : memref<3x48x144xf32, #tpu.memory_space<vmem>> -> memref<1x48x144xf32, #tpu.memory_space<vmem>>
      %dma_wait3A_468 = tpu.memref_squeeze %dma_wait3A_467 : memref<1x48x144xf32, #tpu.memory_space<vmem>> -> memref<48x144xf32, #tpu.memory_space<vmem>>
      %dma_wait3A_469 = arith.constant 0 : i32
      %dma_wait3A_470 = tpu.memref_slice %arg7[%dma_wait3A_463, %dma_wait3A_469] : memref<6x48xi32, #tpu.memory_space<vmem>> -> memref<1x48xi32, #tpu.memory_space<vmem>>
      %dma_wait3A_471 = tpu.memref_squeeze %dma_wait3A_470 : memref<1x48xi32, #tpu.memory_space<vmem>> -> memref<48xi32, #tpu.memory_space<vmem>>
      %dma_wait3A_472 = arith.constant 0 : i32
      %dma_wait3A_473 = arith.constant 0 : i32
      %dma_wait3A_474 = tpu.memref_slice %arg3[%dma_wait3A_472, %dma_wait3A_473] : memref<10016x144xf32, #tpu.memory_space<hbm>> -> memref<10016x144xf32, #tpu.memory_space<hbm>>
      tpu.wait_indirect_dma semaphore(%arg11 : memref<!tpu.dma_semaphore, #tpu.memory_space<semaphore_mem>>) src(%dma_wait3A_474 : memref<10016x144xf32, #tpu.memory_space<hbm>>) dst(%dma_wait3A_468 : memref<48x144xf32, #tpu.memory_space<vmem>>)
      %dma_start3A_475 = arith.constant 0 : i32
      %dma_start3A_476 = arith.constant 3 : i32
      %dma_start3A_477 = arith.constant 0 : i32
      %dma_start3A_478 = arith.constant 0 : i32
      %dma_start3A_479 = tpu.memref_slice %arg9[%dma_start3A_475, %dma_start3A_477, %dma_start3A_478] : memref<3x48x144xf32, #tpu.memory_space<vmem>> -> memref<1x48x144xf32, #tpu.memory_space<vmem>>
      %dma_start3A_480 = tpu.memref_squeeze %dma_start3A_479 : memref<1x48x144xf32, #tpu.memory_space<vmem>> -> memref<48x144xf32, #tpu.memory_space<vmem>>
      %dma_start3A_481 = arith.constant 0 : i32
      %dma_start3A_482 = tpu.memref_slice %arg8[%dma_start3A_476, %dma_start3A_481] : memref<6x48xi32, #tpu.memory_space<vmem>> -> memref<1x48xi32, #tpu.memory_space<vmem>>
      %dma_start3A_483 = tpu.memref_squeeze %dma_start3A_482 : memref<1x48xi32, #tpu.memory_space<vmem>> -> memref<48xi32, #tpu.memory_space<vmem>>
      %dma_start3A_484 = arith.constant 0 : i32
      %dma_start3A_485 = arith.constant 0 : i32
      %dma_start3A_486 = tpu.memref_slice %arg10[%dma_start3A_484, %dma_start3A_485] : memref<10000x144xf32, #tpu.memory_space<vmem_shared>> -> memref<10000x144xf32, #tpu.memory_space<vmem_shared>>
      tpu.enqueue_indirect_dma source(%dma_start3A_480 : memref<48x144xf32, #tpu.memory_space<vmem>>) target(%dma_start3A_486 : memref<10000x144xf32, #tpu.memory_space<vmem_shared>>) offsets(%dma_start3A_483 : memref<48xi32, #tpu.memory_space<vmem>>) semaphore(%arg14 : memref<!tpu.dma_semaphore, #tpu.memory_space<semaphore_mem>>) {add = true}
      %ge3A_487 = arith.constant 1 : i32
      %ge3A_488 = arith.cmpi sge, %add3A_456, %ge3A_487 : i32
      %convert_element_type3A_489 = arith.extui %ge3A_488 : i1 to i32
      %cond3A_490 = arith.constant 0 : i32
      %cond3A_491 = arith.cmpi ne, %convert_element_type3A_489, %cond3A_490 : i32
      scf.if %cond3A_491 {
        %dma_wait3A_584 = arith.constant 2 : i32
        %dma_wait3A_585 = arith.constant 2 : i32
        %dma_wait3A_586 = arith.constant 0 : i32
        %dma_wait3A_587 = arith.constant 0 : i32
        %dma_wait3A_588 = tpu.memref_slice %arg9[%dma_wait3A_584, %dma_wait3A_586, %dma_wait3A_587] : memref<3x48x144xf32, #tpu.memory_space<vmem>> -> memref<1x48x144xf32, #tpu.memory_space<vmem>>
        %dma_wait3A_589 = tpu.memref_squeeze %dma_wait3A_588 : memref<1x48x144xf32, #tpu.memory_space<vmem>> -> memref<48x144xf32, #tpu.memory_space<vmem>>
        %dma_wait3A_590 = arith.constant 0 : i32
        %dma_wait3A_591 = tpu.memref_slice %arg8[%dma_wait3A_585, %dma_wait3A_590] : memref<6x48xi32, #tpu.memory_space<vmem>> -> memref<1x48xi32, #tpu.memory_space<vmem>>
        %dma_wait3A_592 = tpu.memref_squeeze %dma_wait3A_591 : memref<1x48xi32, #tpu.memory_space<vmem>> -> memref<48xi32, #tpu.memory_space<vmem>>
        %dma_wait3A_593 = arith.constant 0 : i32
        %dma_wait3A_594 = arith.constant 0 : i32
        %dma_wait3A_595 = tpu.memref_slice %arg10[%dma_wait3A_593, %dma_wait3A_594] : memref<10000x144xf32, #tpu.memory_space<vmem_shared>> -> memref<10000x144xf32, #tpu.memory_space<vmem_shared>>
        tpu.wait_indirect_dma semaphore(%arg16 : memref<!tpu.dma_semaphore, #tpu.memory_space<semaphore_mem>>) src(%dma_wait3A_589 : memref<48x144xf32, #tpu.memory_space<vmem>>) dst(%dma_wait3A_595 : memref<10000x144xf32, #tpu.memory_space<vmem_shared>>)
      } else {
      }
      %add3A_492 = arith.constant 2 : i32
      %add3A_493 = arith.addi %add3A_456, %add3A_492 : i32
      %lt3A_494 = arith.cmpi slt, %add3A_493, %select_n3A : i32
      %convert_element_type3A_495 = arith.extui %lt3A_494 : i1 to i32
      %cond3A_496 = arith.constant 0 : i32
      %cond3A_497 = arith.cmpi ne, %convert_element_type3A_495, %cond3A_496 : i32
      scf.if %cond3A_497 {
        %dma_start3A_584 = arith.constant 5 : i32
        %dma_start3A_585 = arith.constant 2 : i32
        %dma_start3A_586 = arith.constant 0 : i32
        %dma_start3A_587 = arith.constant 0 : i32
        %dma_start3A_588 = tpu.memref_slice %arg9[%dma_start3A_585, %dma_start3A_586, %dma_start3A_587] : memref<3x48x144xf32, #tpu.memory_space<vmem>> -> memref<1x48x144xf32, #tpu.memory_space<vmem>>
        %dma_start3A_589 = tpu.memref_squeeze %dma_start3A_588 : memref<1x48x144xf32, #tpu.memory_space<vmem>> -> memref<48x144xf32, #tpu.memory_space<vmem>>
        %dma_start3A_590 = arith.constant 0 : i32
        %dma_start3A_591 = tpu.memref_slice %arg7[%dma_start3A_584, %dma_start3A_590] : memref<6x48xi32, #tpu.memory_space<vmem>> -> memref<1x48xi32, #tpu.memory_space<vmem>>
        %dma_start3A_592 = tpu.memref_squeeze %dma_start3A_591 : memref<1x48xi32, #tpu.memory_space<vmem>> -> memref<48xi32, #tpu.memory_space<vmem>>
        %dma_start3A_593 = arith.constant 0 : i32
        %dma_start3A_594 = arith.constant 0 : i32
        %dma_start3A_595 = tpu.memref_slice %arg3[%dma_start3A_593, %dma_start3A_594] : memref<10016x144xf32, #tpu.memory_space<hbm>> -> memref<10016x144xf32, #tpu.memory_space<hbm>>
        tpu.enqueue_indirect_dma source(%dma_start3A_595 : memref<10016x144xf32, #tpu.memory_space<hbm>>) target(%dma_start3A_589 : memref<48x144xf32, #tpu.memory_space<vmem>>) offsets(%dma_start3A_592 : memref<48xi32, #tpu.memory_space<vmem>>) semaphore(%arg13 : memref<!tpu.dma_semaphore, #tpu.memory_space<semaphore_mem>>)
      } else {
      }
      %add3A_498 = arith.constant 4 : i32
      %add3A_499 = arith.addi %mul3A_328, %add3A_498 : i32
      %add3A_500 = arith.constant 4 : i32
      %add3A_501 = arith.addi %add3A_499, %add3A_500 : i32
      %lt3A_502 = arith.cmpi slt, %add3A_501, %select_n3A : i32
      %convert_element_type3A_503 = arith.extui %lt3A_502 : i1 to i32
      %cond3A_504 = arith.constant 0 : i32
      %cond3A_505 = arith.cmpi ne, %convert_element_type3A_503, %cond3A_504 : i32
      scf.if %cond3A_505 {
        %add3A_584 = arith.constant 4 : i32
        %add3A_585 = arith.addi %add3A_499, %add3A_584 : i32
        %mul3A_586 = arith.constant 48 : i32
        %mul3A_587 = arith.muli %add3A_585, %mul3A_586 : i32
        %add3A_588 = arith.constant 0 : i32
        %add3A_589 = arith.addi %mul3A_587, %add3A_588 : i32
        %get3A_590 = arith.index_cast %add3A_589 : i32 to index
        %get3A_591 = tpu.vector_load %arg6[%get3A_590] {strides = array<i32>} : memref<12672xi32, #tpu.memory_space<vmem>>, vector<16xi32>,
        %get3A_592 = vector.shape_cast %get3A_591 : vector<16xi32> to vector<16xi32>
        %and3A_593 = arith.constant 65535 : i32
        %and3A_594 = vector.broadcast %and3A_593 : i32 to vector<16xi32>
        %and3A_595 = arith.andi %get3A_592, %and3A_594 : vector<16xi32>
        %swap3A_596 = arith.constant 2 : i32
        %swap3A_597 = arith.index_cast %swap3A_596 : i32 to index
        %swap3A_598 = arith.constant 0 : index
        %swap3A_599 = tpu.vector_load %arg7[%swap3A_597, %swap3A_598] {strides = array<i32>} : memref<6x48xi32, #tpu.memory_space<vmem>>, vector<1x16xi32>,
        %swap3A_600 = vector.shape_cast %swap3A_599 : vector<1x16xi32> to vector<16xi32>
        %swap3A_601 = vector.shape_cast %and3A_595 : vector<16xi32> to vector<1x16xi32>
        tpu.vector_store %arg7[%swap3A_597, %swap3A_598], %swap3A_601 {strides = array<i32>} : memref<6x48xi32, #tpu.memory_space<vmem>>, vector<1x16xi32>,
        %shift_right_logical3A_602 = arith.constant 16 : i32
        %shift_right_logical3A_603 = vector.broadcast %shift_right_logical3A_602 : i32 to vector<16xi32>
        %shift_right_logical3A_604 = arith.shrui %get3A_592, %shift_right_logical3A_603 : vector<16xi32>
        %swap3A_605 = arith.constant 2 : i32
        %swap3A_606 = arith.index_cast %swap3A_605 : i32 to index
        %swap3A_607 = arith.constant 0 : index
        %swap3A_608 = tpu.vector_load %arg8[%swap3A_606, %swap3A_607] {strides = array<i32>} : memref<6x48xi32, #tpu.memory_space<vmem>>, vector<1x16xi32>,
        %swap3A_609 = vector.shape_cast %swap3A_608 : vector<1x16xi32> to vector<16xi32>
        %swap3A_610 = vector.shape_cast %shift_right_logical3A_604 : vector<16xi32> to vector<1x16xi32>
        tpu.vector_store %arg8[%swap3A_606, %swap3A_607], %swap3A_610 {strides = array<i32>} : memref<6x48xi32, #tpu.memory_space<vmem>>, vector<1x16xi32>,
        %mul3A_611 = arith.constant 48 : i32
        %mul3A_612 = arith.muli %add3A_585, %mul3A_611 : i32
        %add3A_613 = arith.constant 16 : i32
        %add3A_614 = arith.addi %mul3A_612, %add3A_613 : i32
        %get3A_615 = arith.index_cast %add3A_614 : i32 to index
        %get3A_616 = tpu.vector_load %arg6[%get3A_615] {strides = array<i32>} : memref<12672xi32, #tpu.memory_space<vmem>>, vector<16xi32>,
        %get3A_617 = vector.shape_cast %get3A_616 : vector<16xi32> to vector<16xi32>
        %and3A_618 = arith.constant 65535 : i32
        %and3A_619 = vector.broadcast %and3A_618 : i32 to vector<16xi32>
        %and3A_620 = arith.andi %get3A_617, %and3A_619 : vector<16xi32>
        %swap3A_621 = arith.constant 2 : i32
        %swap3A_622 = arith.index_cast %swap3A_621 : i32 to index
        %swap3A_623 = arith.constant 16 : index
        %swap3A_624 = tpu.vector_load %arg7[%swap3A_622, %swap3A_623] {strides = array<i32>} : memref<6x48xi32, #tpu.memory_space<vmem>>, vector<1x16xi32>,
        %swap3A_625 = vector.shape_cast %swap3A_624 : vector<1x16xi32> to vector<16xi32>
        %swap3A_626 = vector.shape_cast %and3A_620 : vector<16xi32> to vector<1x16xi32>
        tpu.vector_store %arg7[%swap3A_622, %swap3A_623], %swap3A_626 {strides = array<i32>} : memref<6x48xi32, #tpu.memory_space<vmem>>, vector<1x16xi32>,
        %shift_right_logical3A_627 = arith.constant 16 : i32
        %shift_right_logical3A_628 = vector.broadcast %shift_right_logical3A_627 : i32 to vector<16xi32>
        %shift_right_logical3A_629 = arith.shrui %get3A_617, %shift_right_logical3A_628 : vector<16xi32>
        %swap3A_630 = arith.constant 2 : i32
        %swap3A_631 = arith.index_cast %swap3A_630 : i32 to index
        %swap3A_632 = arith.constant 16 : index
        %swap3A_633 = tpu.vector_load %arg8[%swap3A_631, %swap3A_632] {strides = array<i32>} : memref<6x48xi32, #tpu.memory_space<vmem>>, vector<1x16xi32>,
        %swap3A_634 = vector.shape_cast %swap3A_633 : vector<1x16xi32> to vector<16xi32>
        %swap3A_635 = vector.shape_cast %shift_right_logical3A_629 : vector<16xi32> to vector<1x16xi32>
        tpu.vector_store %arg8[%swap3A_631, %swap3A_632], %swap3A_635 {strides = array<i32>} : memref<6x48xi32, #tpu.memory_space<vmem>>, vector<1x16xi32>,
        %mul3A_636 = arith.constant 48 : i32
        %mul3A_637 = arith.muli %add3A_585, %mul3A_636 : i32
        %add3A_638 = arith.constant 32 : i32
        %add3A_639 = arith.addi %mul3A_637, %add3A_638 : i32
        %get3A_640 = arith.index_cast %add3A_639 : i32 to index
        %get3A_641 = tpu.vector_load %arg6[%get3A_640] {strides = array<i32>} : memref<12672xi32, #tpu.memory_space<vmem>>, vector<16xi32>,
        %get3A_642 = vector.shape_cast %get3A_641 : vector<16xi32> to vector<16xi32>
        %and3A_643 = arith.constant 65535 : i32
        %and3A_644 = vector.broadcast %and3A_643 : i32 to vector<16xi32>
        %and3A_645 = arith.andi %get3A_642, %and3A_644 : vector<16xi32>
        %swap3A_646 = arith.constant 2 : i32
        %swap3A_647 = arith.index_cast %swap3A_646 : i32 to index
        %swap3A_648 = arith.constant 32 : index
        %swap3A_649 = tpu.vector_load %arg7[%swap3A_647, %swap3A_648] {strides = array<i32>} : memref<6x48xi32, #tpu.memory_space<vmem>>, vector<1x16xi32>,
        %swap3A_650 = vector.shape_cast %swap3A_649 : vector<1x16xi32> to vector<16xi32>
        %swap3A_651 = vector.shape_cast %and3A_645 : vector<16xi32> to vector<1x16xi32>
        tpu.vector_store %arg7[%swap3A_647, %swap3A_648], %swap3A_651 {strides = array<i32>} : memref<6x48xi32, #tpu.memory_space<vmem>>, vector<1x16xi32>,
        %shift_right_logical3A_652 = arith.constant 16 : i32
        %shift_right_logical3A_653 = vector.broadcast %shift_right_logical3A_652 : i32 to vector<16xi32>
        %shift_right_logical3A_654 = arith.shrui %get3A_642, %shift_right_logical3A_653 : vector<16xi32>
        %swap3A_655 = arith.constant 2 : i32
        %swap3A_656 = arith.index_cast %swap3A_655 : i32 to index
        %swap3A_657 = arith.constant 32 : index
        %swap3A_658 = tpu.vector_load %arg8[%swap3A_656, %swap3A_657] {strides = array<i32>} : memref<6x48xi32, #tpu.memory_space<vmem>>, vector<1x16xi32>,
        %swap3A_659 = vector.shape_cast %swap3A_658 : vector<1x16xi32> to vector<16xi32>
        %swap3A_660 = vector.shape_cast %shift_right_logical3A_654 : vector<16xi32> to vector<1x16xi32>
        tpu.vector_store %arg8[%swap3A_656, %swap3A_657], %swap3A_660 {strides = array<i32>} : memref<6x48xi32, #tpu.memory_space<vmem>>, vector<1x16xi32>,
      } else {
      }
      %dma_wait3A_506 = arith.constant 4 : i32
      %dma_wait3A_507 = arith.constant 1 : i32
      %dma_wait3A_508 = arith.constant 0 : i32
      %dma_wait3A_509 = arith.constant 0 : i32
      %dma_wait3A_510 = tpu.memref_slice %arg9[%dma_wait3A_507, %dma_wait3A_508, %dma_wait3A_509] : memref<3x48x144xf32, #tpu.memory_space<vmem>> -> memref<1x48x144xf32, #tpu.memory_space<vmem>>
      %dma_wait3A_511 = tpu.memref_squeeze %dma_wait3A_510 : memref<1x48x144xf32, #tpu.memory_space<vmem>> -> memref<48x144xf32, #tpu.memory_space<vmem>>
      %dma_wait3A_512 = arith.constant 0 : i32
      %dma_wait3A_513 = tpu.memref_slice %arg7[%dma_wait3A_506, %dma_wait3A_512] : memref<6x48xi32, #tpu.memory_space<vmem>> -> memref<1x48xi32, #tpu.memory_space<vmem>>
      %dma_wait3A_514 = tpu.memref_squeeze %dma_wait3A_513 : memref<1x48xi32, #tpu.memory_space<vmem>> -> memref<48xi32, #tpu.memory_space<vmem>>
      %dma_wait3A_515 = arith.constant 0 : i32
      %dma_wait3A_516 = arith.constant 0 : i32
      %dma_wait3A_517 = tpu.memref_slice %arg3[%dma_wait3A_515, %dma_wait3A_516] : memref<10016x144xf32, #tpu.memory_space<hbm>> -> memref<10016x144xf32, #tpu.memory_space<hbm>>
      tpu.wait_indirect_dma semaphore(%arg12 : memref<!tpu.dma_semaphore, #tpu.memory_space<semaphore_mem>>) src(%dma_wait3A_517 : memref<10016x144xf32, #tpu.memory_space<hbm>>) dst(%dma_wait3A_511 : memref<48x144xf32, #tpu.memory_space<vmem>>)
      %dma_start3A_518 = arith.constant 1 : i32
      %dma_start3A_519 = arith.constant 4 : i32
      %dma_start3A_520 = arith.constant 0 : i32
      %dma_start3A_521 = arith.constant 0 : i32
      %dma_start3A_522 = tpu.memref_slice %arg9[%dma_start3A_518, %dma_start3A_520, %dma_start3A_521] : memref<3x48x144xf32, #tpu.memory_space<vmem>> -> memref<1x48x144xf32, #tpu.memory_space<vmem>>
      %dma_start3A_523 = tpu.memref_squeeze %dma_start3A_522 : memref<1x48x144xf32, #tpu.memory_space<vmem>> -> memref<48x144xf32, #tpu.memory_space<vmem>>
      %dma_start3A_524 = arith.constant 0 : i32
      %dma_start3A_525 = tpu.memref_slice %arg8[%dma_start3A_519, %dma_start3A_524] : memref<6x48xi32, #tpu.memory_space<vmem>> -> memref<1x48xi32, #tpu.memory_space<vmem>>
      %dma_start3A_526 = tpu.memref_squeeze %dma_start3A_525 : memref<1x48xi32, #tpu.memory_space<vmem>> -> memref<48xi32, #tpu.memory_space<vmem>>
      %dma_start3A_527 = arith.constant 0 : i32
      %dma_start3A_528 = arith.constant 0 : i32
      %dma_start3A_529 = tpu.memref_slice %arg10[%dma_start3A_527, %dma_start3A_528] : memref<10000x144xf32, #tpu.memory_space<vmem_shared>> -> memref<10000x144xf32, #tpu.memory_space<vmem_shared>>
      tpu.enqueue_indirect_dma source(%dma_start3A_523 : memref<48x144xf32, #tpu.memory_space<vmem>>) target(%dma_start3A_529 : memref<10000x144xf32, #tpu.memory_space<vmem_shared>>) offsets(%dma_start3A_526 : memref<48xi32, #tpu.memory_space<vmem>>) semaphore(%arg15 : memref<!tpu.dma_semaphore, #tpu.memory_space<semaphore_mem>>) {add = true}
      %ge3A_530 = arith.constant 1 : i32
      %ge3A_531 = arith.cmpi sge, %add3A_499, %ge3A_530 : i32
      %convert_element_type3A_532 = arith.extui %ge3A_531 : i1 to i32
      %cond3A_533 = arith.constant 0 : i32
      %cond3A_534 = arith.cmpi ne, %convert_element_type3A_532, %cond3A_533 : i32
      scf.if %cond3A_534 {
        %dma_wait3A_584 = arith.constant 0 : i32
        %dma_wait3A_585 = arith.constant 3 : i32
        %dma_wait3A_586 = arith.constant 0 : i32
        %dma_wait3A_587 = arith.constant 0 : i32
        %dma_wait3A_588 = tpu.memref_slice %arg9[%dma_wait3A_584, %dma_wait3A_586, %dma_wait3A_587] : memref<3x48x144xf32, #tpu.memory_space<vmem>> -> memref<1x48x144xf32, #tpu.memory_space<vmem>>
        %dma_wait3A_589 = tpu.memref_squeeze %dma_wait3A_588 : memref<1x48x144xf32, #tpu.memory_space<vmem>> -> memref<48x144xf32, #tpu.memory_space<vmem>>
        %dma_wait3A_590 = arith.constant 0 : i32
        %dma_wait3A_591 = tpu.memref_slice %arg8[%dma_wait3A_585, %dma_wait3A_590] : memref<6x48xi32, #tpu.memory_space<vmem>> -> memref<1x48xi32, #tpu.memory_space<vmem>>
        %dma_wait3A_592 = tpu.memref_squeeze %dma_wait3A_591 : memref<1x48xi32, #tpu.memory_space<vmem>> -> memref<48xi32, #tpu.memory_space<vmem>>
        %dma_wait3A_593 = arith.constant 0 : i32
        %dma_wait3A_594 = arith.constant 0 : i32
        %dma_wait3A_595 = tpu.memref_slice %arg10[%dma_wait3A_593, %dma_wait3A_594] : memref<10000x144xf32, #tpu.memory_space<vmem_shared>> -> memref<10000x144xf32, #tpu.memory_space<vmem_shared>>
        tpu.wait_indirect_dma semaphore(%arg14 : memref<!tpu.dma_semaphore, #tpu.memory_space<semaphore_mem>>) src(%dma_wait3A_589 : memref<48x144xf32, #tpu.memory_space<vmem>>) dst(%dma_wait3A_595 : memref<10000x144xf32, #tpu.memory_space<vmem_shared>>)
      } else {
      }
      %add3A_535 = arith.constant 2 : i32
      %add3A_536 = arith.addi %add3A_499, %add3A_535 : i32
      %lt3A_537 = arith.cmpi slt, %add3A_536, %select_n3A : i32
      %convert_element_type3A_538 = arith.extui %lt3A_537 : i1 to i32
      %cond3A_539 = arith.constant 0 : i32
      %cond3A_540 = arith.cmpi ne, %convert_element_type3A_538, %cond3A_539 : i32
      scf.if %cond3A_540 {
        %dma_start3A_584 = arith.constant 0 : i32
        %dma_start3A_585 = arith.constant 0 : i32
        %dma_start3A_586 = arith.constant 0 : i32
        %dma_start3A_587 = arith.constant 0 : i32
        %dma_start3A_588 = tpu.memref_slice %arg9[%dma_start3A_585, %dma_start3A_586, %dma_start3A_587] : memref<3x48x144xf32, #tpu.memory_space<vmem>> -> memref<1x48x144xf32, #tpu.memory_space<vmem>>
        %dma_start3A_589 = tpu.memref_squeeze %dma_start3A_588 : memref<1x48x144xf32, #tpu.memory_space<vmem>> -> memref<48x144xf32, #tpu.memory_space<vmem>>
        %dma_start3A_590 = arith.constant 0 : i32
        %dma_start3A_591 = tpu.memref_slice %arg7[%dma_start3A_584, %dma_start3A_590] : memref<6x48xi32, #tpu.memory_space<vmem>> -> memref<1x48xi32, #tpu.memory_space<vmem>>
        %dma_start3A_592 = tpu.memref_squeeze %dma_start3A_591 : memref<1x48xi32, #tpu.memory_space<vmem>> -> memref<48xi32, #tpu.memory_space<vmem>>
        %dma_start3A_593 = arith.constant 0 : i32
        %dma_start3A_594 = arith.constant 0 : i32
        %dma_start3A_595 = tpu.memref_slice %arg3[%dma_start3A_593, %dma_start3A_594] : memref<10016x144xf32, #tpu.memory_space<hbm>> -> memref<10016x144xf32, #tpu.memory_space<hbm>>
        tpu.enqueue_indirect_dma source(%dma_start3A_595 : memref<10016x144xf32, #tpu.memory_space<hbm>>) target(%dma_start3A_589 : memref<48x144xf32, #tpu.memory_space<vmem>>) offsets(%dma_start3A_592 : memref<48xi32, #tpu.memory_space<vmem>>) semaphore(%arg11 : memref<!tpu.dma_semaphore, #tpu.memory_space<semaphore_mem>>)
      } else {
      }
      %add3A_541 = arith.constant 5 : i32
      %add3A_542 = arith.addi %mul3A_328, %add3A_541 : i32
      %add3A_543 = arith.constant 4 : i32
      %add3A_544 = arith.addi %add3A_542, %add3A_543 : i32
      %lt3A_545 = arith.cmpi slt, %add3A_544, %select_n3A : i32
      %convert_element_type3A_546 = arith.extui %lt3A_545 : i1 to i32
      %cond3A_547 = arith.constant 0 : i32
      %cond3A_548 = arith.cmpi ne, %convert_element_type3A_546, %cond3A_547 : i32
      scf.if %cond3A_548 {
        %add3A_584 = arith.constant 4 : i32
        %add3A_585 = arith.addi %add3A_542, %add3A_584 : i32
        %mul3A_586 = arith.constant 48 : i32
        %mul3A_587 = arith.muli %add3A_585, %mul3A_586 : i32
        %add3A_588 = arith.constant 0 : i32
        %add3A_589 = arith.addi %mul3A_587, %add3A_588 : i32
        %get3A_590 = arith.index_cast %add3A_589 : i32 to index
        %get3A_591 = tpu.vector_load %arg6[%get3A_590] {strides = array<i32>} : memref<12672xi32, #tpu.memory_space<vmem>>, vector<16xi32>,
        %get3A_592 = vector.shape_cast %get3A_591 : vector<16xi32> to vector<16xi32>
        %and3A_593 = arith.constant 65535 : i32
        %and3A_594 = vector.broadcast %and3A_593 : i32 to vector<16xi32>
        %and3A_595 = arith.andi %get3A_592, %and3A_594 : vector<16xi32>
        %swap3A_596 = arith.constant 3 : i32
        %swap3A_597 = arith.index_cast %swap3A_596 : i32 to index
        %swap3A_598 = arith.constant 0 : index
        %swap3A_599 = tpu.vector_load %arg7[%swap3A_597, %swap3A_598] {strides = array<i32>} : memref<6x48xi32, #tpu.memory_space<vmem>>, vector<1x16xi32>,
        %swap3A_600 = vector.shape_cast %swap3A_599 : vector<1x16xi32> to vector<16xi32>
        %swap3A_601 = vector.shape_cast %and3A_595 : vector<16xi32> to vector<1x16xi32>
        tpu.vector_store %arg7[%swap3A_597, %swap3A_598], %swap3A_601 {strides = array<i32>} : memref<6x48xi32, #tpu.memory_space<vmem>>, vector<1x16xi32>,
        %shift_right_logical3A_602 = arith.constant 16 : i32
        %shift_right_logical3A_603 = vector.broadcast %shift_right_logical3A_602 : i32 to vector<16xi32>
        %shift_right_logical3A_604 = arith.shrui %get3A_592, %shift_right_logical3A_603 : vector<16xi32>
        %swap3A_605 = arith.constant 3 : i32
        %swap3A_606 = arith.index_cast %swap3A_605 : i32 to index
        %swap3A_607 = arith.constant 0 : index
        %swap3A_608 = tpu.vector_load %arg8[%swap3A_606, %swap3A_607] {strides = array<i32>} : memref<6x48xi32, #tpu.memory_space<vmem>>, vector<1x16xi32>,
        %swap3A_609 = vector.shape_cast %swap3A_608 : vector<1x16xi32> to vector<16xi32>
        %swap3A_610 = vector.shape_cast %shift_right_logical3A_604 : vector<16xi32> to vector<1x16xi32>
        tpu.vector_store %arg8[%swap3A_606, %swap3A_607], %swap3A_610 {strides = array<i32>} : memref<6x48xi32, #tpu.memory_space<vmem>>, vector<1x16xi32>,
        %mul3A_611 = arith.constant 48 : i32
        %mul3A_612 = arith.muli %add3A_585, %mul3A_611 : i32
        %add3A_613 = arith.constant 16 : i32
        %add3A_614 = arith.addi %mul3A_612, %add3A_613 : i32
        %get3A_615 = arith.index_cast %add3A_614 : i32 to index
        %get3A_616 = tpu.vector_load %arg6[%get3A_615] {strides = array<i32>} : memref<12672xi32, #tpu.memory_space<vmem>>, vector<16xi32>,
        %get3A_617 = vector.shape_cast %get3A_616 : vector<16xi32> to vector<16xi32>
        %and3A_618 = arith.constant 65535 : i32
        %and3A_619 = vector.broadcast %and3A_618 : i32 to vector<16xi32>
        %and3A_620 = arith.andi %get3A_617, %and3A_619 : vector<16xi32>
        %swap3A_621 = arith.constant 3 : i32
        %swap3A_622 = arith.index_cast %swap3A_621 : i32 to index
        %swap3A_623 = arith.constant 16 : index
        %swap3A_624 = tpu.vector_load %arg7[%swap3A_622, %swap3A_623] {strides = array<i32>} : memref<6x48xi32, #tpu.memory_space<vmem>>, vector<1x16xi32>,
        %swap3A_625 = vector.shape_cast %swap3A_624 : vector<1x16xi32> to vector<16xi32>
        %swap3A_626 = vector.shape_cast %and3A_620 : vector<16xi32> to vector<1x16xi32>
        tpu.vector_store %arg7[%swap3A_622, %swap3A_623], %swap3A_626 {strides = array<i32>} : memref<6x48xi32, #tpu.memory_space<vmem>>, vector<1x16xi32>,
        %shift_right_logical3A_627 = arith.constant 16 : i32
        %shift_right_logical3A_628 = vector.broadcast %shift_right_logical3A_627 : i32 to vector<16xi32>
        %shift_right_logical3A_629 = arith.shrui %get3A_617, %shift_right_logical3A_628 : vector<16xi32>
        %swap3A_630 = arith.constant 3 : i32
        %swap3A_631 = arith.index_cast %swap3A_630 : i32 to index
        %swap3A_632 = arith.constant 16 : index
        %swap3A_633 = tpu.vector_load %arg8[%swap3A_631, %swap3A_632] {strides = array<i32>} : memref<6x48xi32, #tpu.memory_space<vmem>>, vector<1x16xi32>,
        %swap3A_634 = vector.shape_cast %swap3A_633 : vector<1x16xi32> to vector<16xi32>
        %swap3A_635 = vector.shape_cast %shift_right_logical3A_629 : vector<16xi32> to vector<1x16xi32>
        tpu.vector_store %arg8[%swap3A_631, %swap3A_632], %swap3A_635 {strides = array<i32>} : memref<6x48xi32, #tpu.memory_space<vmem>>, vector<1x16xi32>,
        %mul3A_636 = arith.constant 48 : i32
        %mul3A_637 = arith.muli %add3A_585, %mul3A_636 : i32
        %add3A_638 = arith.constant 32 : i32
        %add3A_639 = arith.addi %mul3A_637, %add3A_638 : i32
        %get3A_640 = arith.index_cast %add3A_639 : i32 to index
        %get3A_641 = tpu.vector_load %arg6[%get3A_640] {strides = array<i32>} : memref<12672xi32, #tpu.memory_space<vmem>>, vector<16xi32>,
        %get3A_642 = vector.shape_cast %get3A_641 : vector<16xi32> to vector<16xi32>
        %and3A_643 = arith.constant 65535 : i32
        %and3A_644 = vector.broadcast %and3A_643 : i32 to vector<16xi32>
        %and3A_645 = arith.andi %get3A_642, %and3A_644 : vector<16xi32>
        %swap3A_646 = arith.constant 3 : i32
        %swap3A_647 = arith.index_cast %swap3A_646 : i32 to index
        %swap3A_648 = arith.constant 32 : index
        %swap3A_649 = tpu.vector_load %arg7[%swap3A_647, %swap3A_648] {strides = array<i32>} : memref<6x48xi32, #tpu.memory_space<vmem>>, vector<1x16xi32>,
        %swap3A_650 = vector.shape_cast %swap3A_649 : vector<1x16xi32> to vector<16xi32>
        %swap3A_651 = vector.shape_cast %and3A_645 : vector<16xi32> to vector<1x16xi32>
        tpu.vector_store %arg7[%swap3A_647, %swap3A_648], %swap3A_651 {strides = array<i32>} : memref<6x48xi32, #tpu.memory_space<vmem>>, vector<1x16xi32>,
        %shift_right_logical3A_652 = arith.constant 16 : i32
        %shift_right_logical3A_653 = vector.broadcast %shift_right_logical3A_652 : i32 to vector<16xi32>
        %shift_right_logical3A_654 = arith.shrui %get3A_642, %shift_right_logical3A_653 : vector<16xi32>
        %swap3A_655 = arith.constant 3 : i32
        %swap3A_656 = arith.index_cast %swap3A_655 : i32 to index
        %swap3A_657 = arith.constant 32 : index
        %swap3A_658 = tpu.vector_load %arg8[%swap3A_656, %swap3A_657] {strides = array<i32>} : memref<6x48xi32, #tpu.memory_space<vmem>>, vector<1x16xi32>,
        %swap3A_659 = vector.shape_cast %swap3A_658 : vector<1x16xi32> to vector<16xi32>
        %swap3A_660 = vector.shape_cast %shift_right_logical3A_654 : vector<16xi32> to vector<1x16xi32>
        tpu.vector_store %arg8[%swap3A_656, %swap3A_657], %swap3A_660 {strides = array<i32>} : memref<6x48xi32, #tpu.memory_space<vmem>>, vector<1x16xi32>,
      } else {
      }
      %dma_wait3A_549 = arith.constant 5 : i32
      %dma_wait3A_550 = arith.constant 2 : i32
      %dma_wait3A_551 = arith.constant 0 : i32
      %dma_wait3A_552 = arith.constant 0 : i32
      %dma_wait3A_553 = tpu.memref_slice %arg9[%dma_wait3A_550, %dma_wait3A_551, %dma_wait3A_552] : memref<3x48x144xf32, #tpu.memory_space<vmem>> -> memref<1x48x144xf32, #tpu.memory_space<vmem>>
      %dma_wait3A_554 = tpu.memref_squeeze %dma_wait3A_553 : memref<1x48x144xf32, #tpu.memory_space<vmem>> -> memref<48x144xf32, #tpu.memory_space<vmem>>
      %dma_wait3A_555 = arith.constant 0 : i32
      %dma_wait3A_556 = tpu.memref_slice %arg7[%dma_wait3A_549, %dma_wait3A_555] : memref<6x48xi32, #tpu.memory_space<vmem>> -> memref<1x48xi32, #tpu.memory_space<vmem>>
      %dma_wait3A_557 = tpu.memref_squeeze %dma_wait3A_556 : memref<1x48xi32, #tpu.memory_space<vmem>> -> memref<48xi32, #tpu.memory_space<vmem>>
      %dma_wait3A_558 = arith.constant 0 : i32
      %dma_wait3A_559 = arith.constant 0 : i32
      %dma_wait3A_560 = tpu.memref_slice %arg3[%dma_wait3A_558, %dma_wait3A_559] : memref<10016x144xf32, #tpu.memory_space<hbm>> -> memref<10016x144xf32, #tpu.memory_space<hbm>>
      tpu.wait_indirect_dma semaphore(%arg13 : memref<!tpu.dma_semaphore, #tpu.memory_space<semaphore_mem>>) src(%dma_wait3A_560 : memref<10016x144xf32, #tpu.memory_space<hbm>>) dst(%dma_wait3A_554 : memref<48x144xf32, #tpu.memory_space<vmem>>)
      %dma_start3A_561 = arith.constant 2 : i32
      %dma_start3A_562 = arith.constant 5 : i32
      %dma_start3A_563 = arith.constant 0 : i32
      %dma_start3A_564 = arith.constant 0 : i32
      %dma_start3A_565 = tpu.memref_slice %arg9[%dma_start3A_561, %dma_start3A_563, %dma_start3A_564] : memref<3x48x144xf32, #tpu.memory_space<vmem>> -> memref<1x48x144xf32, #tpu.memory_space<vmem>>
      %dma_start3A_566 = tpu.memref_squeeze %dma_start3A_565 : memref<1x48x144xf32, #tpu.memory_space<vmem>> -> memref<48x144xf32, #tpu.memory_space<vmem>>
      %dma_start3A_567 = arith.constant 0 : i32
      %dma_start3A_568 = tpu.memref_slice %arg8[%dma_start3A_562, %dma_start3A_567] : memref<6x48xi32, #tpu.memory_space<vmem>> -> memref<1x48xi32, #tpu.memory_space<vmem>>
      %dma_start3A_569 = tpu.memref_squeeze %dma_start3A_568 : memref<1x48xi32, #tpu.memory_space<vmem>> -> memref<48xi32, #tpu.memory_space<vmem>>
      %dma_start3A_570 = arith.constant 0 : i32
      %dma_start3A_571 = arith.constant 0 : i32
      %dma_start3A_572 = tpu.memref_slice %arg10[%dma_start3A_570, %dma_start3A_571] : memref<10000x144xf32, #tpu.memory_space<vmem_shared>> -> memref<10000x144xf32, #tpu.memory_space<vmem_shared>>
      tpu.enqueue_indirect_dma source(%dma_start3A_566 : memref<48x144xf32, #tpu.memory_space<vmem>>) target(%dma_start3A_572 : memref<10000x144xf32, #tpu.memory_space<vmem_shared>>) offsets(%dma_start3A_569 : memref<48xi32, #tpu.memory_space<vmem>>) semaphore(%arg16 : memref<!tpu.dma_semaphore, #tpu.memory_space<semaphore_mem>>) {add = true}
      %ge3A_573 = arith.constant 1 : i32
      %ge3A_574 = arith.cmpi sge, %add3A_542, %ge3A_573 : i32
      %convert_element_type3A_575 = arith.extui %ge3A_574 : i1 to i32
      %cond3A_576 = arith.constant 0 : i32
      %cond3A_577 = arith.cmpi ne, %convert_element_type3A_575, %cond3A_576 : i32
      scf.if %cond3A_577 {
        %dma_wait3A_584 = arith.constant 1 : i32
        %dma_wait3A_585 = arith.constant 4 : i32
        %dma_wait3A_586 = arith.constant 0 : i32
        %dma_wait3A_587 = arith.constant 0 : i32
        %dma_wait3A_588 = tpu.memref_slice %arg9[%dma_wait3A_584, %dma_wait3A_586, %dma_wait3A_587] : memref<3x48x144xf32, #tpu.memory_space<vmem>> -> memref<1x48x144xf32, #tpu.memory_space<vmem>>
        %dma_wait3A_589 = tpu.memref_squeeze %dma_wait3A_588 : memref<1x48x144xf32, #tpu.memory_space<vmem>> -> memref<48x144xf32, #tpu.memory_space<vmem>>
        %dma_wait3A_590 = arith.constant 0 : i32
        %dma_wait3A_591 = tpu.memref_slice %arg8[%dma_wait3A_585, %dma_wait3A_590] : memref<6x48xi32, #tpu.memory_space<vmem>> -> memref<1x48xi32, #tpu.memory_space<vmem>>
        %dma_wait3A_592 = tpu.memref_squeeze %dma_wait3A_591 : memref<1x48xi32, #tpu.memory_space<vmem>> -> memref<48xi32, #tpu.memory_space<vmem>>
        %dma_wait3A_593 = arith.constant 0 : i32
        %dma_wait3A_594 = arith.constant 0 : i32
        %dma_wait3A_595 = tpu.memref_slice %arg10[%dma_wait3A_593, %dma_wait3A_594] : memref<10000x144xf32, #tpu.memory_space<vmem_shared>> -> memref<10000x144xf32, #tpu.memory_space<vmem_shared>>
        tpu.wait_indirect_dma semaphore(%arg15 : memref<!tpu.dma_semaphore, #tpu.memory_space<semaphore_mem>>) src(%dma_wait3A_589 : memref<48x144xf32, #tpu.memory_space<vmem>>) dst(%dma_wait3A_595 : memref<10000x144xf32, #tpu.memory_space<vmem_shared>>)
      } else {
      }
      %add3A_578 = arith.constant 2 : i32
      %add3A_579 = arith.addi %add3A_542, %add3A_578 : i32
      %lt3A_580 = arith.cmpi slt, %add3A_579, %select_n3A : i32
      %convert_element_type3A_581 = arith.extui %lt3A_580 : i1 to i32
      %cond3A_582 = arith.constant 0 : i32
      %cond3A_583 = arith.cmpi ne, %convert_element_type3A_581, %cond3A_582 : i32
      scf.if %cond3A_583 {
        %dma_start3A_584 = arith.constant 1 : i32
        %dma_start3A_585 = arith.constant 1 : i32
        %dma_start3A_586 = arith.constant 0 : i32
        %dma_start3A_587 = arith.constant 0 : i32
        %dma_start3A_588 = tpu.memref_slice %arg9[%dma_start3A_585, %dma_start3A_586, %dma_start3A_587] : memref<3x48x144xf32, #tpu.memory_space<vmem>> -> memref<1x48x144xf32, #tpu.memory_space<vmem>>
        %dma_start3A_589 = tpu.memref_squeeze %dma_start3A_588 : memref<1x48x144xf32, #tpu.memory_space<vmem>> -> memref<48x144xf32, #tpu.memory_space<vmem>>
        %dma_start3A_590 = arith.constant 0 : i32
        %dma_start3A_591 = tpu.memref_slice %arg7[%dma_start3A_584, %dma_start3A_590] : memref<6x48xi32, #tpu.memory_space<vmem>> -> memref<1x48xi32, #tpu.memory_space<vmem>>
        %dma_start3A_592 = tpu.memref_squeeze %dma_start3A_591 : memref<1x48xi32, #tpu.memory_space<vmem>> -> memref<48xi32, #tpu.memory_space<vmem>>
        %dma_start3A_593 = arith.constant 0 : i32
        %dma_start3A_594 = arith.constant 0 : i32
        %dma_start3A_595 = tpu.memref_slice %arg3[%dma_start3A_593, %dma_start3A_594] : memref<10016x144xf32, #tpu.memory_space<hbm>> -> memref<10016x144xf32, #tpu.memory_space<hbm>>
        tpu.enqueue_indirect_dma source(%dma_start3A_595 : memref<10016x144xf32, #tpu.memory_space<hbm>>) target(%dma_start3A_589 : memref<48x144xf32, #tpu.memory_space<vmem>>) offsets(%dma_start3A_592 : memref<48xi32, #tpu.memory_space<vmem>>) semaphore(%arg12 : memref<!tpu.dma_semaphore, #tpu.memory_space<semaphore_mem>>)
      } else {
      }
    }
    %dma_wait3A = arith.constant 2 : i32
    %dma_wait3A_310 = arith.constant 5 : i32
    %dma_wait3A_311 = arith.constant 0 : i32
    %dma_wait3A_312 = arith.constant 0 : i32
    %dma_wait3A_313 = tpu.memref_slice %arg9[%dma_wait3A, %dma_wait3A_311, %dma_wait3A_312] : memref<3x48x144xf32, #tpu.memory_space<vmem>> -> memref<1x48x144xf32, #tpu.memory_space<vmem>>
    %dma_wait3A_314 = tpu.memref_squeeze %dma_wait3A_313 : memref<1x48x144xf32, #tpu.memory_space<vmem>> -> memref<48x144xf32, #tpu.memory_space<vmem>>
    %dma_wait3A_315 = arith.constant 0 : i32
    %dma_wait3A_316 = tpu.memref_slice %arg8[%dma_wait3A_310, %dma_wait3A_315] : memref<6x48xi32, #tpu.memory_space<vmem>> -> memref<1x48xi32, #tpu.memory_space<vmem>>
    %dma_wait3A_317 = tpu.memref_squeeze %dma_wait3A_316 : memref<1x48xi32, #tpu.memory_space<vmem>> -> memref<48xi32, #tpu.memory_space<vmem>>
    %dma_wait3A_318 = arith.constant 0 : i32
    %dma_wait3A_319 = arith.constant 0 : i32
    %dma_wait3A_320 = tpu.memref_slice %arg10[%dma_wait3A_318, %dma_wait3A_319] : memref<10000x144xf32, #tpu.memory_space<vmem_shared>> -> memref<10000x144xf32, #tpu.memory_space<vmem_shared>>
    tpu.wait_indirect_dma semaphore(%arg16 : memref<!tpu.dma_semaphore, #tpu.memory_space<semaphore_mem>>) src(%dma_wait3A_314 : memref<48x144xf32, #tpu.memory_space<vmem>>) dst(%dma_wait3A_320 : memref<10000x144xf32, #tpu.memory_space<vmem_shared>>)
    %barrier3A_321 = arith.constant 0 : index
    tpu.barrier barrier_id(%barrier3A_321)
    %mul3A_322 = arith.constant 625 : i32
    %mul3A_323 = arith.muli %arg1, %mul3A_322 : i32
    %mul3A_324 = arith.constant 625 : i32
    %mul3A_325 = arith.muli %arg1, %mul3A_324 : i32
    "tpu.region"() ({
      %run_scoped3A = tpu.sem_alloc : memref<!tpu.dma_semaphore, #tpu.memory_space<semaphore_mem>>
      %dma_start3A_326 = arith.constant 0 : i32
      %dma_start3A_327 = tpu.memref_slice %arg5[%arg0, %mul3A_325, %dma_start3A_326] : memref<2x10000x144xf32, #tpu.memory_space<hbm>> -> memref<1x625x144xf32, #tpu.memory_space<hbm>>
      %dma_start3A_328 = tpu.memref_squeeze %dma_start3A_327 : memref<1x625x144xf32, #tpu.memory_space<hbm>> -> memref<625x144xf32, #tpu.memory_space<hbm>>
      %dma_start3A_329 = arith.constant 0 : i32
      %dma_start3A_330 = tpu.memref_slice %arg10[%mul3A_323, %dma_start3A_329] : memref<10000x144xf32, #tpu.memory_space<vmem_shared>> -> memref<625x144xf32, #tpu.memory_space<vmem_shared>>
      tpu.enqueue_dma source(%dma_start3A_330 : memref<625x144xf32, #tpu.memory_space<vmem_shared>>) target(%dma_start3A_328 : memref<625x144xf32, #tpu.memory_space<hbm>>) target_semaphore(%run_scoped3A : memref<!tpu.dma_semaphore, #tpu.memory_space<semaphore_mem>>)
      %dma_wait3A_331 = arith.constant 0 : i32
      %dma_wait3A_332 = tpu.memref_slice %arg5[%arg0, %mul3A_325, %dma_wait3A_331] : memref<2x10000x144xf32, #tpu.memory_space<hbm>> -> memref<1x625x144xf32, #tpu.memory_space<hbm>>
      %dma_wait3A_333 = tpu.memref_squeeze %dma_wait3A_332 : memref<1x625x144xf32, #tpu.memory_space<hbm>> -> memref<625x144xf32, #tpu.memory_space<hbm>>
      %dma_wait3A_334 = arith.constant 0 : i32
      %dma_wait3A_335 = tpu.memref_slice %arg10[%mul3A_323, %dma_wait3A_334] : memref<10000x144xf32, #tpu.memory_space<vmem_shared>> -> memref<625x144xf32, #tpu.memory_space<vmem_shared>>
      tpu.wait_dma2 semaphore(%run_scoped3A : memref<!tpu.dma_semaphore, #tpu.memory_space<semaphore_mem>>) src(%dma_wait3A_335 : memref<625x144xf32, #tpu.memory_space<vmem_shared>>) dst(%dma_wait3A_333 : memref<625x144xf32, #tpu.memory_space<hbm>>)
      tpu.yield
    }) : () -> ()
    return
  }
}

module attributes {stable_mosaic.version = 14 : i64} {
  func.func @_prep_body(%arg0: memref<128x10000xf32, #tpu.memory_space<vmem>>, %arg1: memref<128x128xf32, #tpu.memory_space<vmem>>, %arg2: memref<1x128xf32, #tpu.memory_space<vmem>>, %arg3: memref<128x1xf32, #tpu.memory_space<vmem>>, %arg4: memref<1x1xf32, #tpu.memory_space<vmem>>, %arg5: memref<10016x144xf32, #tpu.memory_space<vmem>>) attributes {dimension_semantics = [], scalar_prefetch = 0 : i64, scratch_operands = 0 : i64, tpu.core_type = #tpu.core_type<tc>} {
    %get3A = arith.constant 0 : index
    %get3A_0 = arith.constant 0 : index
    %get3A_1 = vector.load %arg0[%get3A, %get3A_0] : memref<128x10000xf32, #tpu.memory_space<vmem>>, vector<128x10000xf32>
    %get3A_2 = arith.constant 0 : index
    %get3A_3 = arith.constant 0 : index
    %get3A_4 = vector.load %arg1[%get3A_2, %get3A_3] : memref<128x128xf32, #tpu.memory_space<vmem>>, vector<128x128xf32>
    %dot_general3A = arith.constant dense<0.000000e+00> : vector<10000x128xf32>
    %dot_general3A_5 = tpu.matmul %get3A_1, %get3A_4, %dot_general3A {dimension_numbers = #tpu.dot_dimension_numbers<[0], [1], [1], [0], [0, 1, 1, 0], [], []>, transpose_lhs_hint = false} : vector<128x10000xf32>, vector<128x128xf32>, vector<10000x128xf32> -> vector<10000x128xf32>
    %get3A_6 = arith.constant 0 : index
    %get3A_7 = arith.constant 0 : index
    %get3A_8 = vector.load %arg2[%get3A_6, %get3A_7] : memref<1x128xf32, #tpu.memory_space<vmem>>, vector<1x128xf32>
    %add3A = vector.broadcast %get3A_8 : vector<1x128xf32> to vector<10000x128xf32>
    %add3A_9 = arith.addf %dot_general3A_5, %add3A : vector<10000x128xf32>
    %get3A_10 = arith.constant 0 : index
    %get3A_11 = arith.constant 0 : index
    %get3A_12 = vector.load %arg3[%get3A_10, %get3A_11] : memref<128x1xf32, #tpu.memory_space<vmem>>, vector<128x1xf32>
    %dot_general3A_13 = arith.constant dense<0.000000e+00> : vector<10000x1xf32>
    %dot_general3A_14 = tpu.matmul %add3A_9, %get3A_12, %dot_general3A_13 {dimension_numbers = #tpu.dot_dimension_numbers<[1], [0], [0], [1], [0, 0, 1, 1], [], []>, transpose_lhs_hint = false} : vector<10000x128xf32>, vector<128x1xf32>, vector<10000x1xf32> -> vector<10000x1xf32>
    %get3A_15 = arith.constant 0 : index
    %get3A_16 = arith.constant 0 : index
    %get3A_17 = vector.load %arg4[%get3A_15, %get3A_16] : memref<1x1xf32, #tpu.memory_space<vmem>>, vector<1x1xf32>
    %ge3A = arith.constant 0.000000e+00 : f32
    %ge3A_18 = vector.broadcast %ge3A : f32 to vector<10000x1xf32>
    %ge3A_19 = arith.cmpf oge, %dot_general3A_14, %ge3A_18 : vector<10000x1xf32>
    %mul3A = vector.broadcast %get3A_17 : vector<1x1xf32> to vector<10000x1xf32>
    %mul3A_20 = arith.mulf %mul3A, %dot_general3A_14 : vector<10000x1xf32>
    %select_n3A = arith.select %ge3A_19, %dot_general3A_14, %mul3A_20 : vector<10000x1xi1>, vector<10000x1xf32>
    %exp3A = math.exp %select_n3A : vector<10000x1xf32>
    %mul3A_21 = vector.broadcast %exp3A : vector<10000x1xf32> to vector<10000x128xf32>
    %mul3A_22 = arith.mulf %add3A_9, %mul3A_21 : vector<10000x128xf32>
    %swap3A = arith.constant 0 : index
    %swap3A_23 = arith.constant 0 : index
    %swap3A_24 = vector.load %arg5[%swap3A, %swap3A_23] : memref<10016x144xf32, #tpu.memory_space<vmem>>, vector<10000x128xf32>
    tpu.vector_store %arg5[%swap3A, %swap3A_23], %mul3A_22 {strides = array<i32>} : memref<10016x144xf32, #tpu.memory_space<vmem>>, vector<10000x128xf32>,
    %iota3A = tpu.iota {dimensions = array<i32: 1>} : vector<10000x16xi32>
    %eq3A = arith.constant 0 : i32
    %eq3A_25 = vector.broadcast %eq3A : i32 to vector<10000x16xi32>
    %eq3A_26 = arith.cmpi eq, %iota3A, %eq3A_25 : vector<10000x16xi32>
    %jit3A = arith.constant 0.000000e+00 : f32
    %broadcast_in_dim3A = vector.shape_cast %exp3A : vector<10000x1xf32> to vector<10000x1xf32>
    %broadcast_in_dim3A_27 = vector.broadcast %broadcast_in_dim3A : vector<10000x1xf32> to vector<10000x16xf32>
    %broadcast_in_dim3A_28 = vector.broadcast %jit3A : f32 to vector<10000x16xf32>
    %select_n3A_29 = arith.select %eq3A_26, %broadcast_in_dim3A_27, %broadcast_in_dim3A_28 : vector<10000x16xi1>, vector<10000x16xf32>
    %swap3A_30 = arith.constant 0 : index
    %swap3A_31 = arith.constant 128 : index
    %swap3A_32 = vector.load %arg5[%swap3A_30, %swap3A_31] : memref<10016x144xf32, #tpu.memory_space<vmem>>, vector<10000x16xf32>
    tpu.vector_store %arg5[%swap3A_30, %swap3A_31], %select_n3A_29 {strides = array<i32>} : memref<10016x144xf32, #tpu.memory_space<vmem>>, vector<10000x16xf32>,
    %broadcast_in_dim3A_33 = arith.constant 0.000000e+00 : f32
    %broadcast_in_dim3A_34 = vector.broadcast %broadcast_in_dim3A_33 : f32 to vector<16x144xf32>
    %swap3A_35 = arith.constant 10000 : index
    %swap3A_36 = arith.constant 0 : index
    %swap3A_37 = vector.load %arg5[%swap3A_35, %swap3A_36] : memref<10016x144xf32, #tpu.memory_space<vmem>>, vector<16x144xf32>
    tpu.vector_store %arg5[%swap3A_35, %swap3A_36], %broadcast_in_dim3A_34 {strides = array<i32>} : memref<10016x144xf32, #tpu.memory_space<vmem>>, vector<16x144xf32>,
    return
  }
}

module attributes {stable_mosaic.version = 14 : i64} {
  func.func @_fin_body(%arg0: memref<2x10000x144xf32, #tpu.memory_space<vmem>>, %arg1: memref<128x10000xf32, #tpu.memory_space<vmem>>) attributes {dimension_semantics = [], scalar_prefetch = 0 : i64, scratch_operands = 0 : i64, tpu.core_type = #tpu.core_type<tc>} {
    %get3A = arith.constant 0 : index
    %get3A_0 = arith.constant 0 : index
    %get3A_1 = arith.constant 0 : index
    %get3A_2 = vector.load %arg0[%get3A, %get3A_0, %get3A_1] : memref<2x10000x144xf32, #tpu.memory_space<vmem>>, vector<1x10000x144xf32>
    %get3A_3 = vector.shape_cast %get3A_2 : vector<1x10000x144xf32> to vector<10000x144xf32>
    %get3A_4 = arith.constant 1 : index
    %get3A_5 = arith.constant 0 : index
    %get3A_6 = arith.constant 0 : index
    %get3A_7 = vector.load %arg0[%get3A_4, %get3A_5, %get3A_6] : memref<2x10000x144xf32, #tpu.memory_space<vmem>>, vector<1x10000x144xf32>
    %get3A_8 = vector.shape_cast %get3A_7 : vector<1x10000x144xf32> to vector<10000x144xf32>
    %add3A = arith.addf %get3A_3, %get3A_8 : vector<10000x144xf32>
    %slice3A = vector.extract_strided_slice %add3A {offsets = [0, 0], sizes = [10000, 128], strides = [1, 1]} : vector<10000x144xf32> to vector<10000x128xf32>
    %slice3A_9 = vector.extract_strided_slice %add3A {offsets = [0, 128], sizes = [10000, 1], strides = [1, 1]} : vector<10000x144xf32> to vector<10000x1xf32>
    %eq3A = arith.constant 0.000000e+00 : f32
    %eq3A_10 = vector.broadcast %eq3A : f32 to vector<10000x1xf32>
    %eq3A_11 = arith.cmpf oeq, %slice3A_9, %eq3A_10 : vector<10000x1xf32>
    %jit3A = arith.constant 1.000000e+00 : f32
    %broadcast_in_dim3A = vector.broadcast %jit3A : f32 to vector<10000x1xf32>
    %select_n3A = arith.select %eq3A_11, %broadcast_in_dim3A, %slice3A_9 : vector<10000x1xi1>, vector<10000x1xf32>
    %div3A = vector.broadcast %select_n3A : vector<10000x1xf32> to vector<10000x128xf32>
    %div3A_12 = arith.divf %slice3A, %div3A : vector<10000x128xf32>
    %transpose3A = tpu.transpose %div3A_12, [1, 0] : vector<10000x128xf32> -> vector<128x10000xf32>
    %swap3A = arith.constant 0 : index
    %swap3A_13 = arith.constant 0 : index
    %swap3A_14 = vector.load %arg1[%swap3A, %swap3A_13] : memref<128x10000xf32, #tpu.memory_space<vmem>>, vector<128x10000xf32>
    tpu.vector_store %arg1[%swap3A, %swap3A_13], %transpose3A {strides = array<i32>} : memref<128x10000xf32, #tpu.memory_space<vmem>>, vector<128x10000xf32>,
    return
  }
}

</mosaic_0001>

<sc_bundles>
// kernel: kernel.5.cloned.1.call-start
scs
__scs_entry_jumppad:
0x0: {  	(pc) =	sbr.rel $0x88, $3  }
0x1: {  	(tag) =	ssettag $0x0;
	lr =	simm.s32 $0x1  }
0x2: {  	[smem:$0x3F9B] =	sst lr;
	_ =	strace $0xD0000000  }
0x3: {  	_ = 	snop  }
0x4: {  	_ = 	snop  }
0x5: {  	_ = 	snop  }
0x6: {  	_ = 	snop  }
0x7: {  	_ = 	snop  }
__scs_overlays_trampoline_lowered:
0x8: {  	[smem:$0x3FAA] =	sst s0  }
0x9: {  	[smem:$0x3FAB] =	sst s1  }
0xa: {  	[smem:$0x3FAC] =	sst s2  }
0xb: {  	[smem:$0x3FAD] =	sst s3  }
0xc: {  	[smem:$0x3FAE] =	sst s4  }
0xd: {  	[smem:$0x3FAF] =	sst s5  }
0xe: {  	[smem:$0x3FB0] =	sst s6  }
0xf: {  	[smem:$0x3FB1] =	sst s7  }
0x10: {  	[smem:$0x3FB2] =	sst s8  }
0x11: {  	[smem:$0x3FB3] =	sst s9;
	s0 =	simm.s32 @!p0 $0x0  }
0x12: {  	s1 =	sld [smem:$0x3F99];
	s0 =	simm.s32 @p0 $0x1  }
0x13: {  	[smem:$0x3FB4] =	sst s0;
	s0 =	simm.s32 @!p1 $0x0  }
0x14: {  	s2 =	sld [smem:$0x3F98];
	s0 =	simm.s32 @p1 $0x1  }
0x15: {  	[smem:$0x3FB5] =	sst s0;
	s0 =	simm.s32 @!p2 $0x0  }
0x16: {  	s3 =	sld [smem:$0x3FDB];
	s0 =	simm.s32 @p2 $0x1  }
0x17: {  	s4 =	simm.s32 $0x1BF5;
	[smem:$0x3FB7] =	sst s0  }
0x18: {  	s0 =	sld [smem:$0x3F9A];
	_ =	swait.ge [sflag:s4], $0x0  }
0x19: {  	s7 =	sld [smem:$0x3F9B]  }
0x1a: {  	s8 =	sadd.s32 $0xFFFFE003, lr  }
0x1b: {  	s9 =	sadd.s32 $0xFFFFFEF7, lr;
	s5 =	simm.s32 $0xFFFFFFFF;
	p2 =	slt.u32 s8, $0xFFFFF086  }
0x1c: {  	p1 =	slt.u32 s9, $0xF7A;
	s5 =	simm.s32 @!p2 $0x0  }
0x1d: {  	s5 =	simm.s32 @p1 $0x1;
	p0 =	seq.s32 s7, s2  }
0x1e: {  	s7 =	smul.u32 @!p0 $0xF7A, s2;
	p2 =	seq.s32 @!p0 s5, $0x0  }
0x1f: {  	s9 =	smul.u32 $0xF7A, s1;
	s8 =	simm.s32 @!p0 $0x1BF5;
	p2 =	por !p2, p0  }
0x20: {  	[sflag:s8] =	ssyncset.s32 @!p0 $0xFFFFF086;
	s6 =	sadd.s32 @!p0 s3, s7;
	s7 =	simm.s32 @!p0 $0x108  }
0x21: {  	s3 =	sadd.s32 s3, s9;
	s6 =	sadd.s32 @!p0 $0x88, s6;
	s7 =	simm.s32 @p2 $0x1082  }
0x22: {  	[simem:s7], [sflag:s8] =	dma.local @!p0 [hbm:s6], $0xF7A  }
0x23: {  	s9 =	sor.u32 $0xD0000000, s2;
	s6 =	simm.s32 $0x108;
	_ =	swait.ge @!p0 [sflag:s8], $0x0  }
0x24: {  	s3 =	sadd.s32 $0x88, s3;
	s6 =	simm.s32 @!p1 $0x1082;
	[sflag:s4] =	ssyncset.s32 $0xFFFFF086  }
0x25: {  	[simem:s6], [sflag:s4] =	dma.local [hbm:s3], $0xF7A  }
0x26: {  	[smem:$0x3F9B] =	sst s1;
	(tag) =	ssettag s2;
	_ =	strace s9  }
0x27: {  	s1 =	sld [smem:$0x3FAB]  }
0x28: {  	s2 =	sld [smem:$0x3FAC]  }
0x29: {  	s4 =	sld [smem:$0x3FAE]  }
0x2a: {  	p0 =	seq.s32 s5, $0x0;
	s5 =	sld [smem:$0x3FAF]  }
0x2b: {  	s6 =	sld [smem:$0x3FB0]  }
0x2c: {  	s7 =	sld [smem:$0x3FB1]  }
0x2d: {  	s3 =	simm.s32 $0x108;
	s8 =	sld [smem:$0x3FB2]  }
0x2e: {  	s3 =	simm.s32 @!p0 $0x1082;
	s9 =	sld [smem:$0x3FB3]  }
0x2f: {  	lr =	sadd.s32 s0, s3;
	s0 =	sld [smem:$0x3FAA]  }
0x30: {  	s3 =	sld [smem:$0x3FAD]  }
0x31: {  	[smem:$0x3FB6] =	sst s10  }
0x32: {  	s10 =	sld [smem:$0x3FB4];
	_ =	sdelay $0x3  }
0x33: {  	p0 =	seq.s32 s10, $0x1;
	s10 =	sld [smem:$0x3FB6];
	_ =	sdelay $0x3  }
0x34: {  	[smem:$0x3FB6] =	sst s10  }
0x35: {  	s10 =	sld [smem:$0x3FB5];
	_ =	sdelay $0x3  }
0x36: {  	p1 =	seq.s32 s10, $0x1;
	s10 =	sld [smem:$0x3FB6];
	_ =	sdelay $0x3  }
0x37: {  	[smem:$0x3FB6] =	sst s10  }
0x38: {  	s10 =	sld [smem:$0x3FB7]  }
0x39: {  	_ = 	snop;
	(pc) =	sbr.ind lr, $3  }
0x3a: {  	_ = 	snop  }
0x3b: {  	_ = 	snop  }
0x3c: {  	p2 =	seq.s32 s10, $0x1;
	s10 =	sld [smem:$0x3FB6]  }
0x3d: {  	_ =	shalt  }
0x3e: {  	_ =	shalt  }
0x3f: {  	_ =	shalt  }
0x40: {  	_ =	shalt  }
0x41: {  	_ =	shalt  }
0x42: {  	_ =	shalt  }
0x43: {  	_ =	shalt  }
0x44: {  	_ =	shalt  }
0x45: {  	_ =	shalt  }
0x46: {  	_ =	shalt  }
0x47: {  	_ =	shalt  }
0x48: {  	_ =	shalt  }
0x49: {  	_ =	shalt  }
0x4a: {  	_ =	shalt  }
0x4b: {  	_ =	shalt  }
0x4c: {  	_ =	shalt  }
0x4d: {  	_ =	shalt  }
0x4e: {  	_ =	shalt  }
0x4f: {  	_ =	shalt  }
0x50: {  	_ =	shalt  }
0x51: {  	_ =	shalt  }
0x52: {  	_ =	shalt  }
0x53: {  	_ =	shalt  }
0x54: {  	_ =	shalt  }
0x55: {  	_ =	shalt  }
0x56: {  	_ =	shalt  }
0x57: {  	_ =	shalt  }
0x58: {  	_ =	shalt  }
0x59: {  	_ =	shalt  }
0x5a: {  	_ =	shalt  }
0x5b: {  	_ =	shalt  }
0x5c: {  	_ =	shalt  }
0x5d: {  	_ =	shalt  }
0x5e: {  	_ =	shalt  }
0x5f: {  	_ =	shalt  }
0x60: {  	_ =	shalt  }
0x61: {  	_ =	shalt  }
0x62: {  	_ =	shalt  }
0x63: {  	_ =	shalt  }
0x64: {  	_ =	shalt  }
0x65: {  	_ =	shalt  }
0x66: {  	_ =	shalt  }
0x67: {  	_ =	shalt  }
0x68: {  	_ =	shalt  }
0x69: {  	_ =	shalt  }
0x6a: {  	_ =	shalt  }
0x6b: {  	_ =	shalt  }
0x6c: {  	_ =	shalt  }
0x6d: {  	_ =	shalt  }
0x6e: {  	_ =	shalt  }
0x6f: {  	_ =	shalt  }
0x70: {  	_ =	shalt  }
0x71: {  	_ =	shalt  }
0x72: {  	_ =	shalt  }
0x73: {  	_ =	shalt  }
0x74: {  	_ =	shalt  }
0x75: {  	_ =	shalt  }
0x76: {  	_ =	shalt  }
0x77: {  	_ =	shalt  }
0x78: {  	_ =	shalt  }
0x79: {  	_ =	shalt  }
0x7a: {  	_ =	shalt  }
0x7b: {  	_ =	shalt  }
0x7c: {  	_ =	shalt  }
0x7d: {  	_ =	shalt  }
0x7e: {  	_ =	shalt  }
0x7f: {  	_ =	shalt  }
0x80: {  	_ =	shalt  }
0x81: {  	_ =	shalt  }
0x82: {  	_ =	shalt  }
0x83: {  	_ =	shalt  }
0x84: {  	_ =	shalt  }
0x85: {  	_ =	shalt  }
0x86: {  	_ =	shalt  }
0x87: {  	_ =	shalt  }
.Lfunc_end0:
.L_simem_size_0:
called_computation_lowered:
.L_overlay_start_0:
0x88: {  	s2 =	sld [smem:$0x3FD9]  }
0x89: {  	s3 =	sld [smem:$0x3FFE];
	_ =	sdelay $0x1  }
0x8a: {  	s1 =	srdreg.scid  }
0x8b: {  	s0 =	sand.u32 $0x1, s1  }
0x8c: {  	s17 =	sshll.u32 s0, $0xA;
	s2 =	sadd.s32 s3, s2  }
0x8d: {  	s2 =	sadd.s32 s2, s17  }
0x8e: {  	[smem:$0x3FC2] =	sst s2  }
0x8f: {  	_ = 	snop  }
0x90: {  	s2 =	sld [smem:$0x3FD0];
	(tm) =	ssettm $0x1  }
0x91: {  	s18 =	sld [smem:$0x3FFB];
	_ =	sdelay $0x3  }
0x92: {  	_ =	strace s18  }
0x93: {  	s3 =	sld [smem:$0x3FFC];
	_ =	sdelay $0x3  }
0x94: {  	_ =	strace s3  }
0x95: {  	s3 =	sld [smem:$0x3FFD];
	_ =	sdelay $0x3  }
0x96: {  	_ =	strace s3  }
0x97: {  	_ =	strace $0x8FFFFFFF  }
0x98: {  	s19 =	sld [smem:$0x3FDB];
	_ =	sdelay $0x1  }
0x99: {  	s4 =	simm.s32 $_scs_section_size  }
0x9a: {  	s5 =	simm.s32 $_size__tile_overlayer_lowered;
	s6 =	simm.s32 $_tile_overlayer_lowered  }
0x9b: {  	s22 =	simm.s32 $0x1BFF;
	s21 =	sshll.u32 s6, $0x1;
	s3 =	sadd.s32 s4, s19  }
0x9c: {  	s7 =	simm.s32 $0x0;
	s20 =	sshll.u32 s5, $0x1;
	s5 =	sadd.s32 s21, s3  }
0x9d: {  	[timem:s7], [sflag:s22] =	dma.local [hbm:s5], s20  }
0x9e: {  	_ =	swait.ge [sflag:s22], s20  }
0x9f: {  	s4 =	ssub.s32 $0x0, s20;
	[sflag:s22] =	ssyncset.done $0x0  }
0xa0: {  	[sflag:s22] =	ssyncadd.s32 s4;
	_ =	sdelay $0x1  }
0xa1: {  	s23 =	simm.s32 $0x1B8B  }
0xa2: {  	_ =	swait.ge [sflag:s23], $0x1  }
0xa3: {  	[sflag:s23] =	ssyncset.done $0x0  }
0xa4: {  	s25 =	simm.s32 $0x1B8E;
	s24 =	sld [smem:$0x3FFE];
	[sflag:s23] =	ssyncadd.s32 $0xFFFFFFFF  }
0xa5: {  	s26 =	simm.s32 $execute0_lowered;
	[smem:$0x3FD2] =	sst s25  }
0xa6: {  	s5 =	sshll.u32 s26, $0x1;
	_ =	strace $0x80000046;
	[dreg:$0x1] =	wrdreg $0xFFFFFFFF  }
0xa7: {  	s28 =	simm.s32 $_size_execute0_lowered;
	s3 =	sadd.s32 s3, s5;
	[dreg:$0x0] =	wrdreg $0x0  }
0xa8: {  	s5 =	sshll.u32 s28, $0x1;
	[dreg:$0x2] =	wrdreg s3  }
0xa9: {  	[dreg:$0x3] =	wrdreg s5  }
0xaa: {  	[dreg:$0x4] =	wrdreg $0xC0  }
0xab: {  	_ =	task [dreg:s7], $0x5FFFF  }
0xac: {  	[dreg:$0x1] =	wrdreg $0xFFFFFFFF  }
0xad: {  	[dreg:$0x0] =	wrdreg $0x60  }
0xae: {  	[dreg:$0x2] =	wrdreg s2  }
0xaf: {  	[dreg:$0x3] =	wrdreg s24  }
0xb0: {  	[dreg:$0x4] =	wrdreg $0x84C00  }
0xb1: {  	[dreg:$0x5] =	wrdreg $0x9  }
0xb2: {  	_ =	task.clear_ibuf [dreg:s7], $0x6FFFF;
	_ =	strace $0x90000046  }
0xb3: {  	s29 =	simm.s32 $0x9;
	_ =	strace $0x80000048  }
0xb4: {  	_ =	swait.ge [sflag:s29], $0x1  }
0xb5: {  	[sflag:s29] =	ssyncadd.s32 $0xFFFFFFFF  }
0xb6: {  	_ =	strace $0x90000048  }
0xb7: {  	_ =	sfence  }
0xb8: {  	s30 =	sld [smem:$0x0];
	_ =	sdelay $0x2  }
0xb9: {  	s31 =	sshll.u32 s1, $0xD;
	s1 =	sshrl.u32 s1, $0x2  }
0xba: {  	s3 =	sand.u32 $0x4000, s31;
	s1 =	sadd.s32 s1, s30  }
0xbb: {  	s0 =	sor.u32 s3, s0;
	s1 =	sshll.u32 s1, $0x11  }
0xbc: {  	s0 =	sor.u32 s1, s0  }
0xbd: {  	s0 =	sadd.s32 $0x8F2B, s0  }
0xbe: {  	[sflag:s0] =	ssyncadd.remote.s32 $0x1  }
0xbf: {  	_ =	sfence.sel $0xFFFF  }
0xc0: {  	[dreg:$0x0] =	wrdreg $0xFFFFFFFF;
	(pc) =	sbr.abs _section_cstart, $3  }
0xc1: {  	[dreg:$0x1] =	wrdreg $0xFFFFFFFF  }
0xc2: {  	_ =	task.clear_ibuf [dreg:s7], $0x2FFFF;
	_ =	strace $0x9FFFFFFF  }
0xc3: {  	(tm) =	ssettm $0x7FFFFFFF  }
tec
execute0_lowered:
.L_overlay_start_1:
0x0: {  	(tag) =	ssettag $0x1  }
0x1: {  	s8 =	rddreg [dreg:$0x0]  }
0x2: {  	s1 =	srdreg.scid;
	s6 =	rddreg [dreg:$0x1]  }
0x3: {  	s0 =	stileid.u32;
	s2 =	rddreg [dreg:$0x2]  }
0x4: {  	s3 =	simm.s32 $0x0;
	s16 =	simm.s32 $0x33C0;
	s17 =	simm.s32 $0x31B0  }
0x5: {  	s18 =	simm.s32 $0x4EC0;
	s20 =	simm.s32 $0x32A0;
	s19 =	simm.s32 $0x1  }
0x6: {  	s21 =	simm.s32 $0x32D0;
	s22 =	simm.s32 $0x3300;
	s9 =	smul.u32 $0x15F90, s0  }
0x7: {  	s23 =	simm.s32 $0x3330;
	s24 =	simm.s32 $0x3360;
	s25 =	smul.u32 $0x1D40, s0  }
0x8: {  	s11 =	sand.u32 $0x1, s1;
	[smem:$0x7FF] =	sst s3;
	s13 =	smul.u32 $0x630, s0  }
0x9: {  	s31 =	sshll.u32 s0, $0x6;
	_ =	strace $0x80000047;
	[dreg:$0x7] =	wrdreg s20  }
0xa: {  	s4 =	smul.u32 $0x15F900, s11;
	s12 =	ssub.s32 $0x2, s11;
	[dreg:$0x8] =	wrdreg s21  }
0xb: {  	p0 =	seq.s32 s11, $0x0;
	s20 =	simm.s32 $0x2;
	[dreg:$0x9] =	wrdreg s22  }
0xc: {  	s21 =	simm.s32 $0x4;
	s22 =	simm.s32 $0x3;
	[dreg:$0xa] =	wrdreg s23  }
0xd: {  	s23 =	simm.s32 $0x69C0;
	[dreg:$0xb] =	wrdreg s24;
	s24 =	simm.s32 $0x5  }
0xe: {  	s14 =	sshrl.u32 s12, $0x1;
	s26 =	sadd.s32 s9, s2;
	s5 =	sadd.s32 s9, s4  }
0xf: {  	s4 =	sadd.s32 $0x400, s6;
	s12 =	ssub.s32 s12, s14;
	s7 =	sshrl.u32 s5, $0x3  }
0x10: {  	s14 =	simm.s32 $0x30;
	s5 =	sadd.s32 $0x2C600, s6;
	s10 =	sadd.s32 s7, s6  }
0x11: {  	s6 =	simm.s32 $0x108;
	s7 =	sshrl.u32 s25, $0x3;
	s25 =	simm.s32 $0x3390  }
0x12: {  	s6 =	simm.s32 @!p0 $0x9C;
	s7 =	sadd.s32 s8, s7;
	s8 =	sadd.s32 s8, s13  }
0x13: {  	s9 =	sadd.s32 $0x2F200, s10;
	s10 =	smax.u32 s12, $0x1;
	s15 =	smul.u32 $0x2AAB, s6  }
0x14: {  	p0 =	sne.s32 s11, $0x0;
	s11 =	sor.u32 $0x1C07, s31;
	s12 =	sshrl.u32 s26, $0x3  }
0x15: {  	[dreg:$0xc] =	wrdreg s25;
	s29 =	sadd.s32 $0xFFFFFFFE, s6;
	s28 =	sshrl.u32 s15, $0x10  }
0x16: {  	s30 =	sadd.s32 $0xFFFFFFFD, s6;
	[dreg:$0x4] =	wrdreg s29;
	s15 =	smul.u32 $0x6, s28  }
0x17: {  	s13 =	simm.s32 $0x7;
	s25 =	simm.s32 $0x6;
	[dreg:$0x5] =	wrdreg s30  }
0x18: {  	s7 =	sadd.s32 $0x6300, s7;
	[dreg:$0x6] =	wrdreg s15;
	s15 =	simm.s32 $0x3180  }
.LBB2_1:
0x19: {  	s26 =	simm.s32 @p0 $0x0  }
0x1a: {  	[tilespmem:s26], [sflag:$0x7] =	stream.linear.gather @p0 [hbm4b:s7+s26], $0x1D40, $0x38;
	[tilespmem:$0x1E450] =	vst v63  }
0x1b: {  	s26 =	simm.s32 @p0 $0x7  }
0x1c: {  	_ =	swait.ge @p0 [sflag:s26], $0x1D40  }
0x1d: {  	[sflag:s26] =	ssyncset.done @p0 $0x0  }
0x1e: {  	[sflag:s26] =	ssyncadd.s32 @p0 $0xFFFFE2C0;
	s26 =	simm.s32 @!p0 $0x0  }
0x1f: {  	[tilespmem:s26], [sflag:$0x7] =	stream.linear.gather @!p0 [hbm4b:s8+s26], $0x3180, $0x38;
	[tilespmem:$0x1E450] =	vst v63  }
0x20: {  	s26 =	simm.s32 @!p0 $0x7  }
0x21: {  	_ =	swait.ge @!p0 [sflag:s26], $0x3180  }
0x22: {  	[sflag:s26] =	ssyncset.done @!p0 $0x0  }
0x23: {  	[sflag:s26] =	ssyncadd.s32 @!p0 $0xFFFFCE80  }
0x24: {  	[spmem:s12], [sflag:s11] =	dma.local [hbm:s5], $0x2BF2  }
0x25: {  	_ =	swait.ge [sflag:s13], $0x2BF2  }
0x26: {  	[sflag:s13] =	ssyncset.done $0x0  }
0x27: {  	[sflag:s13] =	ssyncadd.s32 $0xFFFFD40E  }
0x28: {  	[bflag:$0x0] =	sbarrier.arrive $0xFFFF  }
0x29: {  	v0 =	vld [tilespmem:$0x0];
	_ =	sdelay $0x1  }
0x2a: {  	v1 =	vld [tilespmem:$0x10];
	_ =	sdelay $0x1  }
0x2b: {  	v2 =	vld [tilespmem:$0x20]  }
0x2c: {  	v3 =	vand.u32 $0xFFFF, v0  }
0x2d: {  	v0 =	vshrl.u32 v0, $0x10;
	[tilespmem:$0x3180] =	vst v3  }
0x2e: {  	v35 =	vand.u32 $0xFFFF, v1;
	[tilespmem:$0x32A0] =	vst v0  }
0x2f: {  	v36 =	vshrl.u32 v1, $0x10;
	[tilespmem:$0x3190] =	vst v35  }
0x30: {  	v37 =	vand.u32 $0xFFFF, v2;
	[tilespmem:$0x32B0] =	vst v36  }
0x31: {  	v38 =	vshrl.u32 v2, $0x10;
	[tilespmem:$0x31A0] =	vst v37  }
0x32: {  	[tilespmem:$0x32C0] =	vst v38  }
0x33: {  	[tilespmem:s16], [sflag:$0x1] =	stream.indirect.gather [hbm4b:s4+s14], $0x90, s15, s14, $0xb8;
	[tilespmem:$0x1E450] =	vst v63  }
0x34: {  	v39 =	vld [tilespmem:$0x30];
	_ =	sdelay $0x1  }
0x35: {  	v40 =	vld [tilespmem:$0x40];
	_ =	sdelay $0x1  }
0x36: {  	v41 =	vld [tilespmem:$0x50]  }
0x37: {  	v42 =	vand.u32 $0xFFFF, v39  }
0x38: {  	v0 =	vshrl.u32 v39, $0x10;
	[tilespmem:$0x31B0] =	vst v42  }
0x39: {  	v43 =	vand.u32 $0xFFFF, v40;
	[tilespmem:$0x32D0] =	vst v0  }
0x3a: {  	v44 =	vshrl.u32 v40, $0x10;
	[tilespmem:$0x31C0] =	vst v43  }
0x3b: {  	v45 =	vand.u32 $0xFFFF, v41;
	[tilespmem:$0x32E0] =	vst v44  }
0x3c: {  	v46 =	vshrl.u32 v41, $0x10;
	[tilespmem:$0x31D0] =	vst v45  }
0x3d: {  	[tilespmem:$0x32F0] =	vst v46  }
0x3e: {  	[tilespmem:s18], [sflag:$0x2] =	stream.indirect.gather [hbm4b:s4+s14], $0x90, s17, s14, $0xb8;
	[tilespmem:$0x1E450] =	vst v63  }
0x3f: {  	v47 =	vld [tilespmem:$0x60];
	_ =	sdelay $0x1  }
0x40: {  	v48 =	vld [tilespmem:$0x70];
	_ =	sdelay $0x1  }
0x41: {  	v49 =	vld [tilespmem:$0x80]  }
0x42: {  	v50 =	vand.u32 $0xFFFF, v47  }
0x43: {  	v51 =	vld [tilespmem:$0x90];
	v0 =	vshrl.u32 v47, $0x10;
	[tilespmem:$0x31E0] =	vst v50  }
0x44: {  	v52 =	vand.u32 $0xFFFF, v48;
	[tilespmem:$0x3300] =	vst v0  }
0x45: {  	v54 =	vld [tilespmem:$0xA0];
	v53 =	vshrl.u32 v48, $0x10;
	[tilespmem:$0x31F0] =	vst v52  }
0x46: {  	v55 =	vand.u32 $0xFFFF, v49;
	[tilespmem:$0x3310] =	vst v53  }
0x47: {  	v57 =	vld [tilespmem:$0xB0];
	v56 =	vshrl.u32 v49, $0x10;
	[tilespmem:$0x3200] =	vst v55  }
0x48: {  	v58 =	vand.u32 $0xFFFF, v51;
	[tilespmem:$0x3320] =	vst v56  }
0x49: {  	v59 =	vshrl.u32 v51, $0x10;
	[tilespmem:$0x3210] =	vst v58  }
0x4a: {  	v60 =	vand.u32 $0xFFFF, v54;
	[tilespmem:$0x3330] =	vst v59  }
0x4b: {  	v61 =	vshrl.u32 v54, $0x10;
	[tilespmem:$0x3220] =	vst v60  }
0x4c: {  	v62 =	vand.u32 $0xFFFF, v57;
	[tilespmem:$0x3340] =	vst v61  }
0x4d: {  	v63 =	vshrl.u32 v57, $0x10;
	[tilespmem:$0x3230] =	vst v62  }
0x4e: {  	s28 =	simm.s32 $0x0;
	s26 =	simm.s32 $0xF0;
	[tilespmem:$0x3350] =	vst v63  }
.LBB2_2:
0x4f: {  	s29 =	sadd.s32 $0x4, s28  }
0x50: {  	p1 =	sge.u32 s29, s6  }
0x51: {  	v0 =	vld @!p1 [tilespmem:s26+$0xFFFFFFD0];
	_ =	sdelay $0x4  }
0x52: {  	v1 =	vand.u32 @!p1 $0xFFFF, v0  }
0x53: {  	v0 =	vshrl.u32 @!p1 v0, $0x10;
	[tilespmem:$0x3240] =	vst @!p1 v1  }
0x54: {  	[tilespmem:$0x3360] =	vst @!p1 v0  }
0x55: {  	v0 =	vld @!p1 [tilespmem:s26+$0xFFFFFFE0];
	_ =	sdelay $0x4  }
0x56: {  	v1 =	vand.u32 @!p1 $0xFFFF, v0  }
0x57: {  	v0 =	vshrl.u32 @!p1 v0, $0x10;
	[tilespmem:$0x3250] =	vst @!p1 v1  }
0x58: {  	[tilespmem:$0x3370] =	vst @!p1 v0  }
0x59: {  	v0 =	vld @!p1 [tilespmem:s26+$0xFFFFFFF0];
	_ =	sdelay $0x4  }
0x5a: {  	v1 =	vand.u32 @!p1 $0xFFFF, v0  }
0x5b: {  	v0 =	vshrl.u32 @!p1 v0, $0x10;
	[tilespmem:$0x3260] =	vst @!p1 v1  }
0x5c: {  	[tilespmem:$0x3380] =	vst @!p1 v0  }
0x5d: {  	_ =	swait.ge [sflag:s19], $0x1B00  }
0x5e: {  	p2 =	seq.s32 s28, $0x0;
	[sflag:s19] =	ssyncset.done $0x0  }
0x5f: {  	s29 =	simm.s32 @!p2 $0x6;
	s31 =	rddreg [dreg:$0x7];
	[sflag:s19] =	ssyncadd.s32 $0xFFFFE500  }
0x60: {  	[spmem:s2] =	stream.indirect.scatter.add.f32 [tilespmem:s16], [sflag:$0x4], $0x90, s31, s14, $0xb8;
	[tilespmem:$0x1E450] =	vst v63  }
0x61: {  	_ =	swait.ge @!p2 [sflag:s29], $0x1B00  }
0x62: {  	s30 =	rddreg [dreg:$0x4];
	[sflag:s29] =	ssyncset.done @!p2 $0x0  }
0x63: {  	s1 =	sadd.s32 $0x5, s28;
	[sflag:s29] =	ssyncadd.s32 @!p2 $0xFFFFE500;
	p2 =	sge.u32 s28, s30  }
0x64: {  	s29 =	simm.s32 @!p2 $0x30;
	s30 =	simm.s32 @!p2 $0x31E0;
	s31 =	simm.s32 @!p2 $0x69C0  }
0x65: {  	[tilespmem:s31], [sflag:$0x3] =	stream.indirect.gather @!p2 [hbm4b:s4+s29], $0x90, s30, s29, $0xb8;
	[tilespmem:$0x1E450] =	vst v63  }
0x66: {  	p2 =	sge.u32 s1, s6  }
0x67: {  	v0 =	vld @!p2 [tilespmem:s26+$0x0];
	_ =	sdelay $0x4  }
0x68: {  	v1 =	vand.u32 @!p2 $0xFFFF, v0  }
0x69: {  	v0 =	vshrl.u32 @!p2 v0, $0x10;
	[tilespmem:$0x3270] =	vst @!p2 v1  }
0x6a: {  	[tilespmem:$0x3390] =	vst @!p2 v0  }
0x6b: {  	v0 =	vld @!p2 [tilespmem:s26+$0x10];
	_ =	sdelay $0x4  }
0x6c: {  	v1 =	vand.u32 @!p2 $0xFFFF, v0  }
0x6d: {  	v0 =	vshrl.u32 @!p2 v0, $0x10;
	[tilespmem:$0x3280] =	vst @!p2 v1  }
0x6e: {  	[tilespmem:$0x33A0] =	vst @!p2 v0  }
0x6f: {  	v0 =	vld @!p2 [tilespmem:s26+$0x20];
	_ =	sdelay $0x4  }
0x70: {  	v1 =	vand.u32 @!p2 $0xFFFF, v0  }
0x71: {  	v0 =	vshrl.u32 @!p2 v0, $0x10;
	[tilespmem:$0x3290] =	vst @!p2 v1  }
0x72: {  	[tilespmem:$0x33B0] =	vst @!p2 v0  }
0x73: {  	_ =	swait.ge [sflag:s20], $0x1B00  }
0x74: {  	[sflag:s20] =	ssyncset.done $0x0  }
0x75: {  	s30 =	rddreg [dreg:$0x8];
	[sflag:s20] =	ssyncadd.s32 $0xFFFFE500  }
0x76: {  	[spmem:s2] =	stream.indirect.scatter.add.f32 [tilespmem:s18], [sflag:$0x5], $0x90, s30, s14, $0xb8;
	[tilespmem:$0x1E450] =	vst v63  }
0x77: {  	_ =	swait.ge [sflag:s21], $0x1B00  }
0x78: {  	s31 =	rddreg [dreg:$0x5];
	[sflag:s21] =	ssyncset.done $0x0  }
0x79: {  	[sflag:s21] =	ssyncadd.s32 $0xFFFFE500;
	p3 =	sge.u32 s28, s31  }
0x7a: {  	s29 =	simm.s32 @!p3 $0x30;
	s30 =	simm.s32 @!p3 $0x3210;
	s31 =	simm.s32 @!p3 $0x33C0  }
0x7b: {  	[tilespmem:s31], [sflag:$0x1] =	stream.indirect.gather @!p3 [hbm4b:s4+s29], $0x90, s30, s29, $0xb8;
	[tilespmem:$0x1E450] =	vst v63  }
0x7c: {  	s29 =	sadd.s32 $0x6, s28  }
0x7d: {  	p3 =	sge.u32 s29, s6  }
0x7e: {  	v0 =	vld @!p3 [tilespmem:s26+$0x30];
	_ =	sdelay $0x4  }
0x7f: {  	v1 =	vand.u32 @!p3 $0xFFFF, v0  }
0x80: {  	v0 =	vshrl.u32 @!p3 v0, $0x10;
	[tilespmem:$0x3180] =	vst @!p3 v1  }
0x81: {  	[tilespmem:$0x32A0] =	vst @!p3 v0  }
0x82: {  	v0 =	vld @!p3 [tilespmem:s26+$0x40];
	_ =	sdelay $0x4  }
0x83: {  	v1 =	vand.u32 @!p3 $0xFFFF, v0  }
0x84: {  	v0 =	vshrl.u32 @!p3 v0, $0x10;
	[tilespmem:$0x3190] =	vst @!p3 v1  }
0x85: {  	[tilespmem:$0x32B0] =	vst @!p3 v0  }
0x86: {  	v0 =	vld @!p3 [tilespmem:s26+$0x50];
	_ =	sdelay $0x4  }
0x87: {  	v1 =	vand.u32 @!p3 $0xFFFF, v0  }
0x88: {  	v0 =	vshrl.u32 @!p3 v0, $0x10;
	[tilespmem:$0x31A0] =	vst @!p3 v1  }
0x89: {  	[tilespmem:$0x32C0] =	vst @!p3 v0  }
0x8a: {  	_ =	swait.ge [sflag:s22], $0x1B00  }
0x8b: {  	[sflag:s22] =	ssyncset.done $0x0  }
0x8c: {  	s1 =	rddreg [dreg:$0x9];
	[sflag:s22] =	ssyncadd.s32 $0xFFFFE500  }
0x8d: {  	[spmem:s2] =	stream.indirect.scatter.add.f32 [tilespmem:s23], [sflag:$0x6], $0x90, s1, s14, $0xb8;
	[tilespmem:$0x1E450] =	vst v63  }
0x8e: {  	_ =	swait.ge [sflag:s24], $0x1B00  }
0x8f: {  	s30 =	simm.s32 @!p1 $0x30;
	[sflag:s24] =	ssyncset.done $0x0  }
0x90: {  	s31 =	simm.s32 @!p1 $0x3240;
	s1 =	simm.s32 @!p1 $0x4EC0;
	[sflag:s24] =	ssyncadd.s32 $0xFFFFE500  }
0x91: {  	[tilespmem:s1], [sflag:$0x2] =	stream.indirect.gather @!p1 [hbm4b:s4+s30], $0x90, s31, s30, $0xb8;
	[tilespmem:$0x1E450] =	vst v63  }
0x92: {  	s30 =	sadd.s32 $0x7, s28  }
0x93: {  	p1 =	sge.u32 s30, s6  }
0x94: {  	v0 =	vld @!p1 [tilespmem:s26+$0x60];
	_ =	sdelay $0x4  }
0x95: {  	v1 =	vand.u32 @!p1 $0xFFFF, v0  }
0x96: {  	v0 =	vshrl.u32 @!p1 v0, $0x10;
	[tilespmem:$0x31B0] =	vst @!p1 v1  }
0x97: {  	[tilespmem:$0x32D0] =	vst @!p1 v0  }
0x98: {  	v0 =	vld @!p1 [tilespmem:s26+$0x70];
	_ =	sdelay $0x4  }
0x99: {  	v1 =	vand.u32 @!p1 $0xFFFF, v0  }
0x9a: {  	v0 =	vshrl.u32 @!p1 v0, $0x10;
	[tilespmem:$0x31C0] =	vst @!p1 v1  }
0x9b: {  	[tilespmem:$0x32E0] =	vst @!p1 v0  }
0x9c: {  	v0 =	vld @!p1 [tilespmem:s26+$0x80];
	_ =	sdelay $0x4  }
0x9d: {  	v1 =	vand.u32 @!p1 $0xFFFF, v0  }
0x9e: {  	v0 =	vshrl.u32 @!p1 v0, $0x10;
	[tilespmem:$0x31D0] =	vst @!p1 v1  }
0x9f: {  	[tilespmem:$0x32F0] =	vst @!p1 v0  }
0xa0: {  	_ =	swait.ge [sflag:s19], $0x1B00  }
0xa1: {  	[sflag:s19] =	ssyncset.done $0x0  }
0xa2: {  	s31 =	rddreg [dreg:$0xa];
	[sflag:s19] =	ssyncadd.s32 $0xFFFFE500  }
0xa3: {  	[spmem:s2] =	stream.indirect.scatter.add.f32 [tilespmem:s16], [sflag:$0x4], $0x90, s31, s14, $0xb8;
	[tilespmem:$0x1E450] =	vst v63  }
0xa4: {  	_ =	swait.ge [sflag:s25], $0x1B00  }
0xa5: {  	s1 =	simm.s32 @!p2 $0x30;
	[sflag:s25] =	ssyncset.done $0x0  }
0xa6: {  	s30 =	simm.s32 @!p2 $0x3270;
	s31 =	simm.s32 @!p2 $0x69C0;
	[sflag:s25] =	ssyncadd.s32 $0xFFFFE500  }
0xa7: {  	[tilespmem:s31], [sflag:$0x3] =	stream.indirect.gather @!p2 [hbm4b:s4+s1], $0x90, s30, s1, $0xb8;
	[tilespmem:$0x1E450] =	vst v63  }
0xa8: {  	s30 =	sadd.s32 $0x8, s28  }
0xa9: {  	p2 =	sge.u32 s30, s6  }
0xaa: {  	v0 =	vld @!p2 [tilespmem:s26+$0x90];
	_ =	sdelay $0x4  }
0xab: {  	v1 =	vand.u32 @!p2 $0xFFFF, v0  }
0xac: {  	v0 =	vshrl.u32 @!p2 v0, $0x10;
	[tilespmem:$0x31E0] =	vst @!p2 v1  }
0xad: {  	[tilespmem:$0x3300] =	vst @!p2 v0  }
0xae: {  	v0 =	vld @!p2 [tilespmem:s26+$0xA0];
	_ =	sdelay $0x4  }
0xaf: {  	v1 =	vand.u32 @!p2 $0xFFFF, v0  }
0xb0: {  	v0 =	vshrl.u32 @!p2 v0, $0x10;
	[tilespmem:$0x31F0] =	vst @!p2 v1  }
0xb1: {  	[tilespmem:$0x3310] =	vst @!p2 v0  }
0xb2: {  	v0 =	vld @!p2 [tilespmem:s26+$0xB0];
	_ =	sdelay $0x4  }
0xb3: {  	v1 =	vand.u32 @!p2 $0xFFFF, v0  }
0xb4: {  	v0 =	vshrl.u32 @!p2 v0, $0x10;
	[tilespmem:$0x3200] =	vst @!p2 v1  }
0xb5: {  	[tilespmem:$0x3320] =	vst @!p2 v0  }
0xb6: {  	_ =	swait.ge [sflag:s20], $0x1B00  }
0xb7: {  	[sflag:s20] =	ssyncset.done $0x0  }
0xb8: {  	s31 =	rddreg [dreg:$0xb];
	[sflag:s20] =	ssyncadd.s32 $0xFFFFE500  }
0xb9: {  	[spmem:s2] =	stream.indirect.scatter.add.f32 [tilespmem:s18], [sflag:$0x5], $0x90, s31, s14, $0xb8;
	[tilespmem:$0x1E450] =	vst v63  }
0xba: {  	_ =	swait.ge [sflag:s21], $0x1B00  }
0xbb: {  	s1 =	simm.s32 @!p3 $0x30;
	[sflag:s21] =	ssyncset.done $0x0  }
0xbc: {  	s30 =	simm.s32 @!p3 $0x3180;
	s31 =	simm.s32 @!p3 $0x33C0;
	[sflag:s21] =	ssyncadd.s32 $0xFFFFE500  }
0xbd: {  	[tilespmem:s31], [sflag:$0x1] =	stream.indirect.gather @!p3 [hbm4b:s4+s1], $0x90, s30, s1, $0xb8;
	[tilespmem:$0x1E450] =	vst v63  }
0xbe: {  	s30 =	sadd.s32 $0x9, s28  }
0xbf: {  	p2 =	sge.u32 s30, s6  }
0xc0: {  	v0 =	vld @!p2 [tilespmem:s26+$0xC0];
	_ =	sdelay $0x4  }
0xc1: {  	v1 =	vand.u32 @!p2 $0xFFFF, v0  }
0xc2: {  	v0 =	vshrl.u32 @!p2 v0, $0x10;
	[tilespmem:$0x3210] =	vst @!p2 v1  }
0xc3: {  	[tilespmem:$0x3330] =	vst @!p2 v0  }
0xc4: {  	v0 =	vld @!p2 [tilespmem:s26+$0xD0];
	_ =	sdelay $0x4  }
0xc5: {  	v1 =	vand.u32 @!p2 $0xFFFF, v0  }
0xc6: {  	v0 =	vshrl.u32 @!p2 v0, $0x10;
	[tilespmem:$0x3220] =	vst @!p2 v1  }
0xc7: {  	[tilespmem:$0x3340] =	vst @!p2 v0  }
0xc8: {  	v0 =	vld @!p2 [tilespmem:s26+$0xE0];
	_ =	sdelay $0x4  }
0xc9: {  	v1 =	vand.u32 @!p2 $0xFFFF, v0  }
0xca: {  	v0 =	vshrl.u32 @!p2 v0, $0x10;
	[tilespmem:$0x3230] =	vst @!p2 v1  }
0xcb: {  	[tilespmem:$0x3350] =	vst @!p2 v0  }
0xcc: {  	_ =	swait.ge [sflag:s22], $0x1B00  }
0xcd: {  	[sflag:s22] =	ssyncset.done $0x0  }
0xce: {  	s31 =	rddreg [dreg:$0xc];
	[sflag:s22] =	ssyncadd.s32 $0xFFFFE500  }
0xcf: {  	[spmem:s2] =	stream.indirect.scatter.add.f32 [tilespmem:s23], [sflag:$0x6], $0x90, s31, s14, $0xb8;
	[tilespmem:$0x1E450] =	vst v63  }
0xd0: {  	_ =	swait.ge [sflag:s24], $0x1B00  }
0xd1: {  	s28 =	simm.s32 @!p1 $0x30;
	s30 =	simm.s32 @!p1 $0x31B0;
	[sflag:s24] =	ssyncset.done $0x0  }
0xd2: {  	s31 =	simm.s32 @!p1 $0x4EC0;
	s1 =	rddreg [dreg:$0x6];
	[sflag:s24] =	ssyncadd.s32 $0xFFFFE500  }
0xd3: {  	[tilespmem:s31], [sflag:$0x2] =	stream.indirect.gather @!p1 [hbm4b:s4+s28], $0x90, s30, s28, $0xb8;
	[tilespmem:$0x1E450] =	vst v63  }
0xd4: {  	p1 =	sne.s32 s1, s29  }
.Ltmp0:
0xd5: {  	_ = 	snop;
	(pc) =	sbr.rel @p1 .LBB2_2-.Ltmp0, $2  }
0xd6: {  	_ =	sdelay $0x2  }
0xd7: {  	s26 =	sadd.s32 $0x120, s26;
	s28 =	smov.u32 s29  }
0xd8: {  	_ =	swait.ge [sflag:s25], $0x1B00  }
0xd9: {  	s3 =	sadd.s32 $0x1, s3;
	[sflag:s25] =	ssyncset.done $0x0  }
0xda: {  	p1 =	sne.s32 s3, s10;
	[sflag:s25] =	ssyncadd.s32 $0xFFFFE500  }
.Ltmp1:
0xdb: {  	[bflag:$0x0] =	sbarrier.arrive $0xFFFF;
	(pc) =	sbr.rel @p1 .LBB2_1-.Ltmp1, $4  }
0xdc: {  	[hbm:s9], [sflag:s11] =	dma.local [spmem:s12], $0x2BF2  }
0xdd: {  	_ =	swait.ge [sflag:s13], $0x2BF2  }
0xde: {  	[sflag:s13] =	ssyncset.done $0x0  }
0xdf: {  	[sflag:s13] =	ssyncadd.s32 $0xFFFFD40E  }
0xe0: {  	_ =	sfence.sel $0x180000  }
0xe1: {  	[bflag:$0x0] =	sbarrier.arrive $0xFFFF  }
0xe2: {  	_ =	strace $0x90000047  }
0xe3: {  	[bflag:$0x2] =	sbarrier.arrive $0xFFFF  }
0xe4: {  	p0 =	sne.s32 s0, $0x0;
	s0 =	rddreg [dreg:$0x3]  }
0xe5: {  	s0 =	sadd.s32 @!p0 $0x100000, s0  }
0xe6: {  	[sflag:s0] =	ssyncadd.tile.s32 @!p0 $0x1;
	_ =	shalt  }
.Lfunc_end2:
_tile_overlayer_lowered:
.L_overlay_start_2:
0xe7: {  	(tag) =	ssettag $0x2  }
0xe8: {  	s0 =	rddreg [dreg:$0x0];
	s2 =	stileid.u32  }
0xe9: {  	s1 =	rddreg [dreg:$0x1];
	p0 =	sne.s32 s2, $0x0  }
0xea: {  	s3 =	rddreg [dreg:$0x2];
	[bflag:$0x3] =	sbarrier.arrive $0xFFFF;
	s2 =	simm.s32 @!p0 $0x1C07  }
0xeb: {  	[timem:s3], [sflag:s2] =	dma.local @!p0 [hbm:s0], s1  }
0xec: {  	s0 =	simm.s32 @!p0 $0x7  }
0xed: {  	_ =	swait.ge @!p0 [sflag:s0], s1  }
0xee: {  	s1 =	ssub.s32 @!p0 $0x0, s1;
	[sflag:s0] =	ssyncset.done @!p0 $0x0  }
0xef: {  	[sflag:s0] =	ssyncadd.s32 @!p0 s1  }
0xf0: {  	[bflag:$0x3] =	sbarrier.arrive $0xFFFF  }
0xf1: {  	_ =	shalt  }

</sc_bundles>
